<compile_context>
chip_gen: v7x
topology: tpu7x:2x2x1
jax: 0.10.2.dev20260603
libtpu: 0.0.44.dev20260713+nightly
codegen_flags: <defaults>
</compile_context>

<pallas_src>
import functools

import jax
import jax.numpy as jnp
from jax import lax
from jax.experimental import pallas as pl
from jax.experimental.pallas import tpu as pltpu
from jax.experimental.pallas import tpu_sc as plsc


def _emb_sum_call(table_0, table_1, ids0, ids1):
    H = table_0.shape[1]
    N = ids0.shape[0]
    info = plsc.get_sparse_core_info()
    ncores, nsub, nlanes = info.num_cores, info.num_subcores, info.num_lanes
    NW = ncores * nsub
    NPW = N // NW
    C = nlanes
    NCH = NPW // C
    NBUF = 2
    HV = H // nlanes

    mesh = plsc.VectorSubcoreMesh(core_axis_name="c", subcore_axis_name="s")

    @functools.partial(
        pl.kernel,
        mesh=mesh,
        out_type=jax.ShapeDtypeStruct((N, H), jnp.float32),
        scratch_types=[
            pltpu.VMEM((NPW,), jnp.int32),
            pltpu.VMEM((NPW,), jnp.int32),
            pltpu.VMEM((NBUF, C, H), jnp.float32),
            pltpu.VMEM((NBUF, C, H), jnp.float32),
            pltpu.VMEM((NBUF, C, H), jnp.float32),
            pltpu.SemaphoreType.DMA,
            pltpu.SemaphoreType.DMA,
            pltpu.SemaphoreType.DMA,
            pltpu.SemaphoreType.DMA,
            pltpu.SemaphoreType.DMA,
            pltpu.SemaphoreType.DMA,
        ],
    )
    def emb(t0, t1, i0, i1, out, idx0_v, idx1_v, buf_a, buf_b, obuf,
            sem_a0, sem_a1, sem_b0, sem_b1, sem_s0, sem_s1):
        sems_a = (sem_a0, sem_a1)
        sems_b = (sem_b0, sem_b1)
        sems_s = (sem_s0, sem_s1)
        wid = lax.axis_index("s") * ncores + lax.axis_index("c")
        base = wid * NPW
        pltpu.sync_copy(i0.at[pl.ds(base, NPW)], idx0_v)
        pltpu.sync_copy(i1.at[pl.ds(base, NPW)], idx1_v)

        def issue_gathers(i, b):
            iv0 = idx0_v[pl.ds(i * C, C)]
            iv1 = idx1_v[pl.ds(i * C, C)]
            pltpu.async_copy(t0.at[iv0], buf_a.at[b], sems_a[b])
            pltpu.async_copy(t1.at[iv1], buf_b.at[b], sems_b[b])

        for b in range(NBUF):
            issue_gathers(b, b)

        def outer(it, carry):
            g = it * NBUF
            for b in range(NBUF):
                i = g + b
                pltpu.make_async_copy(
                    t0.at[pl.ds(0, C)], buf_a.at[b], sems_a[b]).wait()
                pltpu.make_async_copy(
                    t1.at[pl.ds(0, C)], buf_b.at[b], sems_b[b]).wait()

                @pl.when(i >= NBUF)
                def _():
                    pltpu.make_async_copy(
                        obuf.at[b], out.at[pl.ds(0, C)], sems_s[b]).wait()

                def addrow(r, c2):
                    for cc in range(HV):
                        sl = pl.ds(cc * nlanes, nlanes)
                        obuf[b, r, sl] = buf_a[b, r, sl] + buf_b[b, r, sl]
                    return c2
                lax.fori_loop(0, C, addrow, 0)

                @pl.when(i + NBUF < NCH)
                def _():
                    issue_gathers(i + NBUF, b)

                pltpu.async_copy(
                    obuf.at[b], out.at[pl.ds(base + i * C, C)], sems_s[b])
            return carry

        lax.fori_loop(0, NCH // NBUF, outer, 0)

        for b in range(NBUF):
            pltpu.make_async_copy(
                obuf.at[b], out.at[pl.ds(0, C)], sems_s[b]).wait()

    return emb(table_0, table_1, ids0, ids1)


def _pos_att_call(rel, typ, invf2, att_table):
    N = rel.shape[0]
    T, Hh = att_table.shape
    R = 512
    G = N // R

    def body(rel_ref, typ_ref, invf_ref, tab_ref, out_ref):
        relv = rel_ref[...].astype(jnp.float32)
        x = relv[:, None] / invf_ref[...][None, :]
        col = lax.broadcasted_iota(jnp.int32, (R, Hh), 1)
        pe = jnp.where(col < Hh // 2, jnp.sin(x), jnp.cos(x))
        typ2 = typ_ref[...][:, None]
        acc = pe
        for t in range(T):
            row = tab_ref[t, :][None, :]
            acc = acc + jnp.where(typ2 == t, row, 0.0)
        out_ref[...] = acc

    return pl.pallas_call(
        body,
        grid=(G,),
        in_specs=[
            pl.BlockSpec((R,), lambda i: (i,)),
            pl.BlockSpec((R,), lambda i: (i,)),
            pl.BlockSpec((Hh,), lambda i: (0,)),
            pl.BlockSpec((T, Hh), lambda i: (0, 0)),
        ],
        out_specs=pl.BlockSpec((R, Hh), lambda i: (i, 0)),
        out_shape=jax.ShapeDtypeStruct((N, Hh), jnp.float32),
    )(rel, typ, invf2, att_table)


def kernel(input_ids_0, input_ids_1, attention_type_ids,
           relative_position_ids, table_0, table_1, attn_type_table,
           inverse_freqs):
    B, L = input_ids_0.shape
    H = table_0.shape[1]
    Hh = attn_type_table.shape[1]
    out1 = _emb_sum_call(
        table_0, table_1,
        input_ids_0.reshape(-1), input_ids_1.reshape(-1)).reshape(B, L, H)
    invf2 = jnp.concatenate([inverse_freqs, inverse_freqs])
    out2 = _pos_att_call(
        relative_position_ids.reshape(-1), attention_type_ids.reshape(-1),
        invf2, attn_type_table).reshape(B, L, Hh)
    return (out1, out2)

# --- scband reference (transcript-rebuilt; emitter-appended) ---
"""Pipeline reference for scband-mo-tembeddings-58832462020711 (READ-ONLY COPY).

The authoritative reference and input builder live on the scoring server;
editing this copy changes nothing except your own understanding.
"""

import jax, jax.numpy as jnp
import numpy as np

B, L = 1024, 50
VOCAB0, VOCAB1 = 100000, 100000
HIDDEN = 768
NUM_HEADS = 12
HEAD_DIM = HIDDEN // NUM_HEADS  # 64
NUM_ATT_TYPES = 8
POS_SCALE = 100.0
INIT_RANGE = 0.02


def setup_inputs(seed: int = 0) -> dict:
    key = jax.random.key(seed)
    ks = jax.random.split(key, 8)
    inp = {}
    inp["input_ids_0"] = jax.random.randint(ks[0], (B, L), 0, VOCAB0, dtype=jnp.int32)
    inp["input_ids_1"] = jax.random.randint(ks[1], (B, L), 0, VOCAB1, dtype=jnp.int32)
    inp["attention_type_ids"] = jax.random.randint(ks[2], (B, L), 0, NUM_ATT_TYPES, dtype=jnp.int32)
    inp["relative_position_ids"] = jax.random.randint(ks[3], (B, L), 0, 50, dtype=jnp.int32)
    inp["table_0"] = jax.random.normal(ks[4], (VOCAB0, HIDDEN), dtype=jnp.float32) * INIT_RANGE
    inp["table_1"] = jax.random.normal(ks[5], (VOCAB1, HIDDEN), dtype=jnp.float32) * INIT_RANGE
    inp["attn_type_table"] = jax.random.normal(ks[6], (NUM_ATT_TYPES, HEAD_DIM), dtype=jnp.float32) * INIT_RANGE
    inp["inverse_freqs"] = (POS_SCALE ** (jnp.arange(0, HEAD_DIM, 2, dtype=jnp.float32) / HEAD_DIM)).astype(jnp.float32)
    return inp


def reference(input_ids_0, input_ids_1, attention_type_ids, relative_position_ids, table_0, table_1, attn_type_table, inverse_freqs):
    # sum of multiple input embedding lookups (dropout is identity in eval / p=0.0)
    input_embeddings = jnp.take(table_0, input_ids_0, axis=0) + jnp.take(table_1, input_ids_1, axis=0)
    # sinusoidal positional encoding on relative positions
    x = relative_position_ids[..., None].astype(jnp.float32) / inverse_freqs
    position_embeddings = jnp.concatenate((jnp.sin(x), jnp.cos(x)), axis=-1).astype(inverse_freqs.dtype)
    # attention-type embedding lookup
    attention_types = jnp.take(attn_type_table, attention_type_ids, axis=0)
    relative_attentions = position_embeddings + attention_types
    return (input_embeddings, relative_attentions)

if __name__ == "__main__":
    import jax
    _d = setup_inputs()
    print(jax.jit(kernel)(*tuple(_d.values())))

</pallas_src>

<mosaic_0001>
#map = affine_map<(d0, d1) -> (0, 0)>
#map1 = affine_map<(d0, d1) -> (0)>
module attributes {stable_mosaic.version = 14 : i64} {
  func.func @emb(%arg0: i32, %arg1: i32, %arg2: memref<100000x768xf32, #tpu.memory_space<hbm>>, %arg3: memref<100000x768xf32, #tpu.memory_space<hbm>>, %arg4: memref<51200xi32, #tpu.memory_space<hbm>>, %arg5: memref<51200xi32, #tpu.memory_space<hbm>>, %arg6: memref<51200x768xf32, #tpu.memory_space<hbm>>, %arg7: memref<1600xi32, #tpu.memory_space<vmem>>, %arg8: memref<1600xi32, #tpu.memory_space<vmem>>, %arg9: memref<2x16x768xf32, #tpu.memory_space<vmem>>, %arg10: memref<2x16x768xf32, #tpu.memory_space<vmem>>, %arg11: memref<2x16x768xf32, #tpu.memory_space<vmem>>, %arg12: memref<!tpu.dma_semaphore, #tpu.memory_space<semaphore_mem>>, %arg13: memref<!tpu.dma_semaphore, #tpu.memory_space<semaphore_mem>>, %arg14: memref<!tpu.dma_semaphore, #tpu.memory_space<semaphore_mem>>, %arg15: memref<!tpu.dma_semaphore, #tpu.memory_space<semaphore_mem>>, %arg16: memref<!tpu.dma_semaphore, #tpu.memory_space<semaphore_mem>>, %arg17: memref<!tpu.dma_semaphore, #tpu.memory_space<semaphore_mem>>) attributes {dimension_semantics = [#tpu.dimension_semantics<core_parallel>, #tpu.dimension_semantics<subcore_parallel>], iteration_bounds = array<i64: 2, 16>, scalar_prefetch = 0 : i64, scratch_operands = 11 : i64, tpu.core_type = #tpu.core_type<sc_vector_subcore>, window_params = [{transform_indices = #map}, {transform_indices = #map}, {transform_indices = #map1}, {transform_indices = #map1}, {transform_indices = #map}]} {
    %mul3A = arith.constant 2 : i32
    %mul3A_0 = arith.muli %arg1, %mul3A : i32
    %add3A = arith.addi %mul3A_0, %arg0 : i32
    %mul3A_1 = arith.constant 1600 : i32
    %mul3A_2 = arith.muli %add3A, %mul3A_1 : i32
    "tpu.region"() ({
      %run_scoped3A = tpu.sem_alloc : memref<!tpu.dma_semaphore, #tpu.memory_space<semaphore_mem>>
      %dma_start3A_79 = tpu.memref_slice %arg4[%mul3A_2] : memref<51200xi32, #tpu.memory_space<hbm>> -> memref<1600xi32, #tpu.memory_space<hbm>>
      %dma_start3A_80 = tpu.memref_slice %arg4[%mul3A_2] : memref<51200xi32, #tpu.memory_space<hbm>> -> memref<1600xi32, #tpu.memory_space<hbm>>
      tpu.enqueue_dma source(%dma_start3A_80 : memref<1600xi32, #tpu.memory_space<hbm>>) target(%arg7 : memref<1600xi32, #tpu.memory_space<vmem>>) target_semaphore(%run_scoped3A : memref<!tpu.dma_semaphore, #tpu.memory_space<semaphore_mem>>)
      %dma_wait3A_81 = tpu.memref_slice %arg4[%mul3A_2] : memref<51200xi32, #tpu.memory_space<hbm>> -> memref<1600xi32, #tpu.memory_space<hbm>>
      %dma_wait3A_82 = tpu.memref_slice %arg4[%mul3A_2] : memref<51200xi32, #tpu.memory_space<hbm>> -> memref<1600xi32, #tpu.memory_space<hbm>>
      tpu.wait_dma2 semaphore(%run_scoped3A : memref<!tpu.dma_semaphore, #tpu.memory_space<semaphore_mem>>) src(%dma_wait3A_82 : memref<1600xi32, #tpu.memory_space<hbm>>) dst(%arg7 : memref<1600xi32, #tpu.memory_space<vmem>>)
      tpu.yield
    }) : () -> ()
    "tpu.region"() ({
      %run_scoped3A = tpu.sem_alloc : memref<!tpu.dma_semaphore, #tpu.memory_space<semaphore_mem>>
      %dma_start3A_79 = tpu.memref_slice %arg5[%mul3A_2] : memref<51200xi32, #tpu.memory_space<hbm>> -> memref<1600xi32, #tpu.memory_space<hbm>>
      %dma_start3A_80 = tpu.memref_slice %arg5[%mul3A_2] : memref<51200xi32, #tpu.memory_space<hbm>> -> memref<1600xi32, #tpu.memory_space<hbm>>
      tpu.enqueue_dma source(%dma_start3A_80 : memref<1600xi32, #tpu.memory_space<hbm>>) target(%arg8 : memref<1600xi32, #tpu.memory_space<vmem>>) target_semaphore(%run_scoped3A : memref<!tpu.dma_semaphore, #tpu.memory_space<semaphore_mem>>)
      %dma_wait3A_81 = tpu.memref_slice %arg5[%mul3A_2] : memref<51200xi32, #tpu.memory_space<hbm>> -> memref<1600xi32, #tpu.memory_space<hbm>>
      %dma_wait3A_82 = tpu.memref_slice %arg5[%mul3A_2] : memref<51200xi32, #tpu.memory_space<hbm>> -> memref<1600xi32, #tpu.memory_space<hbm>>
      tpu.wait_dma2 semaphore(%run_scoped3A : memref<!tpu.dma_semaphore, #tpu.memory_space<semaphore_mem>>) src(%dma_wait3A_82 : memref<1600xi32, #tpu.memory_space<hbm>>) dst(%arg8 : memref<1600xi32, #tpu.memory_space<vmem>>)
      tpu.yield
    }) : () -> ()
    %get3A = arith.constant 0 : index
    %get3A_3 = tpu.vector_load %arg7[%get3A] {strides = array<i32>} : memref<1600xi32, #tpu.memory_space<vmem>>, vector<16xi32>,
    %get3A_4 = vector.shape_cast %get3A_3 : vector<16xi32> to vector<16xi32>
    %get3A_5 = arith.constant 0 : index
    %get3A_6 = tpu.vector_load %arg8[%get3A_5] {strides = array<i32>} : memref<1600xi32, #tpu.memory_space<vmem>>, vector<16xi32>,
    %get3A_7 = vector.shape_cast %get3A_6 : vector<16xi32> to vector<16xi32>
    %dma_start3A = arith.constant 0 : i32
    %dma_start3A_8 = arith.constant 0 : i32
    %dma_start3A_9 = arith.constant 0 : i32
    %dma_start3A_10 = tpu.memref_slice %arg9[%dma_start3A, %dma_start3A_8, %dma_start3A_9] : memref<2x16x768xf32, #tpu.memory_space<vmem>> -> memref<1x16x768xf32, #tpu.memory_space<vmem>>
    %dma_start3A_11 = tpu.memref_squeeze %dma_start3A_10 : memref<1x16x768xf32, #tpu.memory_space<vmem>> -> memref<16x768xf32, #tpu.memory_space<vmem>>
    %dma_start3A_12 = arith.constant 0 : i32
    %dma_start3A_13 = arith.constant 0 : i32
    %dma_start3A_14 = tpu.memref_slice %arg2[%dma_start3A_12, %dma_start3A_13] : memref<100000x768xf32, #tpu.memory_space<hbm>> -> memref<100000x768xf32, #tpu.memory_space<hbm>>
    tpu.enqueue_indirect_dma source(%dma_start3A_14 : memref<100000x768xf32, #tpu.memory_space<hbm>>) target(%dma_start3A_11 : memref<16x768xf32, #tpu.memory_space<vmem>>) offsets(%get3A_4 : vector<16xi32>) semaphore(%arg12 : memref<!tpu.dma_semaphore, #tpu.memory_space<semaphore_mem>>)
    %dma_start3A_15 = arith.constant 0 : i32
    %dma_start3A_16 = arith.constant 0 : i32
    %dma_start3A_17 = arith.constant 0 : i32
    %dma_start3A_18 = tpu.memref_slice %arg10[%dma_start3A_15, %dma_start3A_16, %dma_start3A_17] : memref<2x16x768xf32, #tpu.memory_space<vmem>> -> memref<1x16x768xf32, #tpu.memory_space<vmem>>
    %dma_start3A_19 = tpu.memref_squeeze %dma_start3A_18 : memref<1x16x768xf32, #tpu.memory_space<vmem>> -> memref<16x768xf32, #tpu.memory_space<vmem>>
    %dma_start3A_20 = arith.constant 0 : i32
    %dma_start3A_21 = arith.constant 0 : i32
    %dma_start3A_22 = tpu.memref_slice %arg3[%dma_start3A_20, %dma_start3A_21] : memref<100000x768xf32, #tpu.memory_space<hbm>> -> memref<100000x768xf32, #tpu.memory_space<hbm>>
    tpu.enqueue_indirect_dma source(%dma_start3A_22 : memref<100000x768xf32, #tpu.memory_space<hbm>>) target(%dma_start3A_19 : memref<16x768xf32, #tpu.memory_space<vmem>>) offsets(%get3A_7 : vector<16xi32>) semaphore(%arg14 : memref<!tpu.dma_semaphore, #tpu.memory_space<semaphore_mem>>)
    %get3A_23 = arith.constant 16 : index
    %get3A_24 = tpu.vector_load %arg7[%get3A_23] {strides = array<i32>} : memref<1600xi32, #tpu.memory_space<vmem>>, vector<16xi32>,
    %get3A_25 = vector.shape_cast %get3A_24 : vector<16xi32> to vector<16xi32>
    %get3A_26 = arith.constant 16 : index
    %get3A_27 = tpu.vector_load %arg8[%get3A_26] {strides = array<i32>} : memref<1600xi32, #tpu.memory_space<vmem>>, vector<16xi32>,
    %get3A_28 = vector.shape_cast %get3A_27 : vector<16xi32> to vector<16xi32>
    %dma_start3A_29 = arith.constant 1 : i32
    %dma_start3A_30 = arith.constant 0 : i32
    %dma_start3A_31 = arith.constant 0 : i32
    %dma_start3A_32 = tpu.memref_slice %arg9[%dma_start3A_29, %dma_start3A_30, %dma_start3A_31] : memref<2x16x768xf32, #tpu.memory_space<vmem>> -> memref<1x16x768xf32, #tpu.memory_space<vmem>>
    %dma_start3A_33 = tpu.memref_squeeze %dma_start3A_32 : memref<1x16x768xf32, #tpu.memory_space<vmem>> -> memref<16x768xf32, #tpu.memory_space<vmem>>
    %dma_start3A_34 = arith.constant 0 : i32
    %dma_start3A_35 = arith.constant 0 : i32
    %dma_start3A_36 = tpu.memref_slice %arg2[%dma_start3A_34, %dma_start3A_35] : memref<100000x768xf32, #tpu.memory_space<hbm>> -> memref<100000x768xf32, #tpu.memory_space<hbm>>
    tpu.enqueue_indirect_dma source(%dma_start3A_36 : memref<100000x768xf32, #tpu.memory_space<hbm>>) target(%dma_start3A_33 : memref<16x768xf32, #tpu.memory_space<vmem>>) offsets(%get3A_25 : vector<16xi32>) semaphore(%arg13 : memref<!tpu.dma_semaphore, #tpu.memory_space<semaphore_mem>>)
    %dma_start3A_37 = arith.constant 1 : i32
    %dma_start3A_38 = arith.constant 0 : i32
    %dma_start3A_39 = arith.constant 0 : i32
    %dma_start3A_40 = tpu.memref_slice %arg10[%dma_start3A_37, %dma_start3A_38, %dma_start3A_39] : memref<2x16x768xf32, #tpu.memory_space<vmem>> -> memref<1x16x768xf32, #tpu.memory_space<vmem>>
    %dma_start3A_41 = tpu.memref_squeeze %dma_start3A_40 : memref<1x16x768xf32, #tpu.memory_space<vmem>> -> memref<16x768xf32, #tpu.memory_space<vmem>>
    %dma_start3A_42 = arith.constant 0 : i32
    %dma_start3A_43 = arith.constant 0 : i32
    %dma_start3A_44 = tpu.memref_slice %arg3[%dma_start3A_42, %dma_start3A_43] : memref<100000x768xf32, #tpu.memory_space<hbm>> -> memref<100000x768xf32, #tpu.memory_space<hbm>>
    tpu.enqueue_indirect_dma source(%dma_start3A_44 : memref<100000x768xf32, #tpu.memory_space<hbm>>) target(%dma_start3A_41 : memref<16x768xf32, #tpu.memory_space<vmem>>) offsets(%get3A_28 : vector<16xi32>) semaphore(%arg15 : memref<!tpu.dma_semaphore, #tpu.memory_space<semaphore_mem>>)
    %scan3A = arith.constant 0 : i32
    %scan3A_45 = arith.constant 0 : i32
    %scan3A_46 = arith.constant 50 : i32
    %scan3A_47 = arith.addi %scan3A_45, %scan3A_46 : i32
    %scan3A_48 = arith.constant 1 : i32
    scf.for %scan3A_79 = %scan3A_45 to %scan3A_47 step %scan3A_48  : i32 {
      %mul3A_80 = arith.constant 2 : i32
      %mul3A_81 = arith.muli %scan3A_79, %mul3A_80 : i32
      %add3A_82 = arith.constant 0 : i32
      %add3A_83 = arith.addi %mul3A_81, %add3A_82 : i32
      %dma_wait3A_84 = arith.constant 0 : i32
      %dma_wait3A_85 = arith.constant 0 : i32
      %dma_wait3A_86 = arith.constant 0 : i32
      %dma_wait3A_87 = tpu.memref_slice %arg9[%dma_wait3A_84, %dma_wait3A_85, %dma_wait3A_86] : memref<2x16x768xf32, #tpu.memory_space<vmem>> -> memref<1x16x768xf32, #tpu.memory_space<vmem>>
      %dma_wait3A_88 = tpu.memref_squeeze %dma_wait3A_87 : memref<1x16x768xf32, #tpu.memory_space<vmem>> -> memref<16x768xf32, #tpu.memory_space<vmem>>
      %dma_wait3A_89 = arith.constant 0 : i32
      %dma_wait3A_90 = arith.constant 0 : i32
      %dma_wait3A_91 = tpu.memref_slice %arg2[%dma_wait3A_89, %dma_wait3A_90] : memref<100000x768xf32, #tpu.memory_space<hbm>> -> memref<16x768xf32, #tpu.memory_space<hbm>>
      %dma_wait3A_92 = arith.constant 0 : i32
      %dma_wait3A_93 = arith.constant 0 : i32
      %dma_wait3A_94 = tpu.memref_slice %arg9[%dma_wait3A_84, %dma_wait3A_92, %dma_wait3A_93] : memref<2x16x768xf32, #tpu.memory_space<vmem>> -> memref<1x16x768xf32, #tpu.memory_space<vmem>>
      %dma_wait3A_95 = tpu.memref_squeeze %dma_wait3A_94 : memref<1x16x768xf32, #tpu.memory_space<vmem>> -> memref<16x768xf32, #tpu.memory_space<vmem>>
      %dma_wait3A_96 = arith.constant 0 : i32
      %dma_wait3A_97 = arith.constant 0 : i32
      %dma_wait3A_98 = tpu.memref_slice %arg2[%dma_wait3A_96, %dma_wait3A_97] : memref<100000x768xf32, #tpu.memory_space<hbm>> -> memref<16x768xf32, #tpu.memory_space<hbm>>
      tpu.wait_dma2 semaphore(%arg12 : memref<!tpu.dma_semaphore, #tpu.memory_space<semaphore_mem>>) src(%dma_wait3A_98 : memref<16x768xf32, #tpu.memory_space<hbm>>) dst(%dma_wait3A_95 : memref<16x768xf32, #tpu.memory_space<vmem>>)
      %dma_wait3A_99 = arith.constant 0 : i32
      %dma_wait3A_100 = arith.constant 0 : i32
      %dma_wait3A_101 = arith.constant 0 : i32
      %dma_wait3A_102 = tpu.memref_slice %arg10[%dma_wait3A_99, %dma_wait3A_100, %dma_wait3A_101] : memref<2x16x768xf32, #tpu.memory_space<vmem>> -> memref<1x16x768xf32, #tpu.memory_space<vmem>>
      %dma_wait3A_103 = tpu.memref_squeeze %dma_wait3A_102 : memref<1x16x768xf32, #tpu.memory_space<vmem>> -> memref<16x768xf32, #tpu.memory_space<vmem>>
      %dma_wait3A_104 = arith.constant 0 : i32
      %dma_wait3A_105 = arith.constant 0 : i32
      %dma_wait3A_106 = tpu.memref_slice %arg3[%dma_wait3A_104, %dma_wait3A_105] : memref<100000x768xf32, #tpu.memory_space<hbm>> -> memref<16x768xf32, #tpu.memory_space<hbm>>
      %dma_wait3A_107 = arith.constant 0 : i32
      %dma_wait3A_108 = arith.constant 0 : i32
      %dma_wait3A_109 = tpu.memref_slice %arg10[%dma_wait3A_99, %dma_wait3A_107, %dma_wait3A_108] : memref<2x16x768xf32, #tpu.memory_space<vmem>> -> memref<1x16x768xf32, #tpu.memory_space<vmem>>
      %dma_wait3A_110 = tpu.memref_squeeze %dma_wait3A_109 : memref<1x16x768xf32, #tpu.memory_space<vmem>> -> memref<16x768xf32, #tpu.memory_space<vmem>>
      %dma_wait3A_111 = arith.constant 0 : i32
      %dma_wait3A_112 = arith.constant 0 : i32
      %dma_wait3A_113 = tpu.memref_slice %arg3[%dma_wait3A_111, %dma_wait3A_112] : memref<100000x768xf32, #tpu.memory_space<hbm>> -> memref<16x768xf32, #tpu.memory_space<hbm>>
      tpu.wait_dma2 semaphore(%arg14 : memref<!tpu.dma_semaphore, #tpu.memory_space<semaphore_mem>>) src(%dma_wait3A_113 : memref<16x768xf32, #tpu.memory_space<hbm>>) dst(%dma_wait3A_110 : memref<16x768xf32, #tpu.memory_space<vmem>>)
      %ge3A = arith.constant 2 : i32
      %ge3A_114 = arith.cmpi sge, %add3A_83, %ge3A : i32
      %convert_element_type3A = arith.extui %ge3A_114 : i1 to i32
      %cond3A = arith.constant 0 : i32
      %cond3A_115 = arith.cmpi ne, %convert_element_type3A, %cond3A : i32
      scf.if %cond3A_115 {
        %dma_wait3A_210 = arith.constant 0 : i32
        %dma_wait3A_211 = arith.constant 0 : i32
        %dma_wait3A_212 = arith.constant 0 : i32
        %dma_wait3A_213 = tpu.memref_slice %arg11[%dma_wait3A_210, %dma_wait3A_211, %dma_wait3A_212] : memref<2x16x768xf32, #tpu.memory_space<vmem>> -> memref<1x16x768xf32, #tpu.memory_space<vmem>>
        %dma_wait3A_214 = tpu.memref_squeeze %dma_wait3A_213 : memref<1x16x768xf32, #tpu.memory_space<vmem>> -> memref<16x768xf32, #tpu.memory_space<vmem>>
        %dma_wait3A_215 = arith.constant 0 : i32
        %dma_wait3A_216 = arith.constant 0 : i32
        %dma_wait3A_217 = tpu.memref_slice %arg6[%dma_wait3A_215, %dma_wait3A_216] : memref<51200x768xf32, #tpu.memory_space<hbm>> -> memref<16x768xf32, #tpu.memory_space<hbm>>
        %dma_wait3A_218 = arith.constant 0 : i32
        %dma_wait3A_219 = arith.constant 0 : i32
        %dma_wait3A_220 = tpu.memref_slice %arg6[%dma_wait3A_218, %dma_wait3A_219] : memref<51200x768xf32, #tpu.memory_space<hbm>> -> memref<16x768xf32, #tpu.memory_space<hbm>>
        %dma_wait3A_221 = arith.constant 0 : i32
        %dma_wait3A_222 = arith.constant 0 : i32
        %dma_wait3A_223 = tpu.memref_slice %arg11[%dma_wait3A_210, %dma_wait3A_221, %dma_wait3A_222] : memref<2x16x768xf32, #tpu.memory_space<vmem>> -> memref<1x16x768xf32, #tpu.memory_space<vmem>>
        %dma_wait3A_224 = tpu.memref_squeeze %dma_wait3A_223 : memref<1x16x768xf32, #tpu.memory_space<vmem>> -> memref<16x768xf32, #tpu.memory_space<vmem>>
        tpu.wait_dma2 semaphore(%arg16 : memref<!tpu.dma_semaphore, #tpu.memory_space<semaphore_mem>>) src(%dma_wait3A_224 : memref<16x768xf32, #tpu.memory_space<vmem>>) dst(%dma_wait3A_220 : memref<16x768xf32, #tpu.memory_space<hbm>>)
      } else {
      }
      %scan3A_116 = arith.constant 0 : i32
      %scan3A_117 = arith.constant 0 : i32
      %scan3A_118 = arith.constant 16 : i32
      %scan3A_119 = arith.addi %scan3A_117, %scan3A_118 : i32
      %scan3A_120 = arith.constant 1 : i32
      scf.for %scan3A_210 = %scan3A_117 to %scan3A_119 step %scan3A_120  : i32 {
        %get3A_211 = arith.constant 0 : i32
        %get3A_212 = arith.index_cast %get3A_211 : i32 to index
        %get3A_213 = arith.index_cast %scan3A_210 : i32 to index
        %get3A_214 = arith.constant 0 : index
        %get3A_215 = tpu.vector_load %arg9[%get3A_212, %get3A_213, %get3A_214] {strides = array<i32>} : memref<2x16x768xf32, #tpu.memory_space<vmem>>, vector<1x1x16xf32>,
        %get3A_216 = vector.shape_cast %get3A_215 : vector<1x1x16xf32> to vector<16xf32>
        %get3A_217 = arith.constant 0 : i32
        %get3A_218 = arith.index_cast %get3A_217 : i32 to index
        %get3A_219 = arith.index_cast %scan3A_210 : i32 to index
        %get3A_220 = arith.constant 0 : index
        %get3A_221 = tpu.vector_load %arg10[%get3A_218, %get3A_219, %get3A_220] {strides = array<i32>} : memref<2x16x768xf32, #tpu.memory_space<vmem>>, vector<1x1x16xf32>,
        %get3A_222 = vector.shape_cast %get3A_221 : vector<1x1x16xf32> to vector<16xf32>
        %add3A_223 = arith.addf %get3A_216, %get3A_222 : vector<16xf32>
        %swap3A = arith.constant 0 : i32
        %swap3A_224 = arith.index_cast %swap3A : i32 to index
        %swap3A_225 = arith.index_cast %scan3A_210 : i32 to index
        %swap3A_226 = arith.constant 0 : index
        %swap3A_227 = tpu.vector_load %arg11[%swap3A_224, %swap3A_225, %swap3A_226] {strides = array<i32>} : memref<2x16x768xf32, #tpu.memory_space<vmem>>, vector<1x1x16xf32>,
        %swap3A_228 = vector.shape_cast %swap3A_227 : vector<1x1x16xf32> to vector<16xf32>
        %swap3A_229 = vector.shape_cast %add3A_223 : vector<16xf32> to vector<1x1x16xf32>
        tpu.vector_store %arg11[%swap3A_224, %swap3A_225, %swap3A_226], %swap3A_229 {strides = array<i32>} : memref<2x16x768xf32, #tpu.memory_space<vmem>>, vector<1x1x16xf32>,
        %get3A_230 = arith.constant 0 : i32
        %get3A_231 = arith.index_cast %get3A_230 : i32 to index
        %get3A_232 = arith.index_cast %scan3A_210 : i32 to index
        %get3A_233 = arith.constant 16 : index
        %get3A_234 = tpu.vector_load %arg9[%get3A_231, %get3A_232, %get3A_233] {strides = array<i32>} : memref<2x16x768xf32, #tpu.memory_space<vmem>>, vector<1x1x16xf32>,
        %get3A_235 = vector.shape_cast %get3A_234 : vector<1x1x16xf32> to vector<16xf32>
        %get3A_236 = arith.constant 0 : i32
        %get3A_237 = arith.index_cast %get3A_236 : i32 to index
        %get3A_238 = arith.index_cast %scan3A_210 : i32 to index
        %get3A_239 = arith.constant 16 : index
        %get3A_240 = tpu.vector_load %arg10[%get3A_237, %get3A_238, %get3A_239] {strides = array<i32>} : memref<2x16x768xf32, #tpu.memory_space<vmem>>, vector<1x1x16xf32>,
        %get3A_241 = vector.shape_cast %get3A_240 : vector<1x1x16xf32> to vector<16xf32>
        %add3A_242 = arith.addf %get3A_235, %get3A_241 : vector<16xf32>
        %swap3A_243 = arith.constant 0 : i32
        %swap3A_244 = arith.index_cast %swap3A_243 : i32 to index
        %swap3A_245 = arith.index_cast %scan3A_210 : i32 to index
        %swap3A_246 = arith.constant 16 : index
        %swap3A_247 = tpu.vector_load %arg11[%swap3A_244, %swap3A_245, %swap3A_246] {strides = array<i32>} : memref<2x16x768xf32, #tpu.memory_space<vmem>>, vector<1x1x16xf32>,
        %swap3A_248 = vector.shape_cast %swap3A_247 : vector<1x1x16xf32> to vector<16xf32>
        %swap3A_249 = vector.shape_cast %add3A_242 : vector<16xf32> to vector<1x1x16xf32>
        tpu.vector_store %arg11[%swap3A_244, %swap3A_245, %swap3A_246], %swap3A_249 {strides = array<i32>} : memref<2x16x768xf32, #tpu.memory_space<vmem>>, vector<1x1x16xf32>,
        %get3A_250 = arith.constant 0 : i32
        %get3A_251 = arith.index_cast %get3A_250 : i32 to index
        %get3A_252 = arith.index_cast %scan3A_210 : i32 to index
        %get3A_253 = arith.constant 32 : index
        %get3A_254 = tpu.vector_load %arg9[%get3A_251, %get3A_252, %get3A_253] {strides = array<i32>} : memref<2x16x768xf32, #tpu.memory_space<vmem>>, vector<1x1x16xf32>,
        %get3A_255 = vector.shape_cast %get3A_254 : vector<1x1x16xf32> to vector<16xf32>
        %get3A_256 = arith.constant 0 : i32
        %get3A_257 = arith.index_cast %get3A_256 : i32 to index
        %get3A_258 = arith.index_cast %scan3A_210 : i32 to index
        %get3A_259 = arith.constant 32 : index
        %get3A_260 = tpu.vector_load %arg10[%get3A_257, %get3A_258, %get3A_259] {strides = array<i32>} : memref<2x16x768xf32, #tpu.memory_space<vmem>>, vector<1x1x16xf32>,
        %get3A_261 = vector.shape_cast %get3A_260 : vector<1x1x16xf32> to vector<16xf32>
        %add3A_262 = arith.addf %get3A_255, %get3A_261 : vector<16xf32>
        %swap3A_263 = arith.constant 0 : i32
        %swap3A_264 = arith.index_cast %swap3A_263 : i32 to index
        %swap3A_265 = arith.index_cast %scan3A_210 : i32 to index
        %swap3A_266 = arith.constant 32 : index
        %swap3A_267 = tpu.vector_load %arg11[%swap3A_264, %swap3A_265, %swap3A_266] {strides = array<i32>} : memref<2x16x768xf32, #tpu.memory_space<vmem>>, vector<1x1x16xf32>,
        %swap3A_268 = vector.shape_cast %swap3A_267 : vector<1x1x16xf32> to vector<16xf32>
        %swap3A_269 = vector.shape_cast %add3A_262 : vector<16xf32> to vector<1x1x16xf32>
        tpu.vector_store %arg11[%swap3A_264, %swap3A_265, %swap3A_266], %swap3A_269 {strides = array<i32>} : memref<2x16x768xf32, #tpu.memory_space<vmem>>, vector<1x1x16xf32>,
        %get3A_270 = arith.constant 0 : i32
        %get3A_271 = arith.index_cast %get3A_270 : i32 to index
        %get3A_272 = arith.index_cast %scan3A_210 : i32 to index
        %get3A_273 = arith.constant 48 : index
        %get3A_274 = tpu.vector_load %arg9[%get3A_271, %get3A_272, %get3A_273] {strides = array<i32>} : memref<2x16x768xf32, #tpu.memory_space<vmem>>, vector<1x1x16xf32>,
        %get3A_275 = vector.shape_cast %get3A_274 : vector<1x1x16xf32> to vector<16xf32>
        %get3A_276 = arith.constant 0 : i32
        %get3A_277 = arith.index_cast %get3A_276 : i32 to index
        %get3A_278 = arith.index_cast %scan3A_210 : i32 to index
        %get3A_279 = arith.constant 48 : index
        %get3A_280 = tpu.vector_load %arg10[%get3A_277, %get3A_278, %get3A_279] {strides = array<i32>} : memref<2x16x768xf32, #tpu.memory_space<vmem>>, vector<1x1x16xf32>,
        %get3A_281 = vector.shape_cast %get3A_280 : vector<1x1x16xf32> to vector<16xf32>
        %add3A_282 = arith.addf %get3A_275, %get3A_281 : vector<16xf32>
        %swap3A_283 = arith.constant 0 : i32
        %swap3A_284 = arith.index_cast %swap3A_283 : i32 to index
        %swap3A_285 = arith.index_cast %scan3A_210 : i32 to index
        %swap3A_286 = arith.constant 48 : index
        %swap3A_287 = tpu.vector_load %arg11[%swap3A_284, %swap3A_285, %swap3A_286] {strides = array<i32>} : memref<2x16x768xf32, #tpu.memory_space<vmem>>, vector<1x1x16xf32>,
        %swap3A_288 = vector.shape_cast %swap3A_287 : vector<1x1x16xf32> to vector<16xf32>
        %swap3A_289 = vector.shape_cast %add3A_282 : vector<16xf32> to vector<1x1x16xf32>
        tpu.vector_store %arg11[%swap3A_284, %swap3A_285, %swap3A_286], %swap3A_289 {strides = array<i32>} : memref<2x16x768xf32, #tpu.memory_space<vmem>>, vector<1x1x16xf32>,
        %get3A_290 = arith.constant 0 : i32
        %get3A_291 = arith.index_cast %get3A_290 : i32 to index
        %get3A_292 = arith.index_cast %scan3A_210 : i32 to index
        %get3A_293 = arith.constant 64 : index
        %get3A_294 = tpu.vector_load %arg9[%get3A_291, %get3A_292, %get3A_293] {strides = array<i32>} : memref<2x16x768xf32, #tpu.memory_space<vmem>>, vector<1x1x16xf32>,
        %get3A_295 = vector.shape_cast %get3A_294 : vector<1x1x16xf32> to vector<16xf32>
        %get3A_296 = arith.constant 0 : i32
        %get3A_297 = arith.index_cast %get3A_296 : i32 to index
        %get3A_298 = arith.index_cast %scan3A_210 : i32 to index
        %get3A_299 = arith.constant 64 : index
        %get3A_300 = tpu.vector_load %arg10[%get3A_297, %get3A_298, %get3A_299] {strides = array<i32>} : memref<2x16x768xf32, #tpu.memory_space<vmem>>, vector<1x1x16xf32>,
        %get3A_301 = vector.shape_cast %get3A_300 : vector<1x1x16xf32> to vector<16xf32>
        %add3A_302 = arith.addf %get3A_295, %get3A_301 : vector<16xf32>
        %swap3A_303 = arith.constant 0 : i32
        %swap3A_304 = arith.index_cast %swap3A_303 : i32 to index
        %swap3A_305 = arith.index_cast %scan3A_210 : i32 to index
        %swap3A_306 = arith.constant 64 : index
        %swap3A_307 = tpu.vector_load %arg11[%swap3A_304, %swap3A_305, %swap3A_306] {strides = array<i32>} : memref<2x16x768xf32, #tpu.memory_space<vmem>>, vector<1x1x16xf32>,
        %swap3A_308 = vector.shape_cast %swap3A_307 : vector<1x1x16xf32> to vector<16xf32>
        %swap3A_309 = vector.shape_cast %add3A_302 : vector<16xf32> to vector<1x1x16xf32>
        tpu.vector_store %arg11[%swap3A_304, %swap3A_305, %swap3A_306], %swap3A_309 {strides = array<i32>} : memref<2x16x768xf32, #tpu.memory_space<vmem>>, vector<1x1x16xf32>,
        %get3A_310 = arith.constant 0 : i32
        %get3A_311 = arith.index_cast %get3A_310 : i32 to index
        %get3A_312 = arith.index_cast %scan3A_210 : i32 to index
        %get3A_313 = arith.constant 80 : index
        %get3A_314 = tpu.vector_load %arg9[%get3A_311, %get3A_312, %get3A_313] {strides = array<i32>} : memref<2x16x768xf32, #tpu.memory_space<vmem>>, vector<1x1x16xf32>,
        %get3A_315 = vector.shape_cast %get3A_314 : vector<1x1x16xf32> to vector<16xf32>
        %get3A_316 = arith.constant 0 : i32
        %get3A_317 = arith.index_cast %get3A_316 : i32 to index
        %get3A_318 = arith.index_cast %scan3A_210 : i32 to index
        %get3A_319 = arith.constant 80 : index
        %get3A_320 = tpu.vector_load %arg10[%get3A_317, %get3A_318, %get3A_319] {strides = array<i32>} : memref<2x16x768xf32, #tpu.memory_space<vmem>>, vector<1x1x16xf32>,
        %get3A_321 = vector.shape_cast %get3A_320 : vector<1x1x16xf32> to vector<16xf32>
        %add3A_322 = arith.addf %get3A_315, %get3A_321 : vector<16xf32>
        %swap3A_323 = arith.constant 0 : i32
        %swap3A_324 = arith.index_cast %swap3A_323 : i32 to index
        %swap3A_325 = arith.index_cast %scan3A_210 : i32 to index
        %swap3A_326 = arith.constant 80 : index
        %swap3A_327 = tpu.vector_load %arg11[%swap3A_324, %swap3A_325, %swap3A_326] {strides = array<i32>} : memref<2x16x768xf32, #tpu.memory_space<vmem>>, vector<1x1x16xf32>,
        %swap3A_328 = vector.shape_cast %swap3A_327 : vector<1x1x16xf32> to vector<16xf32>
        %swap3A_329 = vector.shape_cast %add3A_322 : vector<16xf32> to vector<1x1x16xf32>
        tpu.vector_store %arg11[%swap3A_324, %swap3A_325, %swap3A_326], %swap3A_329 {strides = array<i32>} : memref<2x16x768xf32, #tpu.memory_space<vmem>>, vector<1x1x16xf32>,
        %get3A_330 = arith.constant 0 : i32
        %get3A_331 = arith.index_cast %get3A_330 : i32 to index
        %get3A_332 = arith.index_cast %scan3A_210 : i32 to index
        %get3A_333 = arith.constant 96 : index
        %get3A_334 = tpu.vector_load %arg9[%get3A_331, %get3A_332, %get3A_333] {strides = array<i32>} : memref<2x16x768xf32, #tpu.memory_space<vmem>>, vector<1x1x16xf32>,
        %get3A_335 = vector.shape_cast %get3A_334 : vector<1x1x16xf32> to vector<16xf32>
        %get3A_336 = arith.constant 0 : i32
        %get3A_337 = arith.index_cast %get3A_336 : i32 to index
        %get3A_338 = arith.index_cast %scan3A_210 : i32 to index
        %get3A_339 = arith.constant 96 : index
        %get3A_340 = tpu.vector_load %arg10[%get3A_337, %get3A_338, %get3A_339] {strides = array<i32>} : memref<2x16x768xf32, #tpu.memory_space<vmem>>, vector<1x1x16xf32>,
        %get3A_341 = vector.shape_cast %get3A_340 : vector<1x1x16xf32> to vector<16xf32>
        %add3A_342 = arith.addf %get3A_335, %get3A_341 : vector<16xf32>
        %swap3A_343 = arith.constant 0 : i32
        %swap3A_344 = arith.index_cast %swap3A_343 : i32 to index
        %swap3A_345 = arith.index_cast %scan3A_210 : i32 to index
        %swap3A_346 = arith.constant 96 : index
        %swap3A_347 = tpu.vector_load %arg11[%swap3A_344, %swap3A_345, %swap3A_346] {strides = array<i32>} : memref<2x16x768xf32, #tpu.memory_space<vmem>>, vector<1x1x16xf32>,
        %swap3A_348 = vector.shape_cast %swap3A_347 : vector<1x1x16xf32> to vector<16xf32>
        %swap3A_349 = vector.shape_cast %add3A_342 : vector<16xf32> to vector<1x1x16xf32>
        tpu.vector_store %arg11[%swap3A_344, %swap3A_345, %swap3A_346], %swap3A_349 {strides = array<i32>} : memref<2x16x768xf32, #tpu.memory_space<vmem>>, vector<1x1x16xf32>,
        %get3A_350 = arith.constant 0 : i32
        %get3A_351 = arith.index_cast %get3A_350 : i32 to index
        %get3A_352 = arith.index_cast %scan3A_210 : i32 to index
        %get3A_353 = arith.constant 112 : index
        %get3A_354 = tpu.vector_load %arg9[%get3A_351, %get3A_352, %get3A_353] {strides = array<i32>} : memref<2x16x768xf32, #tpu.memory_space<vmem>>, vector<1x1x16xf32>,
        %get3A_355 = vector.shape_cast %get3A_354 : vector<1x1x16xf32> to vector<16xf32>
        %get3A_356 = arith.constant 0 : i32
        %get3A_357 = arith.index_cast %get3A_356 : i32 to index
        %get3A_358 = arith.index_cast %scan3A_210 : i32 to index
        %get3A_359 = arith.constant 112 : index
        %get3A_360 = tpu.vector_load %arg10[%get3A_357, %get3A_358, %get3A_359] {strides = array<i32>} : memref<2x16x768xf32, #tpu.memory_space<vmem>>, vector<1x1x16xf32>,
        %get3A_361 = vector.shape_cast %get3A_360 : vector<1x1x16xf32> to vector<16xf32>
        %add3A_362 = arith.addf %get3A_355, %get3A_361 : vector<16xf32>
        %swap3A_363 = arith.constant 0 : i32
        %swap3A_364 = arith.index_cast %swap3A_363 : i32 to index
        %swap3A_365 = arith.index_cast %scan3A_210 : i32 to index
        %swap3A_366 = arith.constant 112 : index
        %swap3A_367 = tpu.vector_load %arg11[%swap3A_364, %swap3A_365, %swap3A_366] {strides = array<i32>} : memref<2x16x768xf32, #tpu.memory_space<vmem>>, vector<1x1x16xf32>,
        %swap3A_368 = vector.shape_cast %swap3A_367 : vector<1x1x16xf32> to vector<16xf32>
        %swap3A_369 = vector.shape_cast %add3A_362 : vector<16xf32> to vector<1x1x16xf32>
        tpu.vector_store %arg11[%swap3A_364, %swap3A_365, %swap3A_366], %swap3A_369 {strides = array<i32>} : memref<2x16x768xf32, #tpu.memory_space<vmem>>, vector<1x1x16xf32>,
        %get3A_370 = arith.constant 0 : i32
        %get3A_371 = arith.index_cast %get3A_370 : i32 to index
        %get3A_372 = arith.index_cast %scan3A_210 : i32 to index
        %get3A_373 = arith.constant 128 : index
        %get3A_374 = tpu.vector_load %arg9[%get3A_371, %get3A_372, %get3A_373] {strides = array<i32>} : memref<2x16x768xf32, #tpu.memory_space<vmem>>, vector<1x1x16xf32>,
        %get3A_375 = vector.shape_cast %get3A_374 : vector<1x1x16xf32> to vector<16xf32>
        %get3A_376 = arith.constant 0 : i32
        %get3A_377 = arith.index_cast %get3A_376 : i32 to index
        %get3A_378 = arith.index_cast %scan3A_210 : i32 to index
        %get3A_379 = arith.constant 128 : index
        %get3A_380 = tpu.vector_load %arg10[%get3A_377, %get3A_378, %get3A_379] {strides = array<i32>} : memref<2x16x768xf32, #tpu.memory_space<vmem>>, vector<1x1x16xf32>,
        %get3A_381 = vector.shape_cast %get3A_380 : vector<1x1x16xf32> to vector<16xf32>
        %add3A_382 = arith.addf %get3A_375, %get3A_381 : vector<16xf32>
        %swap3A_383 = arith.constant 0 : i32
        %swap3A_384 = arith.index_cast %swap3A_383 : i32 to index
        %swap3A_385 = arith.index_cast %scan3A_210 : i32 to index
        %swap3A_386 = arith.constant 128 : index
        %swap3A_387 = tpu.vector_load %arg11[%swap3A_384, %swap3A_385, %swap3A_386] {strides = array<i32>} : memref<2x16x768xf32, #tpu.memory_space<vmem>>, vector<1x1x16xf32>,
        %swap3A_388 = vector.shape_cast %swap3A_387 : vector<1x1x16xf32> to vector<16xf32>
        %swap3A_389 = vector.shape_cast %add3A_382 : vector<16xf32> to vector<1x1x16xf32>
        tpu.vector_store %arg11[%swap3A_384, %swap3A_385, %swap3A_386], %swap3A_389 {strides = array<i32>} : memref<2x16x768xf32, #tpu.memory_space<vmem>>, vector<1x1x16xf32>,
        %get3A_390 = arith.constant 0 : i32
        %get3A_391 = arith.index_cast %get3A_390 : i32 to index
        %get3A_392 = arith.index_cast %scan3A_210 : i32 to index
        %get3A_393 = arith.constant 144 : index
        %get3A_394 = tpu.vector_load %arg9[%get3A_391, %get3A_392, %get3A_393] {strides = array<i32>} : memref<2x16x768xf32, #tpu.memory_space<vmem>>, vector<1x1x16xf32>,
        %get3A_395 = vector.shape_cast %get3A_394 : vector<1x1x16xf32> to vector<16xf32>
        %get3A_396 = arith.constant 0 : i32
        %get3A_397 = arith.index_cast %get3A_396 : i32 to index
        %get3A_398 = arith.index_cast %scan3A_210 : i32 to index
        %get3A_399 = arith.constant 144 : index
        %get3A_400 = tpu.vector_load %arg10[%get3A_397, %get3A_398, %get3A_399] {strides = array<i32>} : memref<2x16x768xf32, #tpu.memory_space<vmem>>, vector<1x1x16xf32>,
        %get3A_401 = vector.shape_cast %get3A_400 : vector<1x1x16xf32> to vector<16xf32>
        %add3A_402 = arith.addf %get3A_395, %get3A_401 : vector<16xf32>
        %swap3A_403 = arith.constant 0 : i32
        %swap3A_404 = arith.index_cast %swap3A_403 : i32 to index
        %swap3A_405 = arith.index_cast %scan3A_210 : i32 to index
        %swap3A_406 = arith.constant 144 : index
        %swap3A_407 = tpu.vector_load %arg11[%swap3A_404, %swap3A_405, %swap3A_406] {strides = array<i32>} : memref<2x16x768xf32, #tpu.memory_space<vmem>>, vector<1x1x16xf32>,
        %swap3A_408 = vector.shape_cast %swap3A_407 : vector<1x1x16xf32> to vector<16xf32>
        %swap3A_409 = vector.shape_cast %add3A_402 : vector<16xf32> to vector<1x1x16xf32>
        tpu.vector_store %arg11[%swap3A_404, %swap3A_405, %swap3A_406], %swap3A_409 {strides = array<i32>} : memref<2x16x768xf32, #tpu.memory_space<vmem>>, vector<1x1x16xf32>,
        %get3A_410 = arith.constant 0 : i32
        %get3A_411 = arith.index_cast %get3A_410 : i32 to index
        %get3A_412 = arith.index_cast %scan3A_210 : i32 to index
        %get3A_413 = arith.constant 160 : index
        %get3A_414 = tpu.vector_load %arg9[%get3A_411, %get3A_412, %get3A_413] {strides = array<i32>} : memref<2x16x768xf32, #tpu.memory_space<vmem>>, vector<1x1x16xf32>,
        %get3A_415 = vector.shape_cast %get3A_414 : vector<1x1x16xf32> to vector<16xf32>
        %get3A_416 = arith.constant 0 : i32
        %get3A_417 = arith.index_cast %get3A_416 : i32 to index
        %get3A_418 = arith.index_cast %scan3A_210 : i32 to index
        %get3A_419 = arith.constant 160 : index
        %get3A_420 = tpu.vector_load %arg10[%get3A_417, %get3A_418, %get3A_419] {strides = array<i32>} : memref<2x16x768xf32, #tpu.memory_space<vmem>>, vector<1x1x16xf32>,
        %get3A_421 = vector.shape_cast %get3A_420 : vector<1x1x16xf32> to vector<16xf32>
        %add3A_422 = arith.addf %get3A_415, %get3A_421 : vector<16xf32>
        %swap3A_423 = arith.constant 0 : i32
        %swap3A_424 = arith.index_cast %swap3A_423 : i32 to index
        %swap3A_425 = arith.index_cast %scan3A_210 : i32 to index
        %swap3A_426 = arith.constant 160 : index
        %swap3A_427 = tpu.vector_load %arg11[%swap3A_424, %swap3A_425, %swap3A_426] {strides = array<i32>} : memref<2x16x768xf32, #tpu.memory_space<vmem>>, vector<1x1x16xf32>,
        %swap3A_428 = vector.shape_cast %swap3A_427 : vector<1x1x16xf32> to vector<16xf32>
        %swap3A_429 = vector.shape_cast %add3A_422 : vector<16xf32> to vector<1x1x16xf32>
        tpu.vector_store %arg11[%swap3A_424, %swap3A_425, %swap3A_426], %swap3A_429 {strides = array<i32>} : memref<2x16x768xf32, #tpu.memory_space<vmem>>, vector<1x1x16xf32>,
        %get3A_430 = arith.constant 0 : i32
        %get3A_431 = arith.index_cast %get3A_430 : i32 to index
        %get3A_432 = arith.index_cast %scan3A_210 : i32 to index
        %get3A_433 = arith.constant 176 : index
        %get3A_434 = tpu.vector_load %arg9[%get3A_431, %get3A_432, %get3A_433] {strides = array<i32>} : memref<2x16x768xf32, #tpu.memory_space<vmem>>, vector<1x1x16xf32>,
        %get3A_435 = vector.shape_cast %get3A_434 : vector<1x1x16xf32> to vector<16xf32>
        %get3A_436 = arith.constant 0 : i32
        %get3A_437 = arith.index_cast %get3A_436 : i32 to index
        %get3A_438 = arith.index_cast %scan3A_210 : i32 to index
        %get3A_439 = arith.constant 176 : index
        %get3A_440 = tpu.vector_load %arg10[%get3A_437, %get3A_438, %get3A_439] {strides = array<i32>} : memref<2x16x768xf32, #tpu.memory_space<vmem>>, vector<1x1x16xf32>,
        %get3A_441 = vector.shape_cast %get3A_440 : vector<1x1x16xf32> to vector<16xf32>
        %add3A_442 = arith.addf %get3A_435, %get3A_441 : vector<16xf32>
        %swap3A_443 = arith.constant 0 : i32
        %swap3A_444 = arith.index_cast %swap3A_443 : i32 to index
        %swap3A_445 = arith.index_cast %scan3A_210 : i32 to index
        %swap3A_446 = arith.constant 176 : index
        %swap3A_447 = tpu.vector_load %arg11[%swap3A_444, %swap3A_445, %swap3A_446] {strides = array<i32>} : memref<2x16x768xf32, #tpu.memory_space<vmem>>, vector<1x1x16xf32>,
        %swap3A_448 = vector.shape_cast %swap3A_447 : vector<1x1x16xf32> to vector<16xf32>
        %swap3A_449 = vector.shape_cast %add3A_442 : vector<16xf32> to vector<1x1x16xf32>
        tpu.vector_store %arg11[%swap3A_444, %swap3A_445, %swap3A_446], %swap3A_449 {strides = array<i32>} : memref<2x16x768xf32, #tpu.memory_space<vmem>>, vector<1x1x16xf32>,
        %get3A_450 = arith.constant 0 : i32
        %get3A_451 = arith.index_cast %get3A_450 : i32 to index
        %get3A_452 = arith.index_cast %scan3A_210 : i32 to index
        %get3A_453 = arith.constant 192 : index
        %get3A_454 = tpu.vector_load %arg9[%get3A_451, %get3A_452, %get3A_453] {strides = array<i32>} : memref<2x16x768xf32, #tpu.memory_space<vmem>>, vector<1x1x16xf32>,
        %get3A_455 = vector.shape_cast %get3A_454 : vector<1x1x16xf32> to vector<16xf32>
        %get3A_456 = arith.constant 0 : i32
        %get3A_457 = arith.index_cast %get3A_456 : i32 to index
        %get3A_458 = arith.index_cast %scan3A_210 : i32 to index
        %get3A_459 = arith.constant 192 : index
        %get3A_460 = tpu.vector_load %arg10[%get3A_457, %get3A_458, %get3A_459] {strides = array<i32>} : memref<2x16x768xf32, #tpu.memory_space<vmem>>, vector<1x1x16xf32>,
        %get3A_461 = vector.shape_cast %get3A_460 : vector<1x1x16xf32> to vector<16xf32>
        %add3A_462 = arith.addf %get3A_455, %get3A_461 : vector<16xf32>
        %swap3A_463 = arith.constant 0 : i32
        %swap3A_464 = arith.index_cast %swap3A_463 : i32 to index
        %swap3A_465 = arith.index_cast %scan3A_210 : i32 to index
        %swap3A_466 = arith.constant 192 : index
        %swap3A_467 = tpu.vector_load %arg11[%swap3A_464, %swap3A_465, %swap3A_466] {strides = array<i32>} : memref<2x16x768xf32, #tpu.memory_space<vmem>>, vector<1x1x16xf32>,
        %swap3A_468 = vector.shape_cast %swap3A_467 : vector<1x1x16xf32> to vector<16xf32>
        %swap3A_469 = vector.shape_cast %add3A_462 : vector<16xf32> to vector<1x1x16xf32>
        tpu.vector_store %arg11[%swap3A_464, %swap3A_465, %swap3A_466], %swap3A_469 {strides = array<i32>} : memref<2x16x768xf32, #tpu.memory_space<vmem>>, vector<1x1x16xf32>,
        %get3A_470 = arith.constant 0 : i32
        %get3A_471 = arith.index_cast %get3A_470 : i32 to index
        %get3A_472 = arith.index_cast %scan3A_210 : i32 to index
        %get3A_473 = arith.constant 208 : index
        %get3A_474 = tpu.vector_load %arg9[%get3A_471, %get3A_472, %get3A_473] {strides = array<i32>} : memref<2x16x768xf32, #tpu.memory_space<vmem>>, vector<1x1x16xf32>,
        %get3A_475 = vector.shape_cast %get3A_474 : vector<1x1x16xf32> to vector<16xf32>
        %get3A_476 = arith.constant 0 : i32
        %get3A_477 = arith.index_cast %get3A_476 : i32 to index
        %get3A_478 = arith.index_cast %scan3A_210 : i32 to index
        %get3A_479 = arith.constant 208 : index
        %get3A_480 = tpu.vector_load %arg10[%get3A_477, %get3A_478, %get3A_479] {strides = array<i32>} : memref<2x16x768xf32, #tpu.memory_space<vmem>>, vector<1x1x16xf32>,
        %get3A_481 = vector.shape_cast %get3A_480 : vector<1x1x16xf32> to vector<16xf32>
        %add3A_482 = arith.addf %get3A_475, %get3A_481 : vector<16xf32>
        %swap3A_483 = arith.constant 0 : i32
        %swap3A_484 = arith.index_cast %swap3A_483 : i32 to index
        %swap3A_485 = arith.index_cast %scan3A_210 : i32 to index
        %swap3A_486 = arith.constant 208 : index
        %swap3A_487 = tpu.vector_load %arg11[%swap3A_484, %swap3A_485, %swap3A_486] {strides = array<i32>} : memref<2x16x768xf32, #tpu.memory_space<vmem>>, vector<1x1x16xf32>,
        %swap3A_488 = vector.shape_cast %swap3A_487 : vector<1x1x16xf32> to vector<16xf32>
        %swap3A_489 = vector.shape_cast %add3A_482 : vector<16xf32> to vector<1x1x16xf32>
        tpu.vector_store %arg11[%swap3A_484, %swap3A_485, %swap3A_486], %swap3A_489 {strides = array<i32>} : memref<2x16x768xf32, #tpu.memory_space<vmem>>, vector<1x1x16xf32>,
        %get3A_490 = arith.constant 0 : i32
        %get3A_491 = arith.index_cast %get3A_490 : i32 to index
        %get3A_492 = arith.index_cast %scan3A_210 : i32 to index
        %get3A_493 = arith.constant 224 : index
        %get3A_494 = tpu.vector_load %arg9[%get3A_491, %get3A_492, %get3A_493] {strides = array<i32>} : memref<2x16x768xf32, #tpu.memory_space<vmem>>, vector<1x1x16xf32>,
        %get3A_495 = vector.shape_cast %get3A_494 : vector<1x1x16xf32> to vector<16xf32>
        %get3A_496 = arith.constant 0 : i32
        %get3A_497 = arith.index_cast %get3A_496 : i32 to index
        %get3A_498 = arith.index_cast %scan3A_210 : i32 to index
        %get3A_499 = arith.constant 224 : index
        %get3A_500 = tpu.vector_load %arg10[%get3A_497, %get3A_498, %get3A_499] {strides = array<i32>} : memref<2x16x768xf32, #tpu.memory_space<vmem>>, vector<1x1x16xf32>,
        %get3A_501 = vector.shape_cast %get3A_500 : vector<1x1x16xf32> to vector<16xf32>
        %add3A_502 = arith.addf %get3A_495, %get3A_501 : vector<16xf32>
        %swap3A_503 = arith.constant 0 : i32
        %swap3A_504 = arith.index_cast %swap3A_503 : i32 to index
        %swap3A_505 = arith.index_cast %scan3A_210 : i32 to index
        %swap3A_506 = arith.constant 224 : index
        %swap3A_507 = tpu.vector_load %arg11[%swap3A_504, %swap3A_505, %swap3A_506] {strides = array<i32>} : memref<2x16x768xf32, #tpu.memory_space<vmem>>, vector<1x1x16xf32>,
        %swap3A_508 = vector.shape_cast %swap3A_507 : vector<1x1x16xf32> to vector<16xf32>
        %swap3A_509 = vector.shape_cast %add3A_502 : vector<16xf32> to vector<1x1x16xf32>
        tpu.vector_store %arg11[%swap3A_504, %swap3A_505, %swap3A_506], %swap3A_509 {strides = array<i32>} : memref<2x16x768xf32, #tpu.memory_space<vmem>>, vector<1x1x16xf32>,
        %get3A_510 = arith.constant 0 : i32
        %get3A_511 = arith.index_cast %get3A_510 : i32 to index
        %get3A_512 = arith.index_cast %scan3A_210 : i32 to index
        %get3A_513 = arith.constant 240 : index
        %get3A_514 = tpu.vector_load %arg9[%get3A_511, %get3A_512, %get3A_513] {strides = array<i32>} : memref<2x16x768xf32, #tpu.memory_space<vmem>>, vector<1x1x16xf32>,
        %get3A_515 = vector.shape_cast %get3A_514 : vector<1x1x16xf32> to vector<16xf32>
        %get3A_516 = arith.constant 0 : i32
        %get3A_517 = arith.index_cast %get3A_516 : i32 to index
        %get3A_518 = arith.index_cast %scan3A_210 : i32 to index
        %get3A_519 = arith.constant 240 : index
        %get3A_520 = tpu.vector_load %arg10[%get3A_517, %get3A_518, %get3A_519] {strides = array<i32>} : memref<2x16x768xf32, #tpu.memory_space<vmem>>, vector<1x1x16xf32>,
        %get3A_521 = vector.shape_cast %get3A_520 : vector<1x1x16xf32> to vector<16xf32>
        %add3A_522 = arith.addf %get3A_515, %get3A_521 : vector<16xf32>
        %swap3A_523 = arith.constant 0 : i32
        %swap3A_524 = arith.index_cast %swap3A_523 : i32 to index
        %swap3A_525 = arith.index_cast %scan3A_210 : i32 to index
        %swap3A_526 = arith.constant 240 : index
        %swap3A_527 = tpu.vector_load %arg11[%swap3A_524, %swap3A_525, %swap3A_526] {strides = array<i32>} : memref<2x16x768xf32, #tpu.memory_space<vmem>>, vector<1x1x16xf32>,
        %swap3A_528 = vector.shape_cast %swap3A_527 : vector<1x1x16xf32> to vector<16xf32>
        %swap3A_529 = vector.shape_cast %add3A_522 : vector<16xf32> to vector<1x1x16xf32>
        tpu.vector_store %arg11[%swap3A_524, %swap3A_525, %swap3A_526], %swap3A_529 {strides = array<i32>} : memref<2x16x768xf32, #tpu.memory_space<vmem>>, vector<1x1x16xf32>,
        %get3A_530 = arith.constant 0 : i32
        %get3A_531 = arith.index_cast %get3A_530 : i32 to index
        %get3A_532 = arith.index_cast %scan3A_210 : i32 to index
        %get3A_533 = arith.constant 256 : index
        %get3A_534 = tpu.vector_load %arg9[%get3A_531, %get3A_532, %get3A_533] {strides = array<i32>} : memref<2x16x768xf32, #tpu.memory_space<vmem>>, vector<1x1x16xf32>,
        %get3A_535 = vector.shape_cast %get3A_534 : vector<1x1x16xf32> to vector<16xf32>
        %get3A_536 = arith.constant 0 : i32
        %get3A_537 = arith.index_cast %get3A_536 : i32 to index
        %get3A_538 = arith.index_cast %scan3A_210 : i32 to index
        %get3A_539 = arith.constant 256 : index
        %get3A_540 = tpu.vector_load %arg10[%get3A_537, %get3A_538, %get3A_539] {strides = array<i32>} : memref<2x16x768xf32, #tpu.memory_space<vmem>>, vector<1x1x16xf32>,
        %get3A_541 = vector.shape_cast %get3A_540 : vector<1x1x16xf32> to vector<16xf32>
        %add3A_542 = arith.addf %get3A_535, %get3A_541 : vector<16xf32>
        %swap3A_543 = arith.constant 0 : i32
        %swap3A_544 = arith.index_cast %swap3A_543 : i32 to index
        %swap3A_545 = arith.index_cast %scan3A_210 : i32 to index
        %swap3A_546 = arith.constant 256 : index
        %swap3A_547 = tpu.vector_load %arg11[%swap3A_544, %swap3A_545, %swap3A_546] {strides = array<i32>} : memref<2x16x768xf32, #tpu.memory_space<vmem>>, vector<1x1x16xf32>,
        %swap3A_548 = vector.shape_cast %swap3A_547 : vector<1x1x16xf32> to vector<16xf32>
        %swap3A_549 = vector.shape_cast %add3A_542 : vector<16xf32> to vector<1x1x16xf32>
        tpu.vector_store %arg11[%swap3A_544, %swap3A_545, %swap3A_546], %swap3A_549 {strides = array<i32>} : memref<2x16x768xf32, #tpu.memory_space<vmem>>, vector<1x1x16xf32>,
        %get3A_550 = arith.constant 0 : i32
        %get3A_551 = arith.index_cast %get3A_550 : i32 to index
        %get3A_552 = arith.index_cast %scan3A_210 : i32 to index
        %get3A_553 = arith.constant 272 : index
        %get3A_554 = tpu.vector_load %arg9[%get3A_551, %get3A_552, %get3A_553] {strides = array<i32>} : memref<2x16x768xf32, #tpu.memory_space<vmem>>, vector<1x1x16xf32>,
        %get3A_555 = vector.shape_cast %get3A_554 : vector<1x1x16xf32> to vector<16xf32>
        %get3A_556 = arith.constant 0 : i32
        %get3A_557 = arith.index_cast %get3A_556 : i32 to index
        %get3A_558 = arith.index_cast %scan3A_210 : i32 to index
        %get3A_559 = arith.constant 272 : index
        %get3A_560 = tpu.vector_load %arg10[%get3A_557, %get3A_558, %get3A_559] {strides = array<i32>} : memref<2x16x768xf32, #tpu.memory_space<vmem>>, vector<1x1x16xf32>,
        %get3A_561 = vector.shape_cast %get3A_560 : vector<1x1x16xf32> to vector<16xf32>
        %add3A_562 = arith.addf %get3A_555, %get3A_561 : vector<16xf32>
        %swap3A_563 = arith.constant 0 : i32
        %swap3A_564 = arith.index_cast %swap3A_563 : i32 to index
        %swap3A_565 = arith.index_cast %scan3A_210 : i32 to index
        %swap3A_566 = arith.constant 272 : index
        %swap3A_567 = tpu.vector_load %arg11[%swap3A_564, %swap3A_565, %swap3A_566] {strides = array<i32>} : memref<2x16x768xf32, #tpu.memory_space<vmem>>, vector<1x1x16xf32>,
        %swap3A_568 = vector.shape_cast %swap3A_567 : vector<1x1x16xf32> to vector<16xf32>
        %swap3A_569 = vector.shape_cast %add3A_562 : vector<16xf32> to vector<1x1x16xf32>
        tpu.vector_store %arg11[%swap3A_564, %swap3A_565, %swap3A_566], %swap3A_569 {strides = array<i32>} : memref<2x16x768xf32, #tpu.memory_space<vmem>>, vector<1x1x16xf32>,
        %get3A_570 = arith.constant 0 : i32
        %get3A_571 = arith.index_cast %get3A_570 : i32 to index
        %get3A_572 = arith.index_cast %scan3A_210 : i32 to index
        %get3A_573 = arith.constant 288 : index
        %get3A_574 = tpu.vector_load %arg9[%get3A_571, %get3A_572, %get3A_573] {strides = array<i32>} : memref<2x16x768xf32, #tpu.memory_space<vmem>>, vector<1x1x16xf32>,
        %get3A_575 = vector.shape_cast %get3A_574 : vector<1x1x16xf32> to vector<16xf32>
        %get3A_576 = arith.constant 0 : i32
        %get3A_577 = arith.index_cast %get3A_576 : i32 to index
        %get3A_578 = arith.index_cast %scan3A_210 : i32 to index
        %get3A_579 = arith.constant 288 : index
        %get3A_580 = tpu.vector_load %arg10[%get3A_577, %get3A_578, %get3A_579] {strides = array<i32>} : memref<2x16x768xf32, #tpu.memory_space<vmem>>, vector<1x1x16xf32>,
        %get3A_581 = vector.shape_cast %get3A_580 : vector<1x1x16xf32> to vector<16xf32>
        %add3A_582 = arith.addf %get3A_575, %get3A_581 : vector<16xf32>
        %swap3A_583 = arith.constant 0 : i32
        %swap3A_584 = arith.index_cast %swap3A_583 : i32 to index
        %swap3A_585 = arith.index_cast %scan3A_210 : i32 to index
        %swap3A_586 = arith.constant 288 : index
        %swap3A_587 = tpu.vector_load %arg11[%swap3A_584, %swap3A_585, %swap3A_586] {strides = array<i32>} : memref<2x16x768xf32, #tpu.memory_space<vmem>>, vector<1x1x16xf32>,
        %swap3A_588 = vector.shape_cast %swap3A_587 : vector<1x1x16xf32> to vector<16xf32>
        %swap3A_589 = vector.shape_cast %add3A_582 : vector<16xf32> to vector<1x1x16xf32>
        tpu.vector_store %arg11[%swap3A_584, %swap3A_585, %swap3A_586], %swap3A_589 {strides = array<i32>} : memref<2x16x768xf32, #tpu.memory_space<vmem>>, vector<1x1x16xf32>,
        %get3A_590 = arith.constant 0 : i32
        %get3A_591 = arith.index_cast %get3A_590 : i32 to index
        %get3A_592 = arith.index_cast %scan3A_210 : i32 to index
        %get3A_593 = arith.constant 304 : index
        %get3A_594 = tpu.vector_load %arg9[%get3A_591, %get3A_592, %get3A_593] {strides = array<i32>} : memref<2x16x768xf32, #tpu.memory_space<vmem>>, vector<1x1x16xf32>,
        %get3A_595 = vector.shape_cast %get3A_594 : vector<1x1x16xf32> to vector<16xf32>
        %get3A_596 = arith.constant 0 : i32
        %get3A_597 = arith.index_cast %get3A_596 : i32 to index
        %get3A_598 = arith.index_cast %scan3A_210 : i32 to index
        %get3A_599 = arith.constant 304 : index
        %get3A_600 = tpu.vector_load %arg10[%get3A_597, %get3A_598, %get3A_599] {strides = array<i32>} : memref<2x16x768xf32, #tpu.memory_space<vmem>>, vector<1x1x16xf32>,
        %get3A_601 = vector.shape_cast %get3A_600 : vector<1x1x16xf32> to vector<16xf32>
        %add3A_602 = arith.addf %get3A_595, %get3A_601 : vector<16xf32>
        %swap3A_603 = arith.constant 0 : i32
        %swap3A_604 = arith.index_cast %swap3A_603 : i32 to index
        %swap3A_605 = arith.index_cast %scan3A_210 : i32 to index
        %swap3A_606 = arith.constant 304 : index
        %swap3A_607 = tpu.vector_load %arg11[%swap3A_604, %swap3A_605, %swap3A_606] {strides = array<i32>} : memref<2x16x768xf32, #tpu.memory_space<vmem>>, vector<1x1x16xf32>,
        %swap3A_608 = vector.shape_cast %swap3A_607 : vector<1x1x16xf32> to vector<16xf32>
        %swap3A_609 = vector.shape_cast %add3A_602 : vector<16xf32> to vector<1x1x16xf32>
        tpu.vector_store %arg11[%swap3A_604, %swap3A_605, %swap3A_606], %swap3A_609 {strides = array<i32>} : memref<2x16x768xf32, #tpu.memory_space<vmem>>, vector<1x1x16xf32>,
        %get3A_610 = arith.constant 0 : i32
        %get3A_611 = arith.index_cast %get3A_610 : i32 to index
        %get3A_612 = arith.index_cast %scan3A_210 : i32 to index
        %get3A_613 = arith.constant 320 : index
        %get3A_614 = tpu.vector_load %arg9[%get3A_611, %get3A_612, %get3A_613] {strides = array<i32>} : memref<2x16x768xf32, #tpu.memory_space<vmem>>, vector<1x1x16xf32>,
        %get3A_615 = vector.shape_cast %get3A_614 : vector<1x1x16xf32> to vector<16xf32>
        %get3A_616 = arith.constant 0 : i32
        %get3A_617 = arith.index_cast %get3A_616 : i32 to index
        %get3A_618 = arith.index_cast %scan3A_210 : i32 to index
        %get3A_619 = arith.constant 320 : index
        %get3A_620 = tpu.vector_load %arg10[%get3A_617, %get3A_618, %get3A_619] {strides = array<i32>} : memref<2x16x768xf32, #tpu.memory_space<vmem>>, vector<1x1x16xf32>,
        %get3A_621 = vector.shape_cast %get3A_620 : vector<1x1x16xf32> to vector<16xf32>
        %add3A_622 = arith.addf %get3A_615, %get3A_621 : vector<16xf32>
        %swap3A_623 = arith.constant 0 : i32
        %swap3A_624 = arith.index_cast %swap3A_623 : i32 to index
        %swap3A_625 = arith.index_cast %scan3A_210 : i32 to index
        %swap3A_626 = arith.constant 320 : index
        %swap3A_627 = tpu.vector_load %arg11[%swap3A_624, %swap3A_625, %swap3A_626] {strides = array<i32>} : memref<2x16x768xf32, #tpu.memory_space<vmem>>, vector<1x1x16xf32>,
        %swap3A_628 = vector.shape_cast %swap3A_627 : vector<1x1x16xf32> to vector<16xf32>
        %swap3A_629 = vector.shape_cast %add3A_622 : vector<16xf32> to vector<1x1x16xf32>
        tpu.vector_store %arg11[%swap3A_624, %swap3A_625, %swap3A_626], %swap3A_629 {strides = array<i32>} : memref<2x16x768xf32, #tpu.memory_space<vmem>>, vector<1x1x16xf32>,
        %get3A_630 = arith.constant 0 : i32
        %get3A_631 = arith.index_cast %get3A_630 : i32 to index
        %get3A_632 = arith.index_cast %scan3A_210 : i32 to index
        %get3A_633 = arith.constant 336 : index
        %get3A_634 = tpu.vector_load %arg9[%get3A_631, %get3A_632, %get3A_633] {strides = array<i32>} : memref<2x16x768xf32, #tpu.memory_space<vmem>>, vector<1x1x16xf32>,
        %get3A_635 = vector.shape_cast %get3A_634 : vector<1x1x16xf32> to vector<16xf32>
        %get3A_636 = arith.constant 0 : i32
        %get3A_637 = arith.index_cast %get3A_636 : i32 to index
        %get3A_638 = arith.index_cast %scan3A_210 : i32 to index
        %get3A_639 = arith.constant 336 : index
        %get3A_640 = tpu.vector_load %arg10[%get3A_637, %get3A_638, %get3A_639] {strides = array<i32>} : memref<2x16x768xf32, #tpu.memory_space<vmem>>, vector<1x1x16xf32>,
        %get3A_641 = vector.shape_cast %get3A_640 : vector<1x1x16xf32> to vector<16xf32>
        %add3A_642 = arith.addf %get3A_635, %get3A_641 : vector<16xf32>
        %swap3A_643 = arith.constant 0 : i32
        %swap3A_644 = arith.index_cast %swap3A_643 : i32 to index
        %swap3A_645 = arith.index_cast %scan3A_210 : i32 to index
        %swap3A_646 = arith.constant 336 : index
        %swap3A_647 = tpu.vector_load %arg11[%swap3A_644, %swap3A_645, %swap3A_646] {strides = array<i32>} : memref<2x16x768xf32, #tpu.memory_space<vmem>>, vector<1x1x16xf32>,
        %swap3A_648 = vector.shape_cast %swap3A_647 : vector<1x1x16xf32> to vector<16xf32>
        %swap3A_649 = vector.shape_cast %add3A_642 : vector<16xf32> to vector<1x1x16xf32>
        tpu.vector_store %arg11[%swap3A_644, %swap3A_645, %swap3A_646], %swap3A_649 {strides = array<i32>} : memref<2x16x768xf32, #tpu.memory_space<vmem>>, vector<1x1x16xf32>,
        %get3A_650 = arith.constant 0 : i32
        %get3A_651 = arith.index_cast %get3A_650 : i32 to index
        %get3A_652 = arith.index_cast %scan3A_210 : i32 to index
        %get3A_653 = arith.constant 352 : index
        %get3A_654 = tpu.vector_load %arg9[%get3A_651, %get3A_652, %get3A_653] {strides = array<i32>} : memref<2x16x768xf32, #tpu.memory_space<vmem>>, vector<1x1x16xf32>,
        %get3A_655 = vector.shape_cast %get3A_654 : vector<1x1x16xf32> to vector<16xf32>
        %get3A_656 = arith.constant 0 : i32
        %get3A_657 = arith.index_cast %get3A_656 : i32 to index
        %get3A_658 = arith.index_cast %scan3A_210 : i32 to index
        %get3A_659 = arith.constant 352 : index
        %get3A_660 = tpu.vector_load %arg10[%get3A_657, %get3A_658, %get3A_659] {strides = array<i32>} : memref<2x16x768xf32, #tpu.memory_space<vmem>>, vector<1x1x16xf32>,
        %get3A_661 = vector.shape_cast %get3A_660 : vector<1x1x16xf32> to vector<16xf32>
        %add3A_662 = arith.addf %get3A_655, %get3A_661 : vector<16xf32>
        %swap3A_663 = arith.constant 0 : i32
        %swap3A_664 = arith.index_cast %swap3A_663 : i32 to index
        %swap3A_665 = arith.index_cast %scan3A_210 : i32 to index
        %swap3A_666 = arith.constant 352 : index
        %swap3A_667 = tpu.vector_load %arg11[%swap3A_664, %swap3A_665, %swap3A_666] {strides = array<i32>} : memref<2x16x768xf32, #tpu.memory_space<vmem>>, vector<1x1x16xf32>,
        %swap3A_668 = vector.shape_cast %swap3A_667 : vector<1x1x16xf32> to vector<16xf32>
        %swap3A_669 = vector.shape_cast %add3A_662 : vector<16xf32> to vector<1x1x16xf32>
        tpu.vector_store %arg11[%swap3A_664, %swap3A_665, %swap3A_666], %swap3A_669 {strides = array<i32>} : memref<2x16x768xf32, #tpu.memory_space<vmem>>, vector<1x1x16xf32>,
        %get3A_670 = arith.constant 0 : i32
        %get3A_671 = arith.index_cast %get3A_670 : i32 to index
        %get3A_672 = arith.index_cast %scan3A_210 : i32 to index
        %get3A_673 = arith.constant 368 : index
        %get3A_674 = tpu.vector_load %arg9[%get3A_671, %get3A_672, %get3A_673] {strides = array<i32>} : memref<2x16x768xf32, #tpu.memory_space<vmem>>, vector<1x1x16xf32>,
        %get3A_675 = vector.shape_cast %get3A_674 : vector<1x1x16xf32> to vector<16xf32>
        %get3A_676 = arith.constant 0 : i32
        %get3A_677 = arith.index_cast %get3A_676 : i32 to index
        %get3A_678 = arith.index_cast %scan3A_210 : i32 to index
        %get3A_679 = arith.constant 368 : index
        %get3A_680 = tpu.vector_load %arg10[%get3A_677, %get3A_678, %get3A_679] {strides = array<i32>} : memref<2x16x768xf32, #tpu.memory_space<vmem>>, vector<1x1x16xf32>,
        %get3A_681 = vector.shape_cast %get3A_680 : vector<1x1x16xf32> to vector<16xf32>
        %add3A_682 = arith.addf %get3A_675, %get3A_681 : vector<16xf32>
        %swap3A_683 = arith.constant 0 : i32
        %swap3A_684 = arith.index_cast %swap3A_683 : i32 to index
        %swap3A_685 = arith.index_cast %scan3A_210 : i32 to index
        %swap3A_686 = arith.constant 368 : index
        %swap3A_687 = tpu.vector_load %arg11[%swap3A_684, %swap3A_685, %swap3A_686] {strides = array<i32>} : memref<2x16x768xf32, #tpu.memory_space<vmem>>, vector<1x1x16xf32>,
        %swap3A_688 = vector.shape_cast %swap3A_687 : vector<1x1x16xf32> to vector<16xf32>
        %swap3A_689 = vector.shape_cast %add3A_682 : vector<16xf32> to vector<1x1x16xf32>
        tpu.vector_store %arg11[%swap3A_684, %swap3A_685, %swap3A_686], %swap3A_689 {strides = array<i32>} : memref<2x16x768xf32, #tpu.memory_space<vmem>>, vector<1x1x16xf32>,
        %get3A_690 = arith.constant 0 : i32
        %get3A_691 = arith.index_cast %get3A_690 : i32 to index
        %get3A_692 = arith.index_cast %scan3A_210 : i32 to index
        %get3A_693 = arith.constant 384 : index
        %get3A_694 = tpu.vector_load %arg9[%get3A_691, %get3A_692, %get3A_693] {strides = array<i32>} : memref<2x16x768xf32, #tpu.memory_space<vmem>>, vector<1x1x16xf32>,
        %get3A_695 = vector.shape_cast %get3A_694 : vector<1x1x16xf32> to vector<16xf32>
        %get3A_696 = arith.constant 0 : i32
        %get3A_697 = arith.index_cast %get3A_696 : i32 to index
        %get3A_698 = arith.index_cast %scan3A_210 : i32 to index
        %get3A_699 = arith.constant 384 : index
        %get3A_700 = tpu.vector_load %arg10[%get3A_697, %get3A_698, %get3A_699] {strides = array<i32>} : memref<2x16x768xf32, #tpu.memory_space<vmem>>, vector<1x1x16xf32>,
        %get3A_701 = vector.shape_cast %get3A_700 : vector<1x1x16xf32> to vector<16xf32>
        %add3A_702 = arith.addf %get3A_695, %get3A_701 : vector<16xf32>
        %swap3A_703 = arith.constant 0 : i32
        %swap3A_704 = arith.index_cast %swap3A_703 : i32 to index
        %swap3A_705 = arith.index_cast %scan3A_210 : i32 to index
        %swap3A_706 = arith.constant 384 : index
        %swap3A_707 = tpu.vector_load %arg11[%swap3A_704, %swap3A_705, %swap3A_706] {strides = array<i32>} : memref<2x16x768xf32, #tpu.memory_space<vmem>>, vector<1x1x16xf32>,
        %swap3A_708 = vector.shape_cast %swap3A_707 : vector<1x1x16xf32> to vector<16xf32>
        %swap3A_709 = vector.shape_cast %add3A_702 : vector<16xf32> to vector<1x1x16xf32>
        tpu.vector_store %arg11[%swap3A_704, %swap3A_705, %swap3A_706], %swap3A_709 {strides = array<i32>} : memref<2x16x768xf32, #tpu.memory_space<vmem>>, vector<1x1x16xf32>,
        %get3A_710 = arith.constant 0 : i32
        %get3A_711 = arith.index_cast %get3A_710 : i32 to index
        %get3A_712 = arith.index_cast %scan3A_210 : i32 to index
        %get3A_713 = arith.constant 400 : index
        %get3A_714 = tpu.vector_load %arg9[%get3A_711, %get3A_712, %get3A_713] {strides = array<i32>} : memref<2x16x768xf32, #tpu.memory_space<vmem>>, vector<1x1x16xf32>,
        %get3A_715 = vector.shape_cast %get3A_714 : vector<1x1x16xf32> to vector<16xf32>
        %get3A_716 = arith.constant 0 : i32
        %get3A_717 = arith.index_cast %get3A_716 : i32 to index
        %get3A_718 = arith.index_cast %scan3A_210 : i32 to index
        %get3A_719 = arith.constant 400 : index
        %get3A_720 = tpu.vector_load %arg10[%get3A_717, %get3A_718, %get3A_719] {strides = array<i32>} : memref<2x16x768xf32, #tpu.memory_space<vmem>>, vector<1x1x16xf32>,
        %get3A_721 = vector.shape_cast %get3A_720 : vector<1x1x16xf32> to vector<16xf32>
        %add3A_722 = arith.addf %get3A_715, %get3A_721 : vector<16xf32>
        %swap3A_723 = arith.constant 0 : i32
        %swap3A_724 = arith.index_cast %swap3A_723 : i32 to index
        %swap3A_725 = arith.index_cast %scan3A_210 : i32 to index
        %swap3A_726 = arith.constant 400 : index
        %swap3A_727 = tpu.vector_load %arg11[%swap3A_724, %swap3A_725, %swap3A_726] {strides = array<i32>} : memref<2x16x768xf32, #tpu.memory_space<vmem>>, vector<1x1x16xf32>,
        %swap3A_728 = vector.shape_cast %swap3A_727 : vector<1x1x16xf32> to vector<16xf32>
        %swap3A_729 = vector.shape_cast %add3A_722 : vector<16xf32> to vector<1x1x16xf32>
        tpu.vector_store %arg11[%swap3A_724, %swap3A_725, %swap3A_726], %swap3A_729 {strides = array<i32>} : memref<2x16x768xf32, #tpu.memory_space<vmem>>, vector<1x1x16xf32>,
        %get3A_730 = arith.constant 0 : i32
        %get3A_731 = arith.index_cast %get3A_730 : i32 to index
        %get3A_732 = arith.index_cast %scan3A_210 : i32 to index
        %get3A_733 = arith.constant 416 : index
        %get3A_734 = tpu.vector_load %arg9[%get3A_731, %get3A_732, %get3A_733] {strides = array<i32>} : memref<2x16x768xf32, #tpu.memory_space<vmem>>, vector<1x1x16xf32>,
        %get3A_735 = vector.shape_cast %get3A_734 : vector<1x1x16xf32> to vector<16xf32>
        %get3A_736 = arith.constant 0 : i32
        %get3A_737 = arith.index_cast %get3A_736 : i32 to index
        %get3A_738 = arith.index_cast %scan3A_210 : i32 to index
        %get3A_739 = arith.constant 416 : index
        %get3A_740 = tpu.vector_load %arg10[%get3A_737, %get3A_738, %get3A_739] {strides = array<i32>} : memref<2x16x768xf32, #tpu.memory_space<vmem>>, vector<1x1x16xf32>,
        %get3A_741 = vector.shape_cast %get3A_740 : vector<1x1x16xf32> to vector<16xf32>
        %add3A_742 = arith.addf %get3A_735, %get3A_741 : vector<16xf32>
        %swap3A_743 = arith.constant 0 : i32
        %swap3A_744 = arith.index_cast %swap3A_743 : i32 to index
        %swap3A_745 = arith.index_cast %scan3A_210 : i32 to index
        %swap3A_746 = arith.constant 416 : index
        %swap3A_747 = tpu.vector_load %arg11[%swap3A_744, %swap3A_745, %swap3A_746] {strides = array<i32>} : memref<2x16x768xf32, #tpu.memory_space<vmem>>, vector<1x1x16xf32>,
        %swap3A_748 = vector.shape_cast %swap3A_747 : vector<1x1x16xf32> to vector<16xf32>
        %swap3A_749 = vector.shape_cast %add3A_742 : vector<16xf32> to vector<1x1x16xf32>
        tpu.vector_store %arg11[%swap3A_744, %swap3A_745, %swap3A_746], %swap3A_749 {strides = array<i32>} : memref<2x16x768xf32, #tpu.memory_space<vmem>>, vector<1x1x16xf32>,
        %get3A_750 = arith.constant 0 : i32
        %get3A_751 = arith.index_cast %get3A_750 : i32 to index
        %get3A_752 = arith.index_cast %scan3A_210 : i32 to index
        %get3A_753 = arith.constant 432 : index
        %get3A_754 = tpu.vector_load %arg9[%get3A_751, %get3A_752, %get3A_753] {strides = array<i32>} : memref<2x16x768xf32, #tpu.memory_space<vmem>>, vector<1x1x16xf32>,
        %get3A_755 = vector.shape_cast %get3A_754 : vector<1x1x16xf32> to vector<16xf32>
        %get3A_756 = arith.constant 0 : i32
        %get3A_757 = arith.index_cast %get3A_756 : i32 to index
        %get3A_758 = arith.index_cast %scan3A_210 : i32 to index
        %get3A_759 = arith.constant 432 : index
        %get3A_760 = tpu.vector_load %arg10[%get3A_757, %get3A_758, %get3A_759] {strides = array<i32>} : memref<2x16x768xf32, #tpu.memory_space<vmem>>, vector<1x1x16xf32>,
        %get3A_761 = vector.shape_cast %get3A_760 : vector<1x1x16xf32> to vector<16xf32>
        %add3A_762 = arith.addf %get3A_755, %get3A_761 : vector<16xf32>
        %swap3A_763 = arith.constant 0 : i32
        %swap3A_764 = arith.index_cast %swap3A_763 : i32 to index
        %swap3A_765 = arith.index_cast %scan3A_210 : i32 to index
        %swap3A_766 = arith.constant 432 : index
        %swap3A_767 = tpu.vector_load %arg11[%swap3A_764, %swap3A_765, %swap3A_766] {strides = array<i32>} : memref<2x16x768xf32, #tpu.memory_space<vmem>>, vector<1x1x16xf32>,
        %swap3A_768 = vector.shape_cast %swap3A_767 : vector<1x1x16xf32> to vector<16xf32>
        %swap3A_769 = vector.shape_cast %add3A_762 : vector<16xf32> to vector<1x1x16xf32>
        tpu.vector_store %arg11[%swap3A_764, %swap3A_765, %swap3A_766], %swap3A_769 {strides = array<i32>} : memref<2x16x768xf32, #tpu.memory_space<vmem>>, vector<1x1x16xf32>,
        %get3A_770 = arith.constant 0 : i32
        %get3A_771 = arith.index_cast %get3A_770 : i32 to index
        %get3A_772 = arith.index_cast %scan3A_210 : i32 to index
        %get3A_773 = arith.constant 448 : index
        %get3A_774 = tpu.vector_load %arg9[%get3A_771, %get3A_772, %get3A_773] {strides = array<i32>} : memref<2x16x768xf32, #tpu.memory_space<vmem>>, vector<1x1x16xf32>,
        %get3A_775 = vector.shape_cast %get3A_774 : vector<1x1x16xf32> to vector<16xf32>
        %get3A_776 = arith.constant 0 : i32
        %get3A_777 = arith.index_cast %get3A_776 : i32 to index
        %get3A_778 = arith.index_cast %scan3A_210 : i32 to index
        %get3A_779 = arith.constant 448 : index
        %get3A_780 = tpu.vector_load %arg10[%get3A_777, %get3A_778, %get3A_779] {strides = array<i32>} : memref<2x16x768xf32, #tpu.memory_space<vmem>>, vector<1x1x16xf32>,
        %get3A_781 = vector.shape_cast %get3A_780 : vector<1x1x16xf32> to vector<16xf32>
        %add3A_782 = arith.addf %get3A_775, %get3A_781 : vector<16xf32>
        %swap3A_783 = arith.constant 0 : i32
        %swap3A_784 = arith.index_cast %swap3A_783 : i32 to index
        %swap3A_785 = arith.index_cast %scan3A_210 : i32 to index
        %swap3A_786 = arith.constant 448 : index
        %swap3A_787 = tpu.vector_load %arg11[%swap3A_784, %swap3A_785, %swap3A_786] {strides = array<i32>} : memref<2x16x768xf32, #tpu.memory_space<vmem>>, vector<1x1x16xf32>,
        %swap3A_788 = vector.shape_cast %swap3A_787 : vector<1x1x16xf32> to vector<16xf32>
        %swap3A_789 = vector.shape_cast %add3A_782 : vector<16xf32> to vector<1x1x16xf32>
        tpu.vector_store %arg11[%swap3A_784, %swap3A_785, %swap3A_786], %swap3A_789 {strides = array<i32>} : memref<2x16x768xf32, #tpu.memory_space<vmem>>, vector<1x1x16xf32>,
        %get3A_790 = arith.constant 0 : i32
        %get3A_791 = arith.index_cast %get3A_790 : i32 to index
        %get3A_792 = arith.index_cast %scan3A_210 : i32 to index
        %get3A_793 = arith.constant 464 : index
        %get3A_794 = tpu.vector_load %arg9[%get3A_791, %get3A_792, %get3A_793] {strides = array<i32>} : memref<2x16x768xf32, #tpu.memory_space<vmem>>, vector<1x1x16xf32>,
        %get3A_795 = vector.shape_cast %get3A_794 : vector<1x1x16xf32> to vector<16xf32>
        %get3A_796 = arith.constant 0 : i32
        %get3A_797 = arith.index_cast %get3A_796 : i32 to index
        %get3A_798 = arith.index_cast %scan3A_210 : i32 to index
        %get3A_799 = arith.constant 464 : index
        %get3A_800 = tpu.vector_load %arg10[%get3A_797, %get3A_798, %get3A_799] {strides = array<i32>} : memref<2x16x768xf32, #tpu.memory_space<vmem>>, vector<1x1x16xf32>,
        %get3A_801 = vector.shape_cast %get3A_800 : vector<1x1x16xf32> to vector<16xf32>
        %add3A_802 = arith.addf %get3A_795, %get3A_801 : vector<16xf32>
        %swap3A_803 = arith.constant 0 : i32
        %swap3A_804 = arith.index_cast %swap3A_803 : i32 to index
        %swap3A_805 = arith.index_cast %scan3A_210 : i32 to index
        %swap3A_806 = arith.constant 464 : index
        %swap3A_807 = tpu.vector_load %arg11[%swap3A_804, %swap3A_805, %swap3A_806] {strides = array<i32>} : memref<2x16x768xf32, #tpu.memory_space<vmem>>, vector<1x1x16xf32>,
        %swap3A_808 = vector.shape_cast %swap3A_807 : vector<1x1x16xf32> to vector<16xf32>
        %swap3A_809 = vector.shape_cast %add3A_802 : vector<16xf32> to vector<1x1x16xf32>
        tpu.vector_store %arg11[%swap3A_804, %swap3A_805, %swap3A_806], %swap3A_809 {strides = array<i32>} : memref<2x16x768xf32, #tpu.memory_space<vmem>>, vector<1x1x16xf32>,
        %get3A_810 = arith.constant 0 : i32
        %get3A_811 = arith.index_cast %get3A_810 : i32 to index
        %get3A_812 = arith.index_cast %scan3A_210 : i32 to index
        %get3A_813 = arith.constant 480 : index
        %get3A_814 = tpu.vector_load %arg9[%get3A_811, %get3A_812, %get3A_813] {strides = array<i32>} : memref<2x16x768xf32, #tpu.memory_space<vmem>>, vector<1x1x16xf32>,
        %get3A_815 = vector.shape_cast %get3A_814 : vector<1x1x16xf32> to vector<16xf32>
        %get3A_816 = arith.constant 0 : i32
        %get3A_817 = arith.index_cast %get3A_816 : i32 to index
        %get3A_818 = arith.index_cast %scan3A_210 : i32 to index
        %get3A_819 = arith.constant 480 : index
        %get3A_820 = tpu.vector_load %arg10[%get3A_817, %get3A_818, %get3A_819] {strides = array<i32>} : memref<2x16x768xf32, #tpu.memory_space<vmem>>, vector<1x1x16xf32>,
        %get3A_821 = vector.shape_cast %get3A_820 : vector<1x1x16xf32> to vector<16xf32>
        %add3A_822 = arith.addf %get3A_815, %get3A_821 : vector<16xf32>
        %swap3A_823 = arith.constant 0 : i32
        %swap3A_824 = arith.index_cast %swap3A_823 : i32 to index
        %swap3A_825 = arith.index_cast %scan3A_210 : i32 to index
        %swap3A_826 = arith.constant 480 : index
        %swap3A_827 = tpu.vector_load %arg11[%swap3A_824, %swap3A_825, %swap3A_826] {strides = array<i32>} : memref<2x16x768xf32, #tpu.memory_space<vmem>>, vector<1x1x16xf32>,
        %swap3A_828 = vector.shape_cast %swap3A_827 : vector<1x1x16xf32> to vector<16xf32>
        %swap3A_829 = vector.shape_cast %add3A_822 : vector<16xf32> to vector<1x1x16xf32>
        tpu.vector_store %arg11[%swap3A_824, %swap3A_825, %swap3A_826], %swap3A_829 {strides = array<i32>} : memref<2x16x768xf32, #tpu.memory_space<vmem>>, vector<1x1x16xf32>,
        %get3A_830 = arith.constant 0 : i32
        %get3A_831 = arith.index_cast %get3A_830 : i32 to index
        %get3A_832 = arith.index_cast %scan3A_210 : i32 to index
        %get3A_833 = arith.constant 496 : index
        %get3A_834 = tpu.vector_load %arg9[%get3A_831, %get3A_832, %get3A_833] {strides = array<i32>} : memref<2x16x768xf32, #tpu.memory_space<vmem>>, vector<1x1x16xf32>,
        %get3A_835 = vector.shape_cast %get3A_834 : vector<1x1x16xf32> to vector<16xf32>
        %get3A_836 = arith.constant 0 : i32
        %get3A_837 = arith.index_cast %get3A_836 : i32 to index
        %get3A_838 = arith.index_cast %scan3A_210 : i32 to index
        %get3A_839 = arith.constant 496 : index
        %get3A_840 = tpu.vector_load %arg10[%get3A_837, %get3A_838, %get3A_839] {strides = array<i32>} : memref<2x16x768xf32, #tpu.memory_space<vmem>>, vector<1x1x16xf32>,
        %get3A_841 = vector.shape_cast %get3A_840 : vector<1x1x16xf32> to vector<16xf32>
        %add3A_842 = arith.addf %get3A_835, %get3A_841 : vector<16xf32>
        %swap3A_843 = arith.constant 0 : i32
        %swap3A_844 = arith.index_cast %swap3A_843 : i32 to index
        %swap3A_845 = arith.index_cast %scan3A_210 : i32 to index
        %swap3A_846 = arith.constant 496 : index
        %swap3A_847 = tpu.vector_load %arg11[%swap3A_844, %swap3A_845, %swap3A_846] {strides = array<i32>} : memref<2x16x768xf32, #tpu.memory_space<vmem>>, vector<1x1x16xf32>,
        %swap3A_848 = vector.shape_cast %swap3A_847 : vector<1x1x16xf32> to vector<16xf32>
        %swap3A_849 = vector.shape_cast %add3A_842 : vector<16xf32> to vector<1x1x16xf32>
        tpu.vector_store %arg11[%swap3A_844, %swap3A_845, %swap3A_846], %swap3A_849 {strides = array<i32>} : memref<2x16x768xf32, #tpu.memory_space<vmem>>, vector<1x1x16xf32>,
        %get3A_850 = arith.constant 0 : i32
        %get3A_851 = arith.index_cast %get3A_850 : i32 to index
        %get3A_852 = arith.index_cast %scan3A_210 : i32 to index
        %get3A_853 = arith.constant 512 : index
        %get3A_854 = tpu.vector_load %arg9[%get3A_851, %get3A_852, %get3A_853] {strides = array<i32>} : memref<2x16x768xf32, #tpu.memory_space<vmem>>, vector<1x1x16xf32>,
        %get3A_855 = vector.shape_cast %get3A_854 : vector<1x1x16xf32> to vector<16xf32>
        %get3A_856 = arith.constant 0 : i32
        %get3A_857 = arith.index_cast %get3A_856 : i32 to index
        %get3A_858 = arith.index_cast %scan3A_210 : i32 to index
        %get3A_859 = arith.constant 512 : index
        %get3A_860 = tpu.vector_load %arg10[%get3A_857, %get3A_858, %get3A_859] {strides = array<i32>} : memref<2x16x768xf32, #tpu.memory_space<vmem>>, vector<1x1x16xf32>,
        %get3A_861 = vector.shape_cast %get3A_860 : vector<1x1x16xf32> to vector<16xf32>
        %add3A_862 = arith.addf %get3A_855, %get3A_861 : vector<16xf32>
        %swap3A_863 = arith.constant 0 : i32
        %swap3A_864 = arith.index_cast %swap3A_863 : i32 to index
        %swap3A_865 = arith.index_cast %scan3A_210 : i32 to index
        %swap3A_866 = arith.constant 512 : index
        %swap3A_867 = tpu.vector_load %arg11[%swap3A_864, %swap3A_865, %swap3A_866] {strides = array<i32>} : memref<2x16x768xf32, #tpu.memory_space<vmem>>, vector<1x1x16xf32>,
        %swap3A_868 = vector.shape_cast %swap3A_867 : vector<1x1x16xf32> to vector<16xf32>
        %swap3A_869 = vector.shape_cast %add3A_862 : vector<16xf32> to vector<1x1x16xf32>
        tpu.vector_store %arg11[%swap3A_864, %swap3A_865, %swap3A_866], %swap3A_869 {strides = array<i32>} : memref<2x16x768xf32, #tpu.memory_space<vmem>>, vector<1x1x16xf32>,
        %get3A_870 = arith.constant 0 : i32
        %get3A_871 = arith.index_cast %get3A_870 : i32 to index
        %get3A_872 = arith.index_cast %scan3A_210 : i32 to index
        %get3A_873 = arith.constant 528 : index
        %get3A_874 = tpu.vector_load %arg9[%get3A_871, %get3A_872, %get3A_873] {strides = array<i32>} : memref<2x16x768xf32, #tpu.memory_space<vmem>>, vector<1x1x16xf32>,
        %get3A_875 = vector.shape_cast %get3A_874 : vector<1x1x16xf32> to vector<16xf32>
        %get3A_876 = arith.constant 0 : i32
        %get3A_877 = arith.index_cast %get3A_876 : i32 to index
        %get3A_878 = arith.index_cast %scan3A_210 : i32 to index
        %get3A_879 = arith.constant 528 : index
        %get3A_880 = tpu.vector_load %arg10[%get3A_877, %get3A_878, %get3A_879] {strides = array<i32>} : memref<2x16x768xf32, #tpu.memory_space<vmem>>, vector<1x1x16xf32>,
        %get3A_881 = vector.shape_cast %get3A_880 : vector<1x1x16xf32> to vector<16xf32>
        %add3A_882 = arith.addf %get3A_875, %get3A_881 : vector<16xf32>
        %swap3A_883 = arith.constant 0 : i32
        %swap3A_884 = arith.index_cast %swap3A_883 : i32 to index
        %swap3A_885 = arith.index_cast %scan3A_210 : i32 to index
        %swap3A_886 = arith.constant 528 : index
        %swap3A_887 = tpu.vector_load %arg11[%swap3A_884, %swap3A_885, %swap3A_886] {strides = array<i32>} : memref<2x16x768xf32, #tpu.memory_space<vmem>>, vector<1x1x16xf32>,
        %swap3A_888 = vector.shape_cast %swap3A_887 : vector<1x1x16xf32> to vector<16xf32>
        %swap3A_889 = vector.shape_cast %add3A_882 : vector<16xf32> to vector<1x1x16xf32>
        tpu.vector_store %arg11[%swap3A_884, %swap3A_885, %swap3A_886], %swap3A_889 {strides = array<i32>} : memref<2x16x768xf32, #tpu.memory_space<vmem>>, vector<1x1x16xf32>,
        %get3A_890 = arith.constant 0 : i32
        %get3A_891 = arith.index_cast %get3A_890 : i32 to index
        %get3A_892 = arith.index_cast %scan3A_210 : i32 to index
        %get3A_893 = arith.constant 544 : index
        %get3A_894 = tpu.vector_load %arg9[%get3A_891, %get3A_892, %get3A_893] {strides = array<i32>} : memref<2x16x768xf32, #tpu.memory_space<vmem>>, vector<1x1x16xf32>,
        %get3A_895 = vector.shape_cast %get3A_894 : vector<1x1x16xf32> to vector<16xf32>
        %get3A_896 = arith.constant 0 : i32
        %get3A_897 = arith.index_cast %get3A_896 : i32 to index
        %get3A_898 = arith.index_cast %scan3A_210 : i32 to index
        %get3A_899 = arith.constant 544 : index
        %get3A_900 = tpu.vector_load %arg10[%get3A_897, %get3A_898, %get3A_899] {strides = array<i32>} : memref<2x16x768xf32, #tpu.memory_space<vmem>>, vector<1x1x16xf32>,
        %get3A_901 = vector.shape_cast %get3A_900 : vector<1x1x16xf32> to vector<16xf32>
        %add3A_902 = arith.addf %get3A_895, %get3A_901 : vector<16xf32>
        %swap3A_903 = arith.constant 0 : i32
        %swap3A_904 = arith.index_cast %swap3A_903 : i32 to index
        %swap3A_905 = arith.index_cast %scan3A_210 : i32 to index
        %swap3A_906 = arith.constant 544 : index
        %swap3A_907 = tpu.vector_load %arg11[%swap3A_904, %swap3A_905, %swap3A_906] {strides = array<i32>} : memref<2x16x768xf32, #tpu.memory_space<vmem>>, vector<1x1x16xf32>,
        %swap3A_908 = vector.shape_cast %swap3A_907 : vector<1x1x16xf32> to vector<16xf32>
        %swap3A_909 = vector.shape_cast %add3A_902 : vector<16xf32> to vector<1x1x16xf32>
        tpu.vector_store %arg11[%swap3A_904, %swap3A_905, %swap3A_906], %swap3A_909 {strides = array<i32>} : memref<2x16x768xf32, #tpu.memory_space<vmem>>, vector<1x1x16xf32>,
        %get3A_910 = arith.constant 0 : i32
        %get3A_911 = arith.index_cast %get3A_910 : i32 to index
        %get3A_912 = arith.index_cast %scan3A_210 : i32 to index
        %get3A_913 = arith.constant 560 : index
        %get3A_914 = tpu.vector_load %arg9[%get3A_911, %get3A_912, %get3A_913] {strides = array<i32>} : memref<2x16x768xf32, #tpu.memory_space<vmem>>, vector<1x1x16xf32>,
        %get3A_915 = vector.shape_cast %get3A_914 : vector<1x1x16xf32> to vector<16xf32>
        %get3A_916 = arith.constant 0 : i32
        %get3A_917 = arith.index_cast %get3A_916 : i32 to index
        %get3A_918 = arith.index_cast %scan3A_210 : i32 to index
        %get3A_919 = arith.constant 560 : index
        %get3A_920 = tpu.vector_load %arg10[%get3A_917, %get3A_918, %get3A_919] {strides = array<i32>} : memref<2x16x768xf32, #tpu.memory_space<vmem>>, vector<1x1x16xf32>,
        %get3A_921 = vector.shape_cast %get3A_920 : vector<1x1x16xf32> to vector<16xf32>
        %add3A_922 = arith.addf %get3A_915, %get3A_921 : vector<16xf32>
        %swap3A_923 = arith.constant 0 : i32
        %swap3A_924 = arith.index_cast %swap3A_923 : i32 to index
        %swap3A_925 = arith.index_cast %scan3A_210 : i32 to index
        %swap3A_926 = arith.constant 560 : index
        %swap3A_927 = tpu.vector_load %arg11[%swap3A_924, %swap3A_925, %swap3A_926] {strides = array<i32>} : memref<2x16x768xf32, #tpu.memory_space<vmem>>, vector<1x1x16xf32>,
        %swap3A_928 = vector.shape_cast %swap3A_927 : vector<1x1x16xf32> to vector<16xf32>
        %swap3A_929 = vector.shape_cast %add3A_922 : vector<16xf32> to vector<1x1x16xf32>
        tpu.vector_store %arg11[%swap3A_924, %swap3A_925, %swap3A_926], %swap3A_929 {strides = array<i32>} : memref<2x16x768xf32, #tpu.memory_space<vmem>>, vector<1x1x16xf32>,
        %get3A_930 = arith.constant 0 : i32
        %get3A_931 = arith.index_cast %get3A_930 : i32 to index
        %get3A_932 = arith.index_cast %scan3A_210 : i32 to index
        %get3A_933 = arith.constant 576 : index
        %get3A_934 = tpu.vector_load %arg9[%get3A_931, %get3A_932, %get3A_933] {strides = array<i32>} : memref<2x16x768xf32, #tpu.memory_space<vmem>>, vector<1x1x16xf32>,
        %get3A_935 = vector.shape_cast %get3A_934 : vector<1x1x16xf32> to vector<16xf32>
        %get3A_936 = arith.constant 0 : i32
        %get3A_937 = arith.index_cast %get3A_936 : i32 to index
        %get3A_938 = arith.index_cast %scan3A_210 : i32 to index
        %get3A_939 = arith.constant 576 : index
        %get3A_940 = tpu.vector_load %arg10[%get3A_937, %get3A_938, %get3A_939] {strides = array<i32>} : memref<2x16x768xf32, #tpu.memory_space<vmem>>, vector<1x1x16xf32>,
        %get3A_941 = vector.shape_cast %get3A_940 : vector<1x1x16xf32> to vector<16xf32>
        %add3A_942 = arith.addf %get3A_935, %get3A_941 : vector<16xf32>
        %swap3A_943 = arith.constant 0 : i32
        %swap3A_944 = arith.index_cast %swap3A_943 : i32 to index
        %swap3A_945 = arith.index_cast %scan3A_210 : i32 to index
        %swap3A_946 = arith.constant 576 : index
        %swap3A_947 = tpu.vector_load %arg11[%swap3A_944, %swap3A_945, %swap3A_946] {strides = array<i32>} : memref<2x16x768xf32, #tpu.memory_space<vmem>>, vector<1x1x16xf32>,
        %swap3A_948 = vector.shape_cast %swap3A_947 : vector<1x1x16xf32> to vector<16xf32>
        %swap3A_949 = vector.shape_cast %add3A_942 : vector<16xf32> to vector<1x1x16xf32>
        tpu.vector_store %arg11[%swap3A_944, %swap3A_945, %swap3A_946], %swap3A_949 {strides = array<i32>} : memref<2x16x768xf32, #tpu.memory_space<vmem>>, vector<1x1x16xf32>,
        %get3A_950 = arith.constant 0 : i32
        %get3A_951 = arith.index_cast %get3A_950 : i32 to index
        %get3A_952 = arith.index_cast %scan3A_210 : i32 to index
        %get3A_953 = arith.constant 592 : index
        %get3A_954 = tpu.vector_load %arg9[%get3A_951, %get3A_952, %get3A_953] {strides = array<i32>} : memref<2x16x768xf32, #tpu.memory_space<vmem>>, vector<1x1x16xf32>,
        %get3A_955 = vector.shape_cast %get3A_954 : vector<1x1x16xf32> to vector<16xf32>
        %get3A_956 = arith.constant 0 : i32
        %get3A_957 = arith.index_cast %get3A_956 : i32 to index
        %get3A_958 = arith.index_cast %scan3A_210 : i32 to index
        %get3A_959 = arith.constant 592 : index
        %get3A_960 = tpu.vector_load %arg10[%get3A_957, %get3A_958, %get3A_959] {strides = array<i32>} : memref<2x16x768xf32, #tpu.memory_space<vmem>>, vector<1x1x16xf32>,
        %get3A_961 = vector.shape_cast %get3A_960 : vector<1x1x16xf32> to vector<16xf32>
        %add3A_962 = arith.addf %get3A_955, %get3A_961 : vector<16xf32>
        %swap3A_963 = arith.constant 0 : i32
        %swap3A_964 = arith.index_cast %swap3A_963 : i32 to index
        %swap3A_965 = arith.index_cast %scan3A_210 : i32 to index
        %swap3A_966 = arith.constant 592 : index
        %swap3A_967 = tpu.vector_load %arg11[%swap3A_964, %swap3A_965, %swap3A_966] {strides = array<i32>} : memref<2x16x768xf32, #tpu.memory_space<vmem>>, vector<1x1x16xf32>,
        %swap3A_968 = vector.shape_cast %swap3A_967 : vector<1x1x16xf32> to vector<16xf32>
        %swap3A_969 = vector.shape_cast %add3A_962 : vector<16xf32> to vector<1x1x16xf32>
        tpu.vector_store %arg11[%swap3A_964, %swap3A_965, %swap3A_966], %swap3A_969 {strides = array<i32>} : memref<2x16x768xf32, #tpu.memory_space<vmem>>, vector<1x1x16xf32>,
        %get3A_970 = arith.constant 0 : i32
        %get3A_971 = arith.index_cast %get3A_970 : i32 to index
        %get3A_972 = arith.index_cast %scan3A_210 : i32 to index
        %get3A_973 = arith.constant 608 : index
        %get3A_974 = tpu.vector_load %arg9[%get3A_971, %get3A_972, %get3A_973] {strides = array<i32>} : memref<2x16x768xf32, #tpu.memory_space<vmem>>, vector<1x1x16xf32>,
        %get3A_975 = vector.shape_cast %get3A_974 : vector<1x1x16xf32> to vector<16xf32>
        %get3A_976 = arith.constant 0 : i32
        %get3A_977 = arith.index_cast %get3A_976 : i32 to index
        %get3A_978 = arith.index_cast %scan3A_210 : i32 to index
        %get3A_979 = arith.constant 608 : index
        %get3A_980 = tpu.vector_load %arg10[%get3A_977, %get3A_978, %get3A_979] {strides = array<i32>} : memref<2x16x768xf32, #tpu.memory_space<vmem>>, vector<1x1x16xf32>,
        %get3A_981 = vector.shape_cast %get3A_980 : vector<1x1x16xf32> to vector<16xf32>
        %add3A_982 = arith.addf %get3A_975, %get3A_981 : vector<16xf32>
        %swap3A_983 = arith.constant 0 : i32
        %swap3A_984 = arith.index_cast %swap3A_983 : i32 to index
        %swap3A_985 = arith.index_cast %scan3A_210 : i32 to index
        %swap3A_986 = arith.constant 608 : index
        %swap3A_987 = tpu.vector_load %arg11[%swap3A_984, %swap3A_985, %swap3A_986] {strides = array<i32>} : memref<2x16x768xf32, #tpu.memory_space<vmem>>, vector<1x1x16xf32>,
        %swap3A_988 = vector.shape_cast %swap3A_987 : vector<1x1x16xf32> to vector<16xf32>
        %swap3A_989 = vector.shape_cast %add3A_982 : vector<16xf32> to vector<1x1x16xf32>
        tpu.vector_store %arg11[%swap3A_984, %swap3A_985, %swap3A_986], %swap3A_989 {strides = array<i32>} : memref<2x16x768xf32, #tpu.memory_space<vmem>>, vector<1x1x16xf32>,
        %get3A_990 = arith.constant 0 : i32
        %get3A_991 = arith.index_cast %get3A_990 : i32 to index
        %get3A_992 = arith.index_cast %scan3A_210 : i32 to index
        %get3A_993 = arith.constant 624 : index
        %get3A_994 = tpu.vector_load %arg9[%get3A_991, %get3A_992, %get3A_993] {strides = array<i32>} : memref<2x16x768xf32, #tpu.memory_space<vmem>>, vector<1x1x16xf32>,
        %get3A_995 = vector.shape_cast %get3A_994 : vector<1x1x16xf32> to vector<16xf32>
        %get3A_996 = arith.constant 0 : i32
        %get3A_997 = arith.index_cast %get3A_996 : i32 to index
        %get3A_998 = arith.index_cast %scan3A_210 : i32 to index
        %get3A_999 = arith.constant 624 : index
        %get3A_1000 = tpu.vector_load %arg10[%get3A_997, %get3A_998, %get3A_999] {strides = array<i32>} : memref<2x16x768xf32, #tpu.memory_space<vmem>>, vector<1x1x16xf32>,
        %get3A_1001 = vector.shape_cast %get3A_1000 : vector<1x1x16xf32> to vector<16xf32>
        %add3A_1002 = arith.addf %get3A_995, %get3A_1001 : vector<16xf32>
        %swap3A_1003 = arith.constant 0 : i32
        %swap3A_1004 = arith.index_cast %swap3A_1003 : i32 to index
        %swap3A_1005 = arith.index_cast %scan3A_210 : i32 to index
        %swap3A_1006 = arith.constant 624 : index
        %swap3A_1007 = tpu.vector_load %arg11[%swap3A_1004, %swap3A_1005, %swap3A_1006] {strides = array<i32>} : memref<2x16x768xf32, #tpu.memory_space<vmem>>, vector<1x1x16xf32>,
        %swap3A_1008 = vector.shape_cast %swap3A_1007 : vector<1x1x16xf32> to vector<16xf32>
        %swap3A_1009 = vector.shape_cast %add3A_1002 : vector<16xf32> to vector<1x1x16xf32>
        tpu.vector_store %arg11[%swap3A_1004, %swap3A_1005, %swap3A_1006], %swap3A_1009 {strides = array<i32>} : memref<2x16x768xf32, #tpu.memory_space<vmem>>, vector<1x1x16xf32>,
        %get3A_1010 = arith.constant 0 : i32
        %get3A_1011 = arith.index_cast %get3A_1010 : i32 to index
        %get3A_1012 = arith.index_cast %scan3A_210 : i32 to index
        %get3A_1013 = arith.constant 640 : index
        %get3A_1014 = tpu.vector_load %arg9[%get3A_1011, %get3A_1012, %get3A_1013] {strides = array<i32>} : memref<2x16x768xf32, #tpu.memory_space<vmem>>, vector<1x1x16xf32>,
        %get3A_1015 = vector.shape_cast %get3A_1014 : vector<1x1x16xf32> to vector<16xf32>
        %get3A_1016 = arith.constant 0 : i32
        %get3A_1017 = arith.index_cast %get3A_1016 : i32 to index
        %get3A_1018 = arith.index_cast %scan3A_210 : i32 to index
        %get3A_1019 = arith.constant 640 : index
        %get3A_1020 = tpu.vector_load %arg10[%get3A_1017, %get3A_1018, %get3A_1019] {strides = array<i32>} : memref<2x16x768xf32, #tpu.memory_space<vmem>>, vector<1x1x16xf32>,
        %get3A_1021 = vector.shape_cast %get3A_1020 : vector<1x1x16xf32> to vector<16xf32>
        %add3A_1022 = arith.addf %get3A_1015, %get3A_1021 : vector<16xf32>
        %swap3A_1023 = arith.constant 0 : i32
        %swap3A_1024 = arith.index_cast %swap3A_1023 : i32 to index
        %swap3A_1025 = arith.index_cast %scan3A_210 : i32 to index
        %swap3A_1026 = arith.constant 640 : index
        %swap3A_1027 = tpu.vector_load %arg11[%swap3A_1024, %swap3A_1025, %swap3A_1026] {strides = array<i32>} : memref<2x16x768xf32, #tpu.memory_space<vmem>>, vector<1x1x16xf32>,
        %swap3A_1028 = vector.shape_cast %swap3A_1027 : vector<1x1x16xf32> to vector<16xf32>
        %swap3A_1029 = vector.shape_cast %add3A_1022 : vector<16xf32> to vector<1x1x16xf32>
        tpu.vector_store %arg11[%swap3A_1024, %swap3A_1025, %swap3A_1026], %swap3A_1029 {strides = array<i32>} : memref<2x16x768xf32, #tpu.memory_space<vmem>>, vector<1x1x16xf32>,
        %get3A_1030 = arith.constant 0 : i32
        %get3A_1031 = arith.index_cast %get3A_1030 : i32 to index
        %get3A_1032 = arith.index_cast %scan3A_210 : i32 to index
        %get3A_1033 = arith.constant 656 : index
        %get3A_1034 = tpu.vector_load %arg9[%get3A_1031, %get3A_1032, %get3A_1033] {strides = array<i32>} : memref<2x16x768xf32, #tpu.memory_space<vmem>>, vector<1x1x16xf32>,
        %get3A_1035 = vector.shape_cast %get3A_1034 : vector<1x1x16xf32> to vector<16xf32>
        %get3A_1036 = arith.constant 0 : i32
        %get3A_1037 = arith.index_cast %get3A_1036 : i32 to index
        %get3A_1038 = arith.index_cast %scan3A_210 : i32 to index
        %get3A_1039 = arith.constant 656 : index
        %get3A_1040 = tpu.vector_load %arg10[%get3A_1037, %get3A_1038, %get3A_1039] {strides = array<i32>} : memref<2x16x768xf32, #tpu.memory_space<vmem>>, vector<1x1x16xf32>,
        %get3A_1041 = vector.shape_cast %get3A_1040 : vector<1x1x16xf32> to vector<16xf32>
        %add3A_1042 = arith.addf %get3A_1035, %get3A_1041 : vector<16xf32>
        %swap3A_1043 = arith.constant 0 : i32
        %swap3A_1044 = arith.index_cast %swap3A_1043 : i32 to index
        %swap3A_1045 = arith.index_cast %scan3A_210 : i32 to index
        %swap3A_1046 = arith.constant 656 : index
        %swap3A_1047 = tpu.vector_load %arg11[%swap3A_1044, %swap3A_1045, %swap3A_1046] {strides = array<i32>} : memref<2x16x768xf32, #tpu.memory_space<vmem>>, vector<1x1x16xf32>,
        %swap3A_1048 = vector.shape_cast %swap3A_1047 : vector<1x1x16xf32> to vector<16xf32>
        %swap3A_1049 = vector.shape_cast %add3A_1042 : vector<16xf32> to vector<1x1x16xf32>
        tpu.vector_store %arg11[%swap3A_1044, %swap3A_1045, %swap3A_1046], %swap3A_1049 {strides = array<i32>} : memref<2x16x768xf32, #tpu.memory_space<vmem>>, vector<1x1x16xf32>,
        %get3A_1050 = arith.constant 0 : i32
        %get3A_1051 = arith.index_cast %get3A_1050 : i32 to index
        %get3A_1052 = arith.index_cast %scan3A_210 : i32 to index
        %get3A_1053 = arith.constant 672 : index
        %get3A_1054 = tpu.vector_load %arg9[%get3A_1051, %get3A_1052, %get3A_1053] {strides = array<i32>} : memref<2x16x768xf32, #tpu.memory_space<vmem>>, vector<1x1x16xf32>,
        %get3A_1055 = vector.shape_cast %get3A_1054 : vector<1x1x16xf32> to vector<16xf32>
        %get3A_1056 = arith.constant 0 : i32
        %get3A_1057 = arith.index_cast %get3A_1056 : i32 to index
        %get3A_1058 = arith.index_cast %scan3A_210 : i32 to index
        %get3A_1059 = arith.constant 672 : index
        %get3A_1060 = tpu.vector_load %arg10[%get3A_1057, %get3A_1058, %get3A_1059] {strides = array<i32>} : memref<2x16x768xf32, #tpu.memory_space<vmem>>, vector<1x1x16xf32>,
        %get3A_1061 = vector.shape_cast %get3A_1060 : vector<1x1x16xf32> to vector<16xf32>
        %add3A_1062 = arith.addf %get3A_1055, %get3A_1061 : vector<16xf32>
        %swap3A_1063 = arith.constant 0 : i32
        %swap3A_1064 = arith.index_cast %swap3A_1063 : i32 to index
        %swap3A_1065 = arith.index_cast %scan3A_210 : i32 to index
        %swap3A_1066 = arith.constant 672 : index
        %swap3A_1067 = tpu.vector_load %arg11[%swap3A_1064, %swap3A_1065, %swap3A_1066] {strides = array<i32>} : memref<2x16x768xf32, #tpu.memory_space<vmem>>, vector<1x1x16xf32>,
        %swap3A_1068 = vector.shape_cast %swap3A_1067 : vector<1x1x16xf32> to vector<16xf32>
        %swap3A_1069 = vector.shape_cast %add3A_1062 : vector<16xf32> to vector<1x1x16xf32>
        tpu.vector_store %arg11[%swap3A_1064, %swap3A_1065, %swap3A_1066], %swap3A_1069 {strides = array<i32>} : memref<2x16x768xf32, #tpu.memory_space<vmem>>, vector<1x1x16xf32>,
        %get3A_1070 = arith.constant 0 : i32
        %get3A_1071 = arith.index_cast %get3A_1070 : i32 to index
        %get3A_1072 = arith.index_cast %scan3A_210 : i32 to index
        %get3A_1073 = arith.constant 688 : index
        %get3A_1074 = tpu.vector_load %arg9[%get3A_1071, %get3A_1072, %get3A_1073] {strides = array<i32>} : memref<2x16x768xf32, #tpu.memory_space<vmem>>, vector<1x1x16xf32>,
        %get3A_1075 = vector.shape_cast %get3A_1074 : vector<1x1x16xf32> to vector<16xf32>
        %get3A_1076 = arith.constant 0 : i32
        %get3A_1077 = arith.index_cast %get3A_1076 : i32 to index
        %get3A_1078 = arith.index_cast %scan3A_210 : i32 to index
        %get3A_1079 = arith.constant 688 : index
        %get3A_1080 = tpu.vector_load %arg10[%get3A_1077, %get3A_1078, %get3A_1079] {strides = array<i32>} : memref<2x16x768xf32, #tpu.memory_space<vmem>>, vector<1x1x16xf32>,
        %get3A_1081 = vector.shape_cast %get3A_1080 : vector<1x1x16xf32> to vector<16xf32>
        %add3A_1082 = arith.addf %get3A_1075, %get3A_1081 : vector<16xf32>
        %swap3A_1083 = arith.constant 0 : i32
        %swap3A_1084 = arith.index_cast %swap3A_1083 : i32 to index
        %swap3A_1085 = arith.index_cast %scan3A_210 : i32 to index
        %swap3A_1086 = arith.constant 688 : index
        %swap3A_1087 = tpu.vector_load %arg11[%swap3A_1084, %swap3A_1085, %swap3A_1086] {strides = array<i32>} : memref<2x16x768xf32, #tpu.memory_space<vmem>>, vector<1x1x16xf32>,
        %swap3A_1088 = vector.shape_cast %swap3A_1087 : vector<1x1x16xf32> to vector<16xf32>
        %swap3A_1089 = vector.shape_cast %add3A_1082 : vector<16xf32> to vector<1x1x16xf32>
        tpu.vector_store %arg11[%swap3A_1084, %swap3A_1085, %swap3A_1086], %swap3A_1089 {strides = array<i32>} : memref<2x16x768xf32, #tpu.memory_space<vmem>>, vector<1x1x16xf32>,
        %get3A_1090 = arith.constant 0 : i32
        %get3A_1091 = arith.index_cast %get3A_1090 : i32 to index
        %get3A_1092 = arith.index_cast %scan3A_210 : i32 to index
        %get3A_1093 = arith.constant 704 : index
        %get3A_1094 = tpu.vector_load %arg9[%get3A_1091, %get3A_1092, %get3A_1093] {strides = array<i32>} : memref<2x16x768xf32, #tpu.memory_space<vmem>>, vector<1x1x16xf32>,
        %get3A_1095 = vector.shape_cast %get3A_1094 : vector<1x1x16xf32> to vector<16xf32>
        %get3A_1096 = arith.constant 0 : i32
        %get3A_1097 = arith.index_cast %get3A_1096 : i32 to index
        %get3A_1098 = arith.index_cast %scan3A_210 : i32 to index
        %get3A_1099 = arith.constant 704 : index
        %get3A_1100 = tpu.vector_load %arg10[%get3A_1097, %get3A_1098, %get3A_1099] {strides = array<i32>} : memref<2x16x768xf32, #tpu.memory_space<vmem>>, vector<1x1x16xf32>,
        %get3A_1101 = vector.shape_cast %get3A_1100 : vector<1x1x16xf32> to vector<16xf32>
        %add3A_1102 = arith.addf %get3A_1095, %get3A_1101 : vector<16xf32>
        %swap3A_1103 = arith.constant 0 : i32
        %swap3A_1104 = arith.index_cast %swap3A_1103 : i32 to index
        %swap3A_1105 = arith.index_cast %scan3A_210 : i32 to index
        %swap3A_1106 = arith.constant 704 : index
        %swap3A_1107 = tpu.vector_load %arg11[%swap3A_1104, %swap3A_1105, %swap3A_1106] {strides = array<i32>} : memref<2x16x768xf32, #tpu.memory_space<vmem>>, vector<1x1x16xf32>,
        %swap3A_1108 = vector.shape_cast %swap3A_1107 : vector<1x1x16xf32> to vector<16xf32>
        %swap3A_1109 = vector.shape_cast %add3A_1102 : vector<16xf32> to vector<1x1x16xf32>
        tpu.vector_store %arg11[%swap3A_1104, %swap3A_1105, %swap3A_1106], %swap3A_1109 {strides = array<i32>} : memref<2x16x768xf32, #tpu.memory_space<vmem>>, vector<1x1x16xf32>,
        %get3A_1110 = arith.constant 0 : i32
        %get3A_1111 = arith.index_cast %get3A_1110 : i32 to index
        %get3A_1112 = arith.index_cast %scan3A_210 : i32 to index
        %get3A_1113 = arith.constant 720 : index
        %get3A_1114 = tpu.vector_load %arg9[%get3A_1111, %get3A_1112, %get3A_1113] {strides = array<i32>} : memref<2x16x768xf32, #tpu.memory_space<vmem>>, vector<1x1x16xf32>,
        %get3A_1115 = vector.shape_cast %get3A_1114 : vector<1x1x16xf32> to vector<16xf32>
        %get3A_1116 = arith.constant 0 : i32
        %get3A_1117 = arith.index_cast %get3A_1116 : i32 to index
        %get3A_1118 = arith.index_cast %scan3A_210 : i32 to index
        %get3A_1119 = arith.constant 720 : index
        %get3A_1120 = tpu.vector_load %arg10[%get3A_1117, %get3A_1118, %get3A_1119] {strides = array<i32>} : memref<2x16x768xf32, #tpu.memory_space<vmem>>, vector<1x1x16xf32>,
        %get3A_1121 = vector.shape_cast %get3A_1120 : vector<1x1x16xf32> to vector<16xf32>
        %add3A_1122 = arith.addf %get3A_1115, %get3A_1121 : vector<16xf32>
        %swap3A_1123 = arith.constant 0 : i32
        %swap3A_1124 = arith.index_cast %swap3A_1123 : i32 to index
        %swap3A_1125 = arith.index_cast %scan3A_210 : i32 to index
        %swap3A_1126 = arith.constant 720 : index
        %swap3A_1127 = tpu.vector_load %arg11[%swap3A_1124, %swap3A_1125, %swap3A_1126] {strides = array<i32>} : memref<2x16x768xf32, #tpu.memory_space<vmem>>, vector<1x1x16xf32>,
        %swap3A_1128 = vector.shape_cast %swap3A_1127 : vector<1x1x16xf32> to vector<16xf32>
        %swap3A_1129 = vector.shape_cast %add3A_1122 : vector<16xf32> to vector<1x1x16xf32>
        tpu.vector_store %arg11[%swap3A_1124, %swap3A_1125, %swap3A_1126], %swap3A_1129 {strides = array<i32>} : memref<2x16x768xf32, #tpu.memory_space<vmem>>, vector<1x1x16xf32>,
        %get3A_1130 = arith.constant 0 : i32
        %get3A_1131 = arith.index_cast %get3A_1130 : i32 to index
        %get3A_1132 = arith.index_cast %scan3A_210 : i32 to index
        %get3A_1133 = arith.constant 736 : index
        %get3A_1134 = tpu.vector_load %arg9[%get3A_1131, %get3A_1132, %get3A_1133] {strides = array<i32>} : memref<2x16x768xf32, #tpu.memory_space<vmem>>, vector<1x1x16xf32>,
        %get3A_1135 = vector.shape_cast %get3A_1134 : vector<1x1x16xf32> to vector<16xf32>
        %get3A_1136 = arith.constant 0 : i32
        %get3A_1137 = arith.index_cast %get3A_1136 : i32 to index
        %get3A_1138 = arith.index_cast %scan3A_210 : i32 to index
        %get3A_1139 = arith.constant 736 : index
        %get3A_1140 = tpu.vector_load %arg10[%get3A_1137, %get3A_1138, %get3A_1139] {strides = array<i32>} : memref<2x16x768xf32, #tpu.memory_space<vmem>>, vector<1x1x16xf32>,
        %get3A_1141 = vector.shape_cast %get3A_1140 : vector<1x1x16xf32> to vector<16xf32>
        %add3A_1142 = arith.addf %get3A_1135, %get3A_1141 : vector<16xf32>
        %swap3A_1143 = arith.constant 0 : i32
        %swap3A_1144 = arith.index_cast %swap3A_1143 : i32 to index
        %swap3A_1145 = arith.index_cast %scan3A_210 : i32 to index
        %swap3A_1146 = arith.constant 736 : index
        %swap3A_1147 = tpu.vector_load %arg11[%swap3A_1144, %swap3A_1145, %swap3A_1146] {strides = array<i32>} : memref<2x16x768xf32, #tpu.memory_space<vmem>>, vector<1x1x16xf32>,
        %swap3A_1148 = vector.shape_cast %swap3A_1147 : vector<1x1x16xf32> to vector<16xf32>
        %swap3A_1149 = vector.shape_cast %add3A_1142 : vector<16xf32> to vector<1x1x16xf32>
        tpu.vector_store %arg11[%swap3A_1144, %swap3A_1145, %swap3A_1146], %swap3A_1149 {strides = array<i32>} : memref<2x16x768xf32, #tpu.memory_space<vmem>>, vector<1x1x16xf32>,
        %get3A_1150 = arith.constant 0 : i32
        %get3A_1151 = arith.index_cast %get3A_1150 : i32 to index
        %get3A_1152 = arith.index_cast %scan3A_210 : i32 to index
        %get3A_1153 = arith.constant 752 : index
        %get3A_1154 = tpu.vector_load %arg9[%get3A_1151, %get3A_1152, %get3A_1153] {strides = array<i32>} : memref<2x16x768xf32, #tpu.memory_space<vmem>>, vector<1x1x16xf32>,
        %get3A_1155 = vector.shape_cast %get3A_1154 : vector<1x1x16xf32> to vector<16xf32>
        %get3A_1156 = arith.constant 0 : i32
        %get3A_1157 = arith.index_cast %get3A_1156 : i32 to index
        %get3A_1158 = arith.index_cast %scan3A_210 : i32 to index
        %get3A_1159 = arith.constant 752 : index
        %get3A_1160 = tpu.vector_load %arg10[%get3A_1157, %get3A_1158, %get3A_1159] {strides = array<i32>} : memref<2x16x768xf32, #tpu.memory_space<vmem>>, vector<1x1x16xf32>,
        %get3A_1161 = vector.shape_cast %get3A_1160 : vector<1x1x16xf32> to vector<16xf32>
        %add3A_1162 = arith.addf %get3A_1155, %get3A_1161 : vector<16xf32>
        %swap3A_1163 = arith.constant 0 : i32
        %swap3A_1164 = arith.index_cast %swap3A_1163 : i32 to index
        %swap3A_1165 = arith.index_cast %scan3A_210 : i32 to index
        %swap3A_1166 = arith.constant 752 : index
        %swap3A_1167 = tpu.vector_load %arg11[%swap3A_1164, %swap3A_1165, %swap3A_1166] {strides = array<i32>} : memref<2x16x768xf32, #tpu.memory_space<vmem>>, vector<1x1x16xf32>,
        %swap3A_1168 = vector.shape_cast %swap3A_1167 : vector<1x1x16xf32> to vector<16xf32>
        %swap3A_1169 = vector.shape_cast %add3A_1162 : vector<16xf32> to vector<1x1x16xf32>
        tpu.vector_store %arg11[%swap3A_1164, %swap3A_1165, %swap3A_1166], %swap3A_1169 {strides = array<i32>} : memref<2x16x768xf32, #tpu.memory_space<vmem>>, vector<1x1x16xf32>,
      }
      %scan3A_121 = arith.constant 16 : i32
      %add3A_122 = arith.constant 2 : i32
      %add3A_123 = arith.addi %add3A_83, %add3A_122 : i32
      %lt3A = arith.constant 100 : i32
      %lt3A_124 = arith.cmpi slt, %add3A_123, %lt3A : i32
      %convert_element_type3A_125 = arith.extui %lt3A_124 : i1 to i32
      %cond3A_126 = arith.constant 0 : i32
      %cond3A_127 = arith.cmpi ne, %convert_element_type3A_125, %cond3A_126 : i32
      scf.if %cond3A_127 {
        %add3A_210 = arith.constant 2 : i32
        %add3A_211 = arith.addi %add3A_83, %add3A_210 : i32
        %mul3A_212 = arith.constant 16 : i32
        %mul3A_213 = arith.muli %add3A_211, %mul3A_212 : i32
        %get3A_214 = arith.index_cast %mul3A_213 : i32 to index
        %get3A_215 = tpu.vector_load %arg7[%get3A_214] {strides = array<i32>} : memref<1600xi32, #tpu.memory_space<vmem>>, vector<16xi32>,
        %get3A_216 = vector.shape_cast %get3A_215 : vector<16xi32> to vector<16xi32>
        %mul3A_217 = arith.constant 16 : i32
        %mul3A_218 = arith.muli %add3A_211, %mul3A_217 : i32
        %get3A_219 = arith.index_cast %mul3A_218 : i32 to index
        %get3A_220 = tpu.vector_load %arg8[%get3A_219] {strides = array<i32>} : memref<1600xi32, #tpu.memory_space<vmem>>, vector<16xi32>,
        %get3A_221 = vector.shape_cast %get3A_220 : vector<16xi32> to vector<16xi32>
        %dma_start3A_222 = arith.constant 0 : i32
        %dma_start3A_223 = arith.constant 0 : i32
        %dma_start3A_224 = arith.constant 0 : i32
        %dma_start3A_225 = tpu.memref_slice %arg9[%dma_start3A_222, %dma_start3A_223, %dma_start3A_224] : memref<2x16x768xf32, #tpu.memory_space<vmem>> -> memref<1x16x768xf32, #tpu.memory_space<vmem>>
        %dma_start3A_226 = tpu.memref_squeeze %dma_start3A_225 : memref<1x16x768xf32, #tpu.memory_space<vmem>> -> memref<16x768xf32, #tpu.memory_space<vmem>>
        %dma_start3A_227 = arith.constant 0 : i32
        %dma_start3A_228 = arith.constant 0 : i32
        %dma_start3A_229 = tpu.memref_slice %arg2[%dma_start3A_227, %dma_start3A_228] : memref<100000x768xf32, #tpu.memory_space<hbm>> -> memref<100000x768xf32, #tpu.memory_space<hbm>>
        tpu.enqueue_indirect_dma source(%dma_start3A_229 : memref<100000x768xf32, #tpu.memory_space<hbm>>) target(%dma_start3A_226 : memref<16x768xf32, #tpu.memory_space<vmem>>) offsets(%get3A_216 : vector<16xi32>) semaphore(%arg12 : memref<!tpu.dma_semaphore, #tpu.memory_space<semaphore_mem>>)
        %dma_start3A_230 = arith.constant 0 : i32
        %dma_start3A_231 = arith.constant 0 : i32
        %dma_start3A_232 = arith.constant 0 : i32
        %dma_start3A_233 = tpu.memref_slice %arg10[%dma_start3A_230, %dma_start3A_231, %dma_start3A_232] : memref<2x16x768xf32, #tpu.memory_space<vmem>> -> memref<1x16x768xf32, #tpu.memory_space<vmem>>
        %dma_start3A_234 = tpu.memref_squeeze %dma_start3A_233 : memref<1x16x768xf32, #tpu.memory_space<vmem>> -> memref<16x768xf32, #tpu.memory_space<vmem>>
        %dma_start3A_235 = arith.constant 0 : i32
        %dma_start3A_236 = arith.constant 0 : i32
        %dma_start3A_237 = tpu.memref_slice %arg3[%dma_start3A_235, %dma_start3A_236] : memref<100000x768xf32, #tpu.memory_space<hbm>> -> memref<100000x768xf32, #tpu.memory_space<hbm>>
        tpu.enqueue_indirect_dma source(%dma_start3A_237 : memref<100000x768xf32, #tpu.memory_space<hbm>>) target(%dma_start3A_234 : memref<16x768xf32, #tpu.memory_space<vmem>>) offsets(%get3A_221 : vector<16xi32>) semaphore(%arg14 : memref<!tpu.dma_semaphore, #tpu.memory_space<semaphore_mem>>)
      } else {
      }
      %mul3A_128 = arith.constant 16 : i32
      %mul3A_129 = arith.muli %add3A_83, %mul3A_128 : i32
      %add3A_130 = arith.addi %mul3A_2, %mul3A_129 : i32
      %dma_start3A_131 = arith.constant 0 : i32
      %dma_start3A_132 = arith.constant 0 : i32
      %dma_start3A_133 = arith.constant 0 : i32
      %dma_start3A_134 = tpu.memref_slice %arg11[%dma_start3A_131, %dma_start3A_132, %dma_start3A_133] : memref<2x16x768xf32, #tpu.memory_space<vmem>> -> memref<1x16x768xf32, #tpu.memory_space<vmem>>
      %dma_start3A_135 = tpu.memref_squeeze %dma_start3A_134 : memref<1x16x768xf32, #tpu.memory_space<vmem>> -> memref<16x768xf32, #tpu.memory_space<vmem>>
      %dma_start3A_136 = arith.constant 0 : i32
      %dma_start3A_137 = tpu.memref_slice %arg6[%add3A_130, %dma_start3A_136] : memref<51200x768xf32, #tpu.memory_space<hbm>> -> memref<16x768xf32, #tpu.memory_space<hbm>>
      %dma_start3A_138 = arith.constant 0 : i32
      %dma_start3A_139 = tpu.memref_slice %arg6[%add3A_130, %dma_start3A_138] : memref<51200x768xf32, #tpu.memory_space<hbm>> -> memref<16x768xf32, #tpu.memory_space<hbm>>
      %dma_start3A_140 = arith.constant 0 : i32
      %dma_start3A_141 = arith.constant 0 : i32
      %dma_start3A_142 = tpu.memref_slice %arg11[%dma_start3A_131, %dma_start3A_140, %dma_start3A_141] : memref<2x16x768xf32, #tpu.memory_space<vmem>> -> memref<1x16x768xf32, #tpu.memory_space<vmem>>
      %dma_start3A_143 = tpu.memref_squeeze %dma_start3A_142 : memref<1x16x768xf32, #tpu.memory_space<vmem>> -> memref<16x768xf32, #tpu.memory_space<vmem>>
      tpu.enqueue_dma source(%dma_start3A_143 : memref<16x768xf32, #tpu.memory_space<vmem>>) target(%dma_start3A_139 : memref<16x768xf32, #tpu.memory_space<hbm>>) target_semaphore(%arg16 : memref<!tpu.dma_semaphore, #tpu.memory_space<semaphore_mem>>)
      %add3A_144 = arith.constant 1 : i32
      %add3A_145 = arith.addi %mul3A_81, %add3A_144 : i32
      %dma_wait3A_146 = arith.constant 1 : i32
      %dma_wait3A_147 = arith.constant 0 : i32
      %dma_wait3A_148 = arith.constant 0 : i32
      %dma_wait3A_149 = tpu.memref_slice %arg9[%dma_wait3A_146, %dma_wait3A_147, %dma_wait3A_148] : memref<2x16x768xf32, #tpu.memory_space<vmem>> -> memref<1x16x768xf32, #tpu.memory_space<vmem>>
      %dma_wait3A_150 = tpu.memref_squeeze %dma_wait3A_149 : memref<1x16x768xf32, #tpu.memory_space<vmem>> -> memref<16x768xf32, #tpu.memory_space<vmem>>
      %dma_wait3A_151 = arith.constant 0 : i32
      %dma_wait3A_152 = arith.constant 0 : i32
      %dma_wait3A_153 = tpu.memref_slice %arg2[%dma_wait3A_151, %dma_wait3A_152] : memref<100000x768xf32, #tpu.memory_space<hbm>> -> memref<16x768xf32, #tpu.memory_space<hbm>>
      %dma_wait3A_154 = arith.constant 0 : i32
      %dma_wait3A_155 = arith.constant 0 : i32
      %dma_wait3A_156 = tpu.memref_slice %arg9[%dma_wait3A_146, %dma_wait3A_154, %dma_wait3A_155] : memref<2x16x768xf32, #tpu.memory_space<vmem>> -> memref<1x16x768xf32, #tpu.memory_space<vmem>>
      %dma_wait3A_157 = tpu.memref_squeeze %dma_wait3A_156 : memref<1x16x768xf32, #tpu.memory_space<vmem>> -> memref<16x768xf32, #tpu.memory_space<vmem>>
      %dma_wait3A_158 = arith.constant 0 : i32
      %dma_wait3A_159 = arith.constant 0 : i32
      %dma_wait3A_160 = tpu.memref_slice %arg2[%dma_wait3A_158, %dma_wait3A_159] : memref<100000x768xf32, #tpu.memory_space<hbm>> -> memref<16x768xf32, #tpu.memory_space<hbm>>
      tpu.wait_dma2 semaphore(%arg13 : memref<!tpu.dma_semaphore, #tpu.memory_space<semaphore_mem>>) src(%dma_wait3A_160 : memref<16x768xf32, #tpu.memory_space<hbm>>) dst(%dma_wait3A_157 : memref<16x768xf32, #tpu.memory_space<vmem>>)
      %dma_wait3A_161 = arith.constant 1 : i32
      %dma_wait3A_162 = arith.constant 0 : i32
      %dma_wait3A_163 = arith.constant 0 : i32
      %dma_wait3A_164 = tpu.memref_slice %arg10[%dma_wait3A_161, %dma_wait3A_162, %dma_wait3A_163] : memref<2x16x768xf32, #tpu.memory_space<vmem>> -> memref<1x16x768xf32, #tpu.memory_space<vmem>>
      %dma_wait3A_165 = tpu.memref_squeeze %dma_wait3A_164 : memref<1x16x768xf32, #tpu.memory_space<vmem>> -> memref<16x768xf32, #tpu.memory_space<vmem>>
      %dma_wait3A_166 = arith.constant 0 : i32
      %dma_wait3A_167 = arith.constant 0 : i32
      %dma_wait3A_168 = tpu.memref_slice %arg3[%dma_wait3A_166, %dma_wait3A_167] : memref<100000x768xf32, #tpu.memory_space<hbm>> -> memref<16x768xf32, #tpu.memory_space<hbm>>
      %dma_wait3A_169 = arith.constant 0 : i32
      %dma_wait3A_170 = arith.constant 0 : i32
      %dma_wait3A_171 = tpu.memref_slice %arg10[%dma_wait3A_161, %dma_wait3A_169, %dma_wait3A_170] : memref<2x16x768xf32, #tpu.memory_space<vmem>> -> memref<1x16x768xf32, #tpu.memory_space<vmem>>
      %dma_wait3A_172 = tpu.memref_squeeze %dma_wait3A_171 : memref<1x16x768xf32, #tpu.memory_space<vmem>> -> memref<16x768xf32, #tpu.memory_space<vmem>>
      %dma_wait3A_173 = arith.constant 0 : i32
      %dma_wait3A_174 = arith.constant 0 : i32
      %dma_wait3A_175 = tpu.memref_slice %arg3[%dma_wait3A_173, %dma_wait3A_174] : memref<100000x768xf32, #tpu.memory_space<hbm>> -> memref<16x768xf32, #tpu.memory_space<hbm>>
      tpu.wait_dma2 semaphore(%arg15 : memref<!tpu.dma_semaphore, #tpu.memory_space<semaphore_mem>>) src(%dma_wait3A_175 : memref<16x768xf32, #tpu.memory_space<hbm>>) dst(%dma_wait3A_172 : memref<16x768xf32, #tpu.memory_space<vmem>>)
      %ge3A_176 = arith.constant 2 : i32
      %ge3A_177 = arith.cmpi sge, %add3A_145, %ge3A_176 : i32
      %convert_element_type3A_178 = arith.extui %ge3A_177 : i1 to i32
      %cond3A_179 = arith.constant 0 : i32
      %cond3A_180 = arith.cmpi ne, %convert_element_type3A_178, %cond3A_179 : i32
      scf.if %cond3A_180 {
        %dma_wait3A_210 = arith.constant 1 : i32
        %dma_wait3A_211 = arith.constant 0 : i32
        %dma_wait3A_212 = arith.constant 0 : i32
        %dma_wait3A_213 = tpu.memref_slice %arg11[%dma_wait3A_210, %dma_wait3A_211, %dma_wait3A_212] : memref<2x16x768xf32, #tpu.memory_space<vmem>> -> memref<1x16x768xf32, #tpu.memory_space<vmem>>
        %dma_wait3A_214 = tpu.memref_squeeze %dma_wait3A_213 : memref<1x16x768xf32, #tpu.memory_space<vmem>> -> memref<16x768xf32, #tpu.memory_space<vmem>>
        %dma_wait3A_215 = arith.constant 0 : i32
        %dma_wait3A_216 = arith.constant 0 : i32
        %dma_wait3A_217 = tpu.memref_slice %arg6[%dma_wait3A_215, %dma_wait3A_216] : memref<51200x768xf32, #tpu.memory_space<hbm>> -> memref<16x768xf32, #tpu.memory_space<hbm>>
        %dma_wait3A_218 = arith.constant 0 : i32
        %dma_wait3A_219 = arith.constant 0 : i32
        %dma_wait3A_220 = tpu.memref_slice %arg6[%dma_wait3A_218, %dma_wait3A_219] : memref<51200x768xf32, #tpu.memory_space<hbm>> -> memref<16x768xf32, #tpu.memory_space<hbm>>
        %dma_wait3A_221 = arith.constant 0 : i32
        %dma_wait3A_222 = arith.constant 0 : i32
        %dma_wait3A_223 = tpu.memref_slice %arg11[%dma_wait3A_210, %dma_wait3A_221, %dma_wait3A_222] : memref<2x16x768xf32, #tpu.memory_space<vmem>> -> memref<1x16x768xf32, #tpu.memory_space<vmem>>
        %dma_wait3A_224 = tpu.memref_squeeze %dma_wait3A_223 : memref<1x16x768xf32, #tpu.memory_space<vmem>> -> memref<16x768xf32, #tpu.memory_space<vmem>>
        tpu.wait_dma2 semaphore(%arg17 : memref<!tpu.dma_semaphore, #tpu.memory_space<semaphore_mem>>) src(%dma_wait3A_224 : memref<16x768xf32, #tpu.memory_space<vmem>>) dst(%dma_wait3A_220 : memref<16x768xf32, #tpu.memory_space<hbm>>)
      } else {
      }
      %scan3A_181 = arith.constant 0 : i32
      %scan3A_182 = arith.constant 0 : i32
      %scan3A_183 = arith.constant 16 : i32
      %scan3A_184 = arith.addi %scan3A_182, %scan3A_183 : i32
      %scan3A_185 = arith.constant 1 : i32
      scf.for %scan3A_210 = %scan3A_182 to %scan3A_184 step %scan3A_185  : i32 {
        %get3A_211 = arith.constant 1 : i32
        %get3A_212 = arith.index_cast %get3A_211 : i32 to index
        %get3A_213 = arith.index_cast %scan3A_210 : i32 to index
        %get3A_214 = arith.constant 0 : index
        %get3A_215 = tpu.vector_load %arg9[%get3A_212, %get3A_213, %get3A_214] {strides = array<i32>} : memref<2x16x768xf32, #tpu.memory_space<vmem>>, vector<1x1x16xf32>,
        %get3A_216 = vector.shape_cast %get3A_215 : vector<1x1x16xf32> to vector<16xf32>
        %get3A_217 = arith.constant 1 : i32
        %get3A_218 = arith.index_cast %get3A_217 : i32 to index
        %get3A_219 = arith.index_cast %scan3A_210 : i32 to index
        %get3A_220 = arith.constant 0 : index
        %get3A_221 = tpu.vector_load %arg10[%get3A_218, %get3A_219, %get3A_220] {strides = array<i32>} : memref<2x16x768xf32, #tpu.memory_space<vmem>>, vector<1x1x16xf32>,
        %get3A_222 = vector.shape_cast %get3A_221 : vector<1x1x16xf32> to vector<16xf32>
        %add3A_223 = arith.addf %get3A_216, %get3A_222 : vector<16xf32>
        %swap3A = arith.constant 1 : i32
        %swap3A_224 = arith.index_cast %swap3A : i32 to index
        %swap3A_225 = arith.index_cast %scan3A_210 : i32 to index
        %swap3A_226 = arith.constant 0 : index
        %swap3A_227 = tpu.vector_load %arg11[%swap3A_224, %swap3A_225, %swap3A_226] {strides = array<i32>} : memref<2x16x768xf32, #tpu.memory_space<vmem>>, vector<1x1x16xf32>,
        %swap3A_228 = vector.shape_cast %swap3A_227 : vector<1x1x16xf32> to vector<16xf32>
        %swap3A_229 = vector.shape_cast %add3A_223 : vector<16xf32> to vector<1x1x16xf32>
        tpu.vector_store %arg11[%swap3A_224, %swap3A_225, %swap3A_226], %swap3A_229 {strides = array<i32>} : memref<2x16x768xf32, #tpu.memory_space<vmem>>, vector<1x1x16xf32>,
        %get3A_230 = arith.constant 1 : i32
        %get3A_231 = arith.index_cast %get3A_230 : i32 to index
        %get3A_232 = arith.index_cast %scan3A_210 : i32 to index
        %get3A_233 = arith.constant 16 : index
        %get3A_234 = tpu.vector_load %arg9[%get3A_231, %get3A_232, %get3A_233] {strides = array<i32>} : memref<2x16x768xf32, #tpu.memory_space<vmem>>, vector<1x1x16xf32>,
        %get3A_235 = vector.shape_cast %get3A_234 : vector<1x1x16xf32> to vector<16xf32>
        %get3A_236 = arith.constant 1 : i32
        %get3A_237 = arith.index_cast %get3A_236 : i32 to index
        %get3A_238 = arith.index_cast %scan3A_210 : i32 to index
        %get3A_239 = arith.constant 16 : index
        %get3A_240 = tpu.vector_load %arg10[%get3A_237, %get3A_238, %get3A_239] {strides = array<i32>} : memref<2x16x768xf32, #tpu.memory_space<vmem>>, vector<1x1x16xf32>,
        %get3A_241 = vector.shape_cast %get3A_240 : vector<1x1x16xf32> to vector<16xf32>
        %add3A_242 = arith.addf %get3A_235, %get3A_241 : vector<16xf32>
        %swap3A_243 = arith.constant 1 : i32
        %swap3A_244 = arith.index_cast %swap3A_243 : i32 to index
        %swap3A_245 = arith.index_cast %scan3A_210 : i32 to index
        %swap3A_246 = arith.constant 16 : index
        %swap3A_247 = tpu.vector_load %arg11[%swap3A_244, %swap3A_245, %swap3A_246] {strides = array<i32>} : memref<2x16x768xf32, #tpu.memory_space<vmem>>, vector<1x1x16xf32>,
        %swap3A_248 = vector.shape_cast %swap3A_247 : vector<1x1x16xf32> to vector<16xf32>
        %swap3A_249 = vector.shape_cast %add3A_242 : vector<16xf32> to vector<1x1x16xf32>
        tpu.vector_store %arg11[%swap3A_244, %swap3A_245, %swap3A_246], %swap3A_249 {strides = array<i32>} : memref<2x16x768xf32, #tpu.memory_space<vmem>>, vector<1x1x16xf32>,
        %get3A_250 = arith.constant 1 : i32
        %get3A_251 = arith.index_cast %get3A_250 : i32 to index
        %get3A_252 = arith.index_cast %scan3A_210 : i32 to index
        %get3A_253 = arith.constant 32 : index
        %get3A_254 = tpu.vector_load %arg9[%get3A_251, %get3A_252, %get3A_253] {strides = array<i32>} : memref<2x16x768xf32, #tpu.memory_space<vmem>>, vector<1x1x16xf32>,
        %get3A_255 = vector.shape_cast %get3A_254 : vector<1x1x16xf32> to vector<16xf32>
        %get3A_256 = arith.constant 1 : i32
        %get3A_257 = arith.index_cast %get3A_256 : i32 to index
        %get3A_258 = arith.index_cast %scan3A_210 : i32 to index
        %get3A_259 = arith.constant 32 : index
        %get3A_260 = tpu.vector_load %arg10[%get3A_257, %get3A_258, %get3A_259] {strides = array<i32>} : memref<2x16x768xf32, #tpu.memory_space<vmem>>, vector<1x1x16xf32>,
        %get3A_261 = vector.shape_cast %get3A_260 : vector<1x1x16xf32> to vector<16xf32>
        %add3A_262 = arith.addf %get3A_255, %get3A_261 : vector<16xf32>
        %swap3A_263 = arith.constant 1 : i32
        %swap3A_264 = arith.index_cast %swap3A_263 : i32 to index
        %swap3A_265 = arith.index_cast %scan3A_210 : i32 to index
        %swap3A_266 = arith.constant 32 : index
        %swap3A_267 = tpu.vector_load %arg11[%swap3A_264, %swap3A_265, %swap3A_266] {strides = array<i32>} : memref<2x16x768xf32, #tpu.memory_space<vmem>>, vector<1x1x16xf32>,
        %swap3A_268 = vector.shape_cast %swap3A_267 : vector<1x1x16xf32> to vector<16xf32>
        %swap3A_269 = vector.shape_cast %add3A_262 : vector<16xf32> to vector<1x1x16xf32>
        tpu.vector_store %arg11[%swap3A_264, %swap3A_265, %swap3A_266], %swap3A_269 {strides = array<i32>} : memref<2x16x768xf32, #tpu.memory_space<vmem>>, vector<1x1x16xf32>,
        %get3A_270 = arith.constant 1 : i32
        %get3A_271 = arith.index_cast %get3A_270 : i32 to index
        %get3A_272 = arith.index_cast %scan3A_210 : i32 to index
        %get3A_273 = arith.constant 48 : index
        %get3A_274 = tpu.vector_load %arg9[%get3A_271, %get3A_272, %get3A_273] {strides = array<i32>} : memref<2x16x768xf32, #tpu.memory_space<vmem>>, vector<1x1x16xf32>,
        %get3A_275 = vector.shape_cast %get3A_274 : vector<1x1x16xf32> to vector<16xf32>
        %get3A_276 = arith.constant 1 : i32
        %get3A_277 = arith.index_cast %get3A_276 : i32 to index
        %get3A_278 = arith.index_cast %scan3A_210 : i32 to index
        %get3A_279 = arith.constant 48 : index
        %get3A_280 = tpu.vector_load %arg10[%get3A_277, %get3A_278, %get3A_279] {strides = array<i32>} : memref<2x16x768xf32, #tpu.memory_space<vmem>>, vector<1x1x16xf32>,
        %get3A_281 = vector.shape_cast %get3A_280 : vector<1x1x16xf32> to vector<16xf32>
        %add3A_282 = arith.addf %get3A_275, %get3A_281 : vector<16xf32>
        %swap3A_283 = arith.constant 1 : i32
        %swap3A_284 = arith.index_cast %swap3A_283 : i32 to index
        %swap3A_285 = arith.index_cast %scan3A_210 : i32 to index
        %swap3A_286 = arith.constant 48 : index
        %swap3A_287 = tpu.vector_load %arg11[%swap3A_284, %swap3A_285, %swap3A_286] {strides = array<i32>} : memref<2x16x768xf32, #tpu.memory_space<vmem>>, vector<1x1x16xf32>,
        %swap3A_288 = vector.shape_cast %swap3A_287 : vector<1x1x16xf32> to vector<16xf32>
        %swap3A_289 = vector.shape_cast %add3A_282 : vector<16xf32> to vector<1x1x16xf32>
        tpu.vector_store %arg11[%swap3A_284, %swap3A_285, %swap3A_286], %swap3A_289 {strides = array<i32>} : memref<2x16x768xf32, #tpu.memory_space<vmem>>, vector<1x1x16xf32>,
        %get3A_290 = arith.constant 1 : i32
        %get3A_291 = arith.index_cast %get3A_290 : i32 to index
        %get3A_292 = arith.index_cast %scan3A_210 : i32 to index
        %get3A_293 = arith.constant 64 : index
        %get3A_294 = tpu.vector_load %arg9[%get3A_291, %get3A_292, %get3A_293] {strides = array<i32>} : memref<2x16x768xf32, #tpu.memory_space<vmem>>, vector<1x1x16xf32>,
        %get3A_295 = vector.shape_cast %get3A_294 : vector<1x1x16xf32> to vector<16xf32>
        %get3A_296 = arith.constant 1 : i32
        %get3A_297 = arith.index_cast %get3A_296 : i32 to index
        %get3A_298 = arith.index_cast %scan3A_210 : i32 to index
        %get3A_299 = arith.constant 64 : index
        %get3A_300 = tpu.vector_load %arg10[%get3A_297, %get3A_298, %get3A_299] {strides = array<i32>} : memref<2x16x768xf32, #tpu.memory_space<vmem>>, vector<1x1x16xf32>,
        %get3A_301 = vector.shape_cast %get3A_300 : vector<1x1x16xf32> to vector<16xf32>
        %add3A_302 = arith.addf %get3A_295, %get3A_301 : vector<16xf32>
        %swap3A_303 = arith.constant 1 : i32
        %swap3A_304 = arith.index_cast %swap3A_303 : i32 to index
        %swap3A_305 = arith.index_cast %scan3A_210 : i32 to index
        %swap3A_306 = arith.constant 64 : index
        %swap3A_307 = tpu.vector_load %arg11[%swap3A_304, %swap3A_305, %swap3A_306] {strides = array<i32>} : memref<2x16x768xf32, #tpu.memory_space<vmem>>, vector<1x1x16xf32>,
        %swap3A_308 = vector.shape_cast %swap3A_307 : vector<1x1x16xf32> to vector<16xf32>
        %swap3A_309 = vector.shape_cast %add3A_302 : vector<16xf32> to vector<1x1x16xf32>
        tpu.vector_store %arg11[%swap3A_304, %swap3A_305, %swap3A_306], %swap3A_309 {strides = array<i32>} : memref<2x16x768xf32, #tpu.memory_space<vmem>>, vector<1x1x16xf32>,
        %get3A_310 = arith.constant 1 : i32
        %get3A_311 = arith.index_cast %get3A_310 : i32 to index
        %get3A_312 = arith.index_cast %scan3A_210 : i32 to index
        %get3A_313 = arith.constant 80 : index
        %get3A_314 = tpu.vector_load %arg9[%get3A_311, %get3A_312, %get3A_313] {strides = array<i32>} : memref<2x16x768xf32, #tpu.memory_space<vmem>>, vector<1x1x16xf32>,
        %get3A_315 = vector.shape_cast %get3A_314 : vector<1x1x16xf32> to vector<16xf32>
        %get3A_316 = arith.constant 1 : i32
        %get3A_317 = arith.index_cast %get3A_316 : i32 to index
        %get3A_318 = arith.index_cast %scan3A_210 : i32 to index
        %get3A_319 = arith.constant 80 : index
        %get3A_320 = tpu.vector_load %arg10[%get3A_317, %get3A_318, %get3A_319] {strides = array<i32>} : memref<2x16x768xf32, #tpu.memory_space<vmem>>, vector<1x1x16xf32>,
        %get3A_321 = vector.shape_cast %get3A_320 : vector<1x1x16xf32> to vector<16xf32>
        %add3A_322 = arith.addf %get3A_315, %get3A_321 : vector<16xf32>
        %swap3A_323 = arith.constant 1 : i32
        %swap3A_324 = arith.index_cast %swap3A_323 : i32 to index
        %swap3A_325 = arith.index_cast %scan3A_210 : i32 to index
        %swap3A_326 = arith.constant 80 : index
        %swap3A_327 = tpu.vector_load %arg11[%swap3A_324, %swap3A_325, %swap3A_326] {strides = array<i32>} : memref<2x16x768xf32, #tpu.memory_space<vmem>>, vector<1x1x16xf32>,
        %swap3A_328 = vector.shape_cast %swap3A_327 : vector<1x1x16xf32> to vector<16xf32>
        %swap3A_329 = vector.shape_cast %add3A_322 : vector<16xf32> to vector<1x1x16xf32>
        tpu.vector_store %arg11[%swap3A_324, %swap3A_325, %swap3A_326], %swap3A_329 {strides = array<i32>} : memref<2x16x768xf32, #tpu.memory_space<vmem>>, vector<1x1x16xf32>,
        %get3A_330 = arith.constant 1 : i32
        %get3A_331 = arith.index_cast %get3A_330 : i32 to index
        %get3A_332 = arith.index_cast %scan3A_210 : i32 to index
        %get3A_333 = arith.constant 96 : index
        %get3A_334 = tpu.vector_load %arg9[%get3A_331, %get3A_332, %get3A_333] {strides = array<i32>} : memref<2x16x768xf32, #tpu.memory_space<vmem>>, vector<1x1x16xf32>,
        %get3A_335 = vector.shape_cast %get3A_334 : vector<1x1x16xf32> to vector<16xf32>
        %get3A_336 = arith.constant 1 : i32
        %get3A_337 = arith.index_cast %get3A_336 : i32 to index
        %get3A_338 = arith.index_cast %scan3A_210 : i32 to index
        %get3A_339 = arith.constant 96 : index
        %get3A_340 = tpu.vector_load %arg10[%get3A_337, %get3A_338, %get3A_339] {strides = array<i32>} : memref<2x16x768xf32, #tpu.memory_space<vmem>>, vector<1x1x16xf32>,
        %get3A_341 = vector.shape_cast %get3A_340 : vector<1x1x16xf32> to vector<16xf32>
        %add3A_342 = arith.addf %get3A_335, %get3A_341 : vector<16xf32>
        %swap3A_343 = arith.constant 1 : i32
        %swap3A_344 = arith.index_cast %swap3A_343 : i32 to index
        %swap3A_345 = arith.index_cast %scan3A_210 : i32 to index
        %swap3A_346 = arith.constant 96 : index
        %swap3A_347 = tpu.vector_load %arg11[%swap3A_344, %swap3A_345, %swap3A_346] {strides = array<i32>} : memref<2x16x768xf32, #tpu.memory_space<vmem>>, vector<1x1x16xf32>,
        %swap3A_348 = vector.shape_cast %swap3A_347 : vector<1x1x16xf32> to vector<16xf32>
        %swap3A_349 = vector.shape_cast %add3A_342 : vector<16xf32> to vector<1x1x16xf32>
        tpu.vector_store %arg11[%swap3A_344, %swap3A_345, %swap3A_346], %swap3A_349 {strides = array<i32>} : memref<2x16x768xf32, #tpu.memory_space<vmem>>, vector<1x1x16xf32>,
        %get3A_350 = arith.constant 1 : i32
        %get3A_351 = arith.index_cast %get3A_350 : i32 to index
        %get3A_352 = arith.index_cast %scan3A_210 : i32 to index
        %get3A_353 = arith.constant 112 : index
        %get3A_354 = tpu.vector_load %arg9[%get3A_351, %get3A_352, %get3A_353] {strides = array<i32>} : memref<2x16x768xf32, #tpu.memory_space<vmem>>, vector<1x1x16xf32>,
        %get3A_355 = vector.shape_cast %get3A_354 : vector<1x1x16xf32> to vector<16xf32>
        %get3A_356 = arith.constant 1 : i32
        %get3A_357 = arith.index_cast %get3A_356 : i32 to index
        %get3A_358 = arith.index_cast %scan3A_210 : i32 to index
        %get3A_359 = arith.constant 112 : index
        %get3A_360 = tpu.vector_load %arg10[%get3A_357, %get3A_358, %get3A_359] {strides = array<i32>} : memref<2x16x768xf32, #tpu.memory_space<vmem>>, vector<1x1x16xf32>,
        %get3A_361 = vector.shape_cast %get3A_360 : vector<1x1x16xf32> to vector<16xf32>
        %add3A_362 = arith.addf %get3A_355, %get3A_361 : vector<16xf32>
        %swap3A_363 = arith.constant 1 : i32
        %swap3A_364 = arith.index_cast %swap3A_363 : i32 to index
        %swap3A_365 = arith.index_cast %scan3A_210 : i32 to index
        %swap3A_366 = arith.constant 112 : index
        %swap3A_367 = tpu.vector_load %arg11[%swap3A_364, %swap3A_365, %swap3A_366] {strides = array<i32>} : memref<2x16x768xf32, #tpu.memory_space<vmem>>, vector<1x1x16xf32>,
        %swap3A_368 = vector.shape_cast %swap3A_367 : vector<1x1x16xf32> to vector<16xf32>
        %swap3A_369 = vector.shape_cast %add3A_362 : vector<16xf32> to vector<1x1x16xf32>
        tpu.vector_store %arg11[%swap3A_364, %swap3A_365, %swap3A_366], %swap3A_369 {strides = array<i32>} : memref<2x16x768xf32, #tpu.memory_space<vmem>>, vector<1x1x16xf32>,
        %get3A_370 = arith.constant 1 : i32
        %get3A_371 = arith.index_cast %get3A_370 : i32 to index
        %get3A_372 = arith.index_cast %scan3A_210 : i32 to index
        %get3A_373 = arith.constant 128 : index
        %get3A_374 = tpu.vector_load %arg9[%get3A_371, %get3A_372, %get3A_373] {strides = array<i32>} : memref<2x16x768xf32, #tpu.memory_space<vmem>>, vector<1x1x16xf32>,
        %get3A_375 = vector.shape_cast %get3A_374 : vector<1x1x16xf32> to vector<16xf32>
        %get3A_376 = arith.constant 1 : i32
        %get3A_377 = arith.index_cast %get3A_376 : i32 to index
        %get3A_378 = arith.index_cast %scan3A_210 : i32 to index
        %get3A_379 = arith.constant 128 : index
        %get3A_380 = tpu.vector_load %arg10[%get3A_377, %get3A_378, %get3A_379] {strides = array<i32>} : memref<2x16x768xf32, #tpu.memory_space<vmem>>, vector<1x1x16xf32>,
        %get3A_381 = vector.shape_cast %get3A_380 : vector<1x1x16xf32> to vector<16xf32>
        %add3A_382 = arith.addf %get3A_375, %get3A_381 : vector<16xf32>
        %swap3A_383 = arith.constant 1 : i32
        %swap3A_384 = arith.index_cast %swap3A_383 : i32 to index
        %swap3A_385 = arith.index_cast %scan3A_210 : i32 to index
        %swap3A_386 = arith.constant 128 : index
        %swap3A_387 = tpu.vector_load %arg11[%swap3A_384, %swap3A_385, %swap3A_386] {strides = array<i32>} : memref<2x16x768xf32, #tpu.memory_space<vmem>>, vector<1x1x16xf32>,
        %swap3A_388 = vector.shape_cast %swap3A_387 : vector<1x1x16xf32> to vector<16xf32>
        %swap3A_389 = vector.shape_cast %add3A_382 : vector<16xf32> to vector<1x1x16xf32>
        tpu.vector_store %arg11[%swap3A_384, %swap3A_385, %swap3A_386], %swap3A_389 {strides = array<i32>} : memref<2x16x768xf32, #tpu.memory_space<vmem>>, vector<1x1x16xf32>,
        %get3A_390 = arith.constant 1 : i32
        %get3A_391 = arith.index_cast %get3A_390 : i32 to index
        %get3A_392 = arith.index_cast %scan3A_210 : i32 to index
        %get3A_393 = arith.constant 144 : index
        %get3A_394 = tpu.vector_load %arg9[%get3A_391, %get3A_392, %get3A_393] {strides = array<i32>} : memref<2x16x768xf32, #tpu.memory_space<vmem>>, vector<1x1x16xf32>,
        %get3A_395 = vector.shape_cast %get3A_394 : vector<1x1x16xf32> to vector<16xf32>
        %get3A_396 = arith.constant 1 : i32
        %get3A_397 = arith.index_cast %get3A_396 : i32 to index
        %get3A_398 = arith.index_cast %scan3A_210 : i32 to index
        %get3A_399 = arith.constant 144 : index
        %get3A_400 = tpu.vector_load %arg10[%get3A_397, %get3A_398, %get3A_399] {strides = array<i32>} : memref<2x16x768xf32, #tpu.memory_space<vmem>>, vector<1x1x16xf32>,
        %get3A_401 = vector.shape_cast %get3A_400 : vector<1x1x16xf32> to vector<16xf32>
        %add3A_402 = arith.addf %get3A_395, %get3A_401 : vector<16xf32>
        %swap3A_403 = arith.constant 1 : i32
        %swap3A_404 = arith.index_cast %swap3A_403 : i32 to index
        %swap3A_405 = arith.index_cast %scan3A_210 : i32 to index
        %swap3A_406 = arith.constant 144 : index
        %swap3A_407 = tpu.vector_load %arg11[%swap3A_404, %swap3A_405, %swap3A_406] {strides = array<i32>} : memref<2x16x768xf32, #tpu.memory_space<vmem>>, vector<1x1x16xf32>,
        %swap3A_408 = vector.shape_cast %swap3A_407 : vector<1x1x16xf32> to vector<16xf32>
        %swap3A_409 = vector.shape_cast %add3A_402 : vector<16xf32> to vector<1x1x16xf32>
        tpu.vector_store %arg11[%swap3A_404, %swap3A_405, %swap3A_406], %swap3A_409 {strides = array<i32>} : memref<2x16x768xf32, #tpu.memory_space<vmem>>, vector<1x1x16xf32>,
        %get3A_410 = arith.constant 1 : i32
        %get3A_411 = arith.index_cast %get3A_410 : i32 to index
        %get3A_412 = arith.index_cast %scan3A_210 : i32 to index
        %get3A_413 = arith.constant 160 : index
        %get3A_414 = tpu.vector_load %arg9[%get3A_411, %get3A_412, %get3A_413] {strides = array<i32>} : memref<2x16x768xf32, #tpu.memory_space<vmem>>, vector<1x1x16xf32>,
        %get3A_415 = vector.shape_cast %get3A_414 : vector<1x1x16xf32> to vector<16xf32>
        %get3A_416 = arith.constant 1 : i32
        %get3A_417 = arith.index_cast %get3A_416 : i32 to index
        %get3A_418 = arith.index_cast %scan3A_210 : i32 to index
        %get3A_419 = arith.constant 160 : index
        %get3A_420 = tpu.vector_load %arg10[%get3A_417, %get3A_418, %get3A_419] {strides = array<i32>} : memref<2x16x768xf32, #tpu.memory_space<vmem>>, vector<1x1x16xf32>,
        %get3A_421 = vector.shape_cast %get3A_420 : vector<1x1x16xf32> to vector<16xf32>
        %add3A_422 = arith.addf %get3A_415, %get3A_421 : vector<16xf32>
        %swap3A_423 = arith.constant 1 : i32
        %swap3A_424 = arith.index_cast %swap3A_423 : i32 to index
        %swap3A_425 = arith.index_cast %scan3A_210 : i32 to index
        %swap3A_426 = arith.constant 160 : index
        %swap3A_427 = tpu.vector_load %arg11[%swap3A_424, %swap3A_425, %swap3A_426] {strides = array<i32>} : memref<2x16x768xf32, #tpu.memory_space<vmem>>, vector<1x1x16xf32>,
        %swap3A_428 = vector.shape_cast %swap3A_427 : vector<1x1x16xf32> to vector<16xf32>
        %swap3A_429 = vector.shape_cast %add3A_422 : vector<16xf32> to vector<1x1x16xf32>
        tpu.vector_store %arg11[%swap3A_424, %swap3A_425, %swap3A_426], %swap3A_429 {strides = array<i32>} : memref<2x16x768xf32, #tpu.memory_space<vmem>>, vector<1x1x16xf32>,
        %get3A_430 = arith.constant 1 : i32
        %get3A_431 = arith.index_cast %get3A_430 : i32 to index
        %get3A_432 = arith.index_cast %scan3A_210 : i32 to index
        %get3A_433 = arith.constant 176 : index
        %get3A_434 = tpu.vector_load %arg9[%get3A_431, %get3A_432, %get3A_433] {strides = array<i32>} : memref<2x16x768xf32, #tpu.memory_space<vmem>>, vector<1x1x16xf32>,
        %get3A_435 = vector.shape_cast %get3A_434 : vector<1x1x16xf32> to vector<16xf32>
        %get3A_436 = arith.constant 1 : i32
        %get3A_437 = arith.index_cast %get3A_436 : i32 to index
        %get3A_438 = arith.index_cast %scan3A_210 : i32 to index
        %get3A_439 = arith.constant 176 : index
        %get3A_440 = tpu.vector_load %arg10[%get3A_437, %get3A_438, %get3A_439] {strides = array<i32>} : memref<2x16x768xf32, #tpu.memory_space<vmem>>, vector<1x1x16xf32>,
        %get3A_441 = vector.shape_cast %get3A_440 : vector<1x1x16xf32> to vector<16xf32>
        %add3A_442 = arith.addf %get3A_435, %get3A_441 : vector<16xf32>
        %swap3A_443 = arith.constant 1 : i32
        %swap3A_444 = arith.index_cast %swap3A_443 : i32 to index
        %swap3A_445 = arith.index_cast %scan3A_210 : i32 to index
        %swap3A_446 = arith.constant 176 : index
        %swap3A_447 = tpu.vector_load %arg11[%swap3A_444, %swap3A_445, %swap3A_446] {strides = array<i32>} : memref<2x16x768xf32, #tpu.memory_space<vmem>>, vector<1x1x16xf32>,
        %swap3A_448 = vector.shape_cast %swap3A_447 : vector<1x1x16xf32> to vector<16xf32>
        %swap3A_449 = vector.shape_cast %add3A_442 : vector<16xf32> to vector<1x1x16xf32>
        tpu.vector_store %arg11[%swap3A_444, %swap3A_445, %swap3A_446], %swap3A_449 {strides = array<i32>} : memref<2x16x768xf32, #tpu.memory_space<vmem>>, vector<1x1x16xf32>,
        %get3A_450 = arith.constant 1 : i32
        %get3A_451 = arith.index_cast %get3A_450 : i32 to index
        %get3A_452 = arith.index_cast %scan3A_210 : i32 to index
        %get3A_453 = arith.constant 192 : index
        %get3A_454 = tpu.vector_load %arg9[%get3A_451, %get3A_452, %get3A_453] {strides = array<i32>} : memref<2x16x768xf32, #tpu.memory_space<vmem>>, vector<1x1x16xf32>,
        %get3A_455 = vector.shape_cast %get3A_454 : vector<1x1x16xf32> to vector<16xf32>
        %get3A_456 = arith.constant 1 : i32
        %get3A_457 = arith.index_cast %get3A_456 : i32 to index
        %get3A_458 = arith.index_cast %scan3A_210 : i32 to index
        %get3A_459 = arith.constant 192 : index
        %get3A_460 = tpu.vector_load %arg10[%get3A_457, %get3A_458, %get3A_459] {strides = array<i32>} : memref<2x16x768xf32, #tpu.memory_space<vmem>>, vector<1x1x16xf32>,
        %get3A_461 = vector.shape_cast %get3A_460 : vector<1x1x16xf32> to vector<16xf32>
        %add3A_462 = arith.addf %get3A_455, %get3A_461 : vector<16xf32>
        %swap3A_463 = arith.constant 1 : i32
        %swap3A_464 = arith.index_cast %swap3A_463 : i32 to index
        %swap3A_465 = arith.index_cast %scan3A_210 : i32 to index
        %swap3A_466 = arith.constant 192 : index
        %swap3A_467 = tpu.vector_load %arg11[%swap3A_464, %swap3A_465, %swap3A_466] {strides = array<i32>} : memref<2x16x768xf32, #tpu.memory_space<vmem>>, vector<1x1x16xf32>,
        %swap3A_468 = vector.shape_cast %swap3A_467 : vector<1x1x16xf32> to vector<16xf32>
        %swap3A_469 = vector.shape_cast %add3A_462 : vector<16xf32> to vector<1x1x16xf32>
        tpu.vector_store %arg11[%swap3A_464, %swap3A_465, %swap3A_466], %swap3A_469 {strides = array<i32>} : memref<2x16x768xf32, #tpu.memory_space<vmem>>, vector<1x1x16xf32>,
        %get3A_470 = arith.constant 1 : i32
        %get3A_471 = arith.index_cast %get3A_470 : i32 to index
        %get3A_472 = arith.index_cast %scan3A_210 : i32 to index
        %get3A_473 = arith.constant 208 : index
        %get3A_474 = tpu.vector_load %arg9[%get3A_471, %get3A_472, %get3A_473] {strides = array<i32>} : memref<2x16x768xf32, #tpu.memory_space<vmem>>, vector<1x1x16xf32>,
        %get3A_475 = vector.shape_cast %get3A_474 : vector<1x1x16xf32> to vector<16xf32>
        %get3A_476 = arith.constant 1 : i32
        %get3A_477 = arith.index_cast %get3A_476 : i32 to index
        %get3A_478 = arith.index_cast %scan3A_210 : i32 to index
        %get3A_479 = arith.constant 208 : index
        %get3A_480 = tpu.vector_load %arg10[%get3A_477, %get3A_478, %get3A_479] {strides = array<i32>} : memref<2x16x768xf32, #tpu.memory_space<vmem>>, vector<1x1x16xf32>,
        %get3A_481 = vector.shape_cast %get3A_480 : vector<1x1x16xf32> to vector<16xf32>
        %add3A_482 = arith.addf %get3A_475, %get3A_481 : vector<16xf32>
        %swap3A_483 = arith.constant 1 : i32
        %swap3A_484 = arith.index_cast %swap3A_483 : i32 to index
        %swap3A_485 = arith.index_cast %scan3A_210 : i32 to index
        %swap3A_486 = arith.constant 208 : index
        %swap3A_487 = tpu.vector_load %arg11[%swap3A_484, %swap3A_485, %swap3A_486] {strides = array<i32>} : memref<2x16x768xf32, #tpu.memory_space<vmem>>, vector<1x1x16xf32>,
        %swap3A_488 = vector.shape_cast %swap3A_487 : vector<1x1x16xf32> to vector<16xf32>
        %swap3A_489 = vector.shape_cast %add3A_482 : vector<16xf32> to vector<1x1x16xf32>
        tpu.vector_store %arg11[%swap3A_484, %swap3A_485, %swap3A_486], %swap3A_489 {strides = array<i32>} : memref<2x16x768xf32, #tpu.memory_space<vmem>>, vector<1x1x16xf32>,
        %get3A_490 = arith.constant 1 : i32
        %get3A_491 = arith.index_cast %get3A_490 : i32 to index
        %get3A_492 = arith.index_cast %scan3A_210 : i32 to index
        %get3A_493 = arith.constant 224 : index
        %get3A_494 = tpu.vector_load %arg9[%get3A_491, %get3A_492, %get3A_493] {strides = array<i32>} : memref<2x16x768xf32, #tpu.memory_space<vmem>>, vector<1x1x16xf32>,
        %get3A_495 = vector.shape_cast %get3A_494 : vector<1x1x16xf32> to vector<16xf32>
        %get3A_496 = arith.constant 1 : i32
        %get3A_497 = arith.index_cast %get3A_496 : i32 to index
        %get3A_498 = arith.index_cast %scan3A_210 : i32 to index
        %get3A_499 = arith.constant 224 : index
        %get3A_500 = tpu.vector_load %arg10[%get3A_497, %get3A_498, %get3A_499] {strides = array<i32>} : memref<2x16x768xf32, #tpu.memory_space<vmem>>, vector<1x1x16xf32>,
        %get3A_501 = vector.shape_cast %get3A_500 : vector<1x1x16xf32> to vector<16xf32>
        %add3A_502 = arith.addf %get3A_495, %get3A_501 : vector<16xf32>
        %swap3A_503 = arith.constant 1 : i32
        %swap3A_504 = arith.index_cast %swap3A_503 : i32 to index
        %swap3A_505 = arith.index_cast %scan3A_210 : i32 to index
        %swap3A_506 = arith.constant 224 : index
        %swap3A_507 = tpu.vector_load %arg11[%swap3A_504, %swap3A_505, %swap3A_506] {strides = array<i32>} : memref<2x16x768xf32, #tpu.memory_space<vmem>>, vector<1x1x16xf32>,
        %swap3A_508 = vector.shape_cast %swap3A_507 : vector<1x1x16xf32> to vector<16xf32>
        %swap3A_509 = vector.shape_cast %add3A_502 : vector<16xf32> to vector<1x1x16xf32>
        tpu.vector_store %arg11[%swap3A_504, %swap3A_505, %swap3A_506], %swap3A_509 {strides = array<i32>} : memref<2x16x768xf32, #tpu.memory_space<vmem>>, vector<1x1x16xf32>,
        %get3A_510 = arith.constant 1 : i32
        %get3A_511 = arith.index_cast %get3A_510 : i32 to index
        %get3A_512 = arith.index_cast %scan3A_210 : i32 to index
        %get3A_513 = arith.constant 240 : index
        %get3A_514 = tpu.vector_load %arg9[%get3A_511, %get3A_512, %get3A_513] {strides = array<i32>} : memref<2x16x768xf32, #tpu.memory_space<vmem>>, vector<1x1x16xf32>,
        %get3A_515 = vector.shape_cast %get3A_514 : vector<1x1x16xf32> to vector<16xf32>
        %get3A_516 = arith.constant 1 : i32
        %get3A_517 = arith.index_cast %get3A_516 : i32 to index
        %get3A_518 = arith.index_cast %scan3A_210 : i32 to index
        %get3A_519 = arith.constant 240 : index
        %get3A_520 = tpu.vector_load %arg10[%get3A_517, %get3A_518, %get3A_519] {strides = array<i32>} : memref<2x16x768xf32, #tpu.memory_space<vmem>>, vector<1x1x16xf32>,
        %get3A_521 = vector.shape_cast %get3A_520 : vector<1x1x16xf32> to vector<16xf32>
        %add3A_522 = arith.addf %get3A_515, %get3A_521 : vector<16xf32>
        %swap3A_523 = arith.constant 1 : i32
        %swap3A_524 = arith.index_cast %swap3A_523 : i32 to index
        %swap3A_525 = arith.index_cast %scan3A_210 : i32 to index
        %swap3A_526 = arith.constant 240 : index
        %swap3A_527 = tpu.vector_load %arg11[%swap3A_524, %swap3A_525, %swap3A_526] {strides = array<i32>} : memref<2x16x768xf32, #tpu.memory_space<vmem>>, vector<1x1x16xf32>,
        %swap3A_528 = vector.shape_cast %swap3A_527 : vector<1x1x16xf32> to vector<16xf32>
        %swap3A_529 = vector.shape_cast %add3A_522 : vector<16xf32> to vector<1x1x16xf32>
        tpu.vector_store %arg11[%swap3A_524, %swap3A_525, %swap3A_526], %swap3A_529 {strides = array<i32>} : memref<2x16x768xf32, #tpu.memory_space<vmem>>, vector<1x1x16xf32>,
        %get3A_530 = arith.constant 1 : i32
        %get3A_531 = arith.index_cast %get3A_530 : i32 to index
        %get3A_532 = arith.index_cast %scan3A_210 : i32 to index
        %get3A_533 = arith.constant 256 : index
        %get3A_534 = tpu.vector_load %arg9[%get3A_531, %get3A_532, %get3A_533] {strides = array<i32>} : memref<2x16x768xf32, #tpu.memory_space<vmem>>, vector<1x1x16xf32>,
        %get3A_535 = vector.shape_cast %get3A_534 : vector<1x1x16xf32> to vector<16xf32>
        %get3A_536 = arith.constant 1 : i32
        %get3A_537 = arith.index_cast %get3A_536 : i32 to index
        %get3A_538 = arith.index_cast %scan3A_210 : i32 to index
        %get3A_539 = arith.constant 256 : index
        %get3A_540 = tpu.vector_load %arg10[%get3A_537, %get3A_538, %get3A_539] {strides = array<i32>} : memref<2x16x768xf32, #tpu.memory_space<vmem>>, vector<1x1x16xf32>,
        %get3A_541 = vector.shape_cast %get3A_540 : vector<1x1x16xf32> to vector<16xf32>
        %add3A_542 = arith.addf %get3A_535, %get3A_541 : vector<16xf32>
        %swap3A_543 = arith.constant 1 : i32
        %swap3A_544 = arith.index_cast %swap3A_543 : i32 to index
        %swap3A_545 = arith.index_cast %scan3A_210 : i32 to index
        %swap3A_546 = arith.constant 256 : index
        %swap3A_547 = tpu.vector_load %arg11[%swap3A_544, %swap3A_545, %swap3A_546] {strides = array<i32>} : memref<2x16x768xf32, #tpu.memory_space<vmem>>, vector<1x1x16xf32>,
        %swap3A_548 = vector.shape_cast %swap3A_547 : vector<1x1x16xf32> to vector<16xf32>
        %swap3A_549 = vector.shape_cast %add3A_542 : vector<16xf32> to vector<1x1x16xf32>
        tpu.vector_store %arg11[%swap3A_544, %swap3A_545, %swap3A_546], %swap3A_549 {strides = array<i32>} : memref<2x16x768xf32, #tpu.memory_space<vmem>>, vector<1x1x16xf32>,
        %get3A_550 = arith.constant 1 : i32
        %get3A_551 = arith.index_cast %get3A_550 : i32 to index
        %get3A_552 = arith.index_cast %scan3A_210 : i32 to index
        %get3A_553 = arith.constant 272 : index
        %get3A_554 = tpu.vector_load %arg9[%get3A_551, %get3A_552, %get3A_553] {strides = array<i32>} : memref<2x16x768xf32, #tpu.memory_space<vmem>>, vector<1x1x16xf32>,
        %get3A_555 = vector.shape_cast %get3A_554 : vector<1x1x16xf32> to vector<16xf32>
        %get3A_556 = arith.constant 1 : i32
        %get3A_557 = arith.index_cast %get3A_556 : i32 to index
        %get3A_558 = arith.index_cast %scan3A_210 : i32 to index
        %get3A_559 = arith.constant 272 : index
        %get3A_560 = tpu.vector_load %arg10[%get3A_557, %get3A_558, %get3A_559] {strides = array<i32>} : memref<2x16x768xf32, #tpu.memory_space<vmem>>, vector<1x1x16xf32>,
        %get3A_561 = vector.shape_cast %get3A_560 : vector<1x1x16xf32> to vector<16xf32>
        %add3A_562 = arith.addf %get3A_555, %get3A_561 : vector<16xf32>
        %swap3A_563 = arith.constant 1 : i32
        %swap3A_564 = arith.index_cast %swap3A_563 : i32 to index
        %swap3A_565 = arith.index_cast %scan3A_210 : i32 to index
        %swap3A_566 = arith.constant 272 : index
        %swap3A_567 = tpu.vector_load %arg11[%swap3A_564, %swap3A_565, %swap3A_566] {strides = array<i32>} : memref<2x16x768xf32, #tpu.memory_space<vmem>>, vector<1x1x16xf32>,
        %swap3A_568 = vector.shape_cast %swap3A_567 : vector<1x1x16xf32> to vector<16xf32>
        %swap3A_569 = vector.shape_cast %add3A_562 : vector<16xf32> to vector<1x1x16xf32>
        tpu.vector_store %arg11[%swap3A_564, %swap3A_565, %swap3A_566], %swap3A_569 {strides = array<i32>} : memref<2x16x768xf32, #tpu.memory_space<vmem>>, vector<1x1x16xf32>,
        %get3A_570 = arith.constant 1 : i32
        %get3A_571 = arith.index_cast %get3A_570 : i32 to index
        %get3A_572 = arith.index_cast %scan3A_210 : i32 to index
        %get3A_573 = arith.constant 288 : index
        %get3A_574 = tpu.vector_load %arg9[%get3A_571, %get3A_572, %get3A_573] {strides = array<i32>} : memref<2x16x768xf32, #tpu.memory_space<vmem>>, vector<1x1x16xf32>,
        %get3A_575 = vector.shape_cast %get3A_574 : vector<1x1x16xf32> to vector<16xf32>
        %get3A_576 = arith.constant 1 : i32
        %get3A_577 = arith.index_cast %get3A_576 : i32 to index
        %get3A_578 = arith.index_cast %scan3A_210 : i32 to index
        %get3A_579 = arith.constant 288 : index
        %get3A_580 = tpu.vector_load %arg10[%get3A_577, %get3A_578, %get3A_579] {strides = array<i32>} : memref<2x16x768xf32, #tpu.memory_space<vmem>>, vector<1x1x16xf32>,
        %get3A_581 = vector.shape_cast %get3A_580 : vector<1x1x16xf32> to vector<16xf32>
        %add3A_582 = arith.addf %get3A_575, %get3A_581 : vector<16xf32>
        %swap3A_583 = arith.constant 1 : i32
        %swap3A_584 = arith.index_cast %swap3A_583 : i32 to index
        %swap3A_585 = arith.index_cast %scan3A_210 : i32 to index
        %swap3A_586 = arith.constant 288 : index
        %swap3A_587 = tpu.vector_load %arg11[%swap3A_584, %swap3A_585, %swap3A_586] {strides = array<i32>} : memref<2x16x768xf32, #tpu.memory_space<vmem>>, vector<1x1x16xf32>,
        %swap3A_588 = vector.shape_cast %swap3A_587 : vector<1x1x16xf32> to vector<16xf32>
        %swap3A_589 = vector.shape_cast %add3A_582 : vector<16xf32> to vector<1x1x16xf32>
        tpu.vector_store %arg11[%swap3A_584, %swap3A_585, %swap3A_586], %swap3A_589 {strides = array<i32>} : memref<2x16x768xf32, #tpu.memory_space<vmem>>, vector<1x1x16xf32>,
        %get3A_590 = arith.constant 1 : i32
        %get3A_591 = arith.index_cast %get3A_590 : i32 to index
        %get3A_592 = arith.index_cast %scan3A_210 : i32 to index
        %get3A_593 = arith.constant 304 : index
        %get3A_594 = tpu.vector_load %arg9[%get3A_591, %get3A_592, %get3A_593] {strides = array<i32>} : memref<2x16x768xf32, #tpu.memory_space<vmem>>, vector<1x1x16xf32>,
        %get3A_595 = vector.shape_cast %get3A_594 : vector<1x1x16xf32> to vector<16xf32>
        %get3A_596 = arith.constant 1 : i32
        %get3A_597 = arith.index_cast %get3A_596 : i32 to index
        %get3A_598 = arith.index_cast %scan3A_210 : i32 to index
        %get3A_599 = arith.constant 304 : index
        %get3A_600 = tpu.vector_load %arg10[%get3A_597, %get3A_598, %get3A_599] {strides = array<i32>} : memref<2x16x768xf32, #tpu.memory_space<vmem>>, vector<1x1x16xf32>,
        %get3A_601 = vector.shape_cast %get3A_600 : vector<1x1x16xf32> to vector<16xf32>
        %add3A_602 = arith.addf %get3A_595, %get3A_601 : vector<16xf32>
        %swap3A_603 = arith.constant 1 : i32
        %swap3A_604 = arith.index_cast %swap3A_603 : i32 to index
        %swap3A_605 = arith.index_cast %scan3A_210 : i32 to index
        %swap3A_606 = arith.constant 304 : index
        %swap3A_607 = tpu.vector_load %arg11[%swap3A_604, %swap3A_605, %swap3A_606] {strides = array<i32>} : memref<2x16x768xf32, #tpu.memory_space<vmem>>, vector<1x1x16xf32>,
        %swap3A_608 = vector.shape_cast %swap3A_607 : vector<1x1x16xf32> to vector<16xf32>
        %swap3A_609 = vector.shape_cast %add3A_602 : vector<16xf32> to vector<1x1x16xf32>
        tpu.vector_store %arg11[%swap3A_604, %swap3A_605, %swap3A_606], %swap3A_609 {strides = array<i32>} : memref<2x16x768xf32, #tpu.memory_space<vmem>>, vector<1x1x16xf32>,
        %get3A_610 = arith.constant 1 : i32
        %get3A_611 = arith.index_cast %get3A_610 : i32 to index
        %get3A_612 = arith.index_cast %scan3A_210 : i32 to index
        %get3A_613 = arith.constant 320 : index
        %get3A_614 = tpu.vector_load %arg9[%get3A_611, %get3A_612, %get3A_613] {strides = array<i32>} : memref<2x16x768xf32, #tpu.memory_space<vmem>>, vector<1x1x16xf32>,
        %get3A_615 = vector.shape_cast %get3A_614 : vector<1x1x16xf32> to vector<16xf32>
        %get3A_616 = arith.constant 1 : i32
        %get3A_617 = arith.index_cast %get3A_616 : i32 to index
        %get3A_618 = arith.index_cast %scan3A_210 : i32 to index
        %get3A_619 = arith.constant 320 : index
        %get3A_620 = tpu.vector_load %arg10[%get3A_617, %get3A_618, %get3A_619] {strides = array<i32>} : memref<2x16x768xf32, #tpu.memory_space<vmem>>, vector<1x1x16xf32>,
        %get3A_621 = vector.shape_cast %get3A_620 : vector<1x1x16xf32> to vector<16xf32>
        %add3A_622 = arith.addf %get3A_615, %get3A_621 : vector<16xf32>
        %swap3A_623 = arith.constant 1 : i32
        %swap3A_624 = arith.index_cast %swap3A_623 : i32 to index
        %swap3A_625 = arith.index_cast %scan3A_210 : i32 to index
        %swap3A_626 = arith.constant 320 : index
        %swap3A_627 = tpu.vector_load %arg11[%swap3A_624, %swap3A_625, %swap3A_626] {strides = array<i32>} : memref<2x16x768xf32, #tpu.memory_space<vmem>>, vector<1x1x16xf32>,
        %swap3A_628 = vector.shape_cast %swap3A_627 : vector<1x1x16xf32> to vector<16xf32>
        %swap3A_629 = vector.shape_cast %add3A_622 : vector<16xf32> to vector<1x1x16xf32>
        tpu.vector_store %arg11[%swap3A_624, %swap3A_625, %swap3A_626], %swap3A_629 {strides = array<i32>} : memref<2x16x768xf32, #tpu.memory_space<vmem>>, vector<1x1x16xf32>,
        %get3A_630 = arith.constant 1 : i32
        %get3A_631 = arith.index_cast %get3A_630 : i32 to index
        %get3A_632 = arith.index_cast %scan3A_210 : i32 to index
        %get3A_633 = arith.constant 336 : index
        %get3A_634 = tpu.vector_load %arg9[%get3A_631, %get3A_632, %get3A_633] {strides = array<i32>} : memref<2x16x768xf32, #tpu.memory_space<vmem>>, vector<1x1x16xf32>,
        %get3A_635 = vector.shape_cast %get3A_634 : vector<1x1x16xf32> to vector<16xf32>
        %get3A_636 = arith.constant 1 : i32
        %get3A_637 = arith.index_cast %get3A_636 : i32 to index
        %get3A_638 = arith.index_cast %scan3A_210 : i32 to index
        %get3A_639 = arith.constant 336 : index
        %get3A_640 = tpu.vector_load %arg10[%get3A_637, %get3A_638, %get3A_639] {strides = array<i32>} : memref<2x16x768xf32, #tpu.memory_space<vmem>>, vector<1x1x16xf32>,
        %get3A_641 = vector.shape_cast %get3A_640 : vector<1x1x16xf32> to vector<16xf32>
        %add3A_642 = arith.addf %get3A_635, %get3A_641 : vector<16xf32>
        %swap3A_643 = arith.constant 1 : i32
        %swap3A_644 = arith.index_cast %swap3A_643 : i32 to index
        %swap3A_645 = arith.index_cast %scan3A_210 : i32 to index
        %swap3A_646 = arith.constant 336 : index
        %swap3A_647 = tpu.vector_load %arg11[%swap3A_644, %swap3A_645, %swap3A_646] {strides = array<i32>} : memref<2x16x768xf32, #tpu.memory_space<vmem>>, vector<1x1x16xf32>,
        %swap3A_648 = vector.shape_cast %swap3A_647 : vector<1x1x16xf32> to vector<16xf32>
        %swap3A_649 = vector.shape_cast %add3A_642 : vector<16xf32> to vector<1x1x16xf32>
        tpu.vector_store %arg11[%swap3A_644, %swap3A_645, %swap3A_646], %swap3A_649 {strides = array<i32>} : memref<2x16x768xf32, #tpu.memory_space<vmem>>, vector<1x1x16xf32>,
        %get3A_650 = arith.constant 1 : i32
        %get3A_651 = arith.index_cast %get3A_650 : i32 to index
        %get3A_652 = arith.index_cast %scan3A_210 : i32 to index
        %get3A_653 = arith.constant 352 : index
        %get3A_654 = tpu.vector_load %arg9[%get3A_651, %get3A_652, %get3A_653] {strides = array<i32>} : memref<2x16x768xf32, #tpu.memory_space<vmem>>, vector<1x1x16xf32>,
        %get3A_655 = vector.shape_cast %get3A_654 : vector<1x1x16xf32> to vector<16xf32>
        %get3A_656 = arith.constant 1 : i32
        %get3A_657 = arith.index_cast %get3A_656 : i32 to index
        %get3A_658 = arith.index_cast %scan3A_210 : i32 to index
        %get3A_659 = arith.constant 352 : index
        %get3A_660 = tpu.vector_load %arg10[%get3A_657, %get3A_658, %get3A_659] {strides = array<i32>} : memref<2x16x768xf32, #tpu.memory_space<vmem>>, vector<1x1x16xf32>,
        %get3A_661 = vector.shape_cast %get3A_660 : vector<1x1x16xf32> to vector<16xf32>
        %add3A_662 = arith.addf %get3A_655, %get3A_661 : vector<16xf32>
        %swap3A_663 = arith.constant 1 : i32
        %swap3A_664 = arith.index_cast %swap3A_663 : i32 to index
        %swap3A_665 = arith.index_cast %scan3A_210 : i32 to index
        %swap3A_666 = arith.constant 352 : index
        %swap3A_667 = tpu.vector_load %arg11[%swap3A_664, %swap3A_665, %swap3A_666] {strides = array<i32>} : memref<2x16x768xf32, #tpu.memory_space<vmem>>, vector<1x1x16xf32>,
        %swap3A_668 = vector.shape_cast %swap3A_667 : vector<1x1x16xf32> to vector<16xf32>
        %swap3A_669 = vector.shape_cast %add3A_662 : vector<16xf32> to vector<1x1x16xf32>
        tpu.vector_store %arg11[%swap3A_664, %swap3A_665, %swap3A_666], %swap3A_669 {strides = array<i32>} : memref<2x16x768xf32, #tpu.memory_space<vmem>>, vector<1x1x16xf32>,
        %get3A_670 = arith.constant 1 : i32
        %get3A_671 = arith.index_cast %get3A_670 : i32 to index
        %get3A_672 = arith.index_cast %scan3A_210 : i32 to index
        %get3A_673 = arith.constant 368 : index
        %get3A_674 = tpu.vector_load %arg9[%get3A_671, %get3A_672, %get3A_673] {strides = array<i32>} : memref<2x16x768xf32, #tpu.memory_space<vmem>>, vector<1x1x16xf32>,
        %get3A_675 = vector.shape_cast %get3A_674 : vector<1x1x16xf32> to vector<16xf32>
        %get3A_676 = arith.constant 1 : i32
        %get3A_677 = arith.index_cast %get3A_676 : i32 to index
        %get3A_678 = arith.index_cast %scan3A_210 : i32 to index
        %get3A_679 = arith.constant 368 : index
        %get3A_680 = tpu.vector_load %arg10[%get3A_677, %get3A_678, %get3A_679] {strides = array<i32>} : memref<2x16x768xf32, #tpu.memory_space<vmem>>, vector<1x1x16xf32>,
        %get3A_681 = vector.shape_cast %get3A_680 : vector<1x1x16xf32> to vector<16xf32>
        %add3A_682 = arith.addf %get3A_675, %get3A_681 : vector<16xf32>
        %swap3A_683 = arith.constant 1 : i32
        %swap3A_684 = arith.index_cast %swap3A_683 : i32 to index
        %swap3A_685 = arith.index_cast %scan3A_210 : i32 to index
        %swap3A_686 = arith.constant 368 : index
        %swap3A_687 = tpu.vector_load %arg11[%swap3A_684, %swap3A_685, %swap3A_686] {strides = array<i32>} : memref<2x16x768xf32, #tpu.memory_space<vmem>>, vector<1x1x16xf32>,
        %swap3A_688 = vector.shape_cast %swap3A_687 : vector<1x1x16xf32> to vector<16xf32>
        %swap3A_689 = vector.shape_cast %add3A_682 : vector<16xf32> to vector<1x1x16xf32>
        tpu.vector_store %arg11[%swap3A_684, %swap3A_685, %swap3A_686], %swap3A_689 {strides = array<i32>} : memref<2x16x768xf32, #tpu.memory_space<vmem>>, vector<1x1x16xf32>,
        %get3A_690 = arith.constant 1 : i32
        %get3A_691 = arith.index_cast %get3A_690 : i32 to index
        %get3A_692 = arith.index_cast %scan3A_210 : i32 to index
        %get3A_693 = arith.constant 384 : index
        %get3A_694 = tpu.vector_load %arg9[%get3A_691, %get3A_692, %get3A_693] {strides = array<i32>} : memref<2x16x768xf32, #tpu.memory_space<vmem>>, vector<1x1x16xf32>,
        %get3A_695 = vector.shape_cast %get3A_694 : vector<1x1x16xf32> to vector<16xf32>
        %get3A_696 = arith.constant 1 : i32
        %get3A_697 = arith.index_cast %get3A_696 : i32 to index
        %get3A_698 = arith.index_cast %scan3A_210 : i32 to index
        %get3A_699 = arith.constant 384 : index
        %get3A_700 = tpu.vector_load %arg10[%get3A_697, %get3A_698, %get3A_699] {strides = array<i32>} : memref<2x16x768xf32, #tpu.memory_space<vmem>>, vector<1x1x16xf32>,
        %get3A_701 = vector.shape_cast %get3A_700 : vector<1x1x16xf32> to vector<16xf32>
        %add3A_702 = arith.addf %get3A_695, %get3A_701 : vector<16xf32>
        %swap3A_703 = arith.constant 1 : i32
        %swap3A_704 = arith.index_cast %swap3A_703 : i32 to index
        %swap3A_705 = arith.index_cast %scan3A_210 : i32 to index
        %swap3A_706 = arith.constant 384 : index
        %swap3A_707 = tpu.vector_load %arg11[%swap3A_704, %swap3A_705, %swap3A_706] {strides = array<i32>} : memref<2x16x768xf32, #tpu.memory_space<vmem>>, vector<1x1x16xf32>,
        %swap3A_708 = vector.shape_cast %swap3A_707 : vector<1x1x16xf32> to vector<16xf32>
        %swap3A_709 = vector.shape_cast %add3A_702 : vector<16xf32> to vector<1x1x16xf32>
        tpu.vector_store %arg11[%swap3A_704, %swap3A_705, %swap3A_706], %swap3A_709 {strides = array<i32>} : memref<2x16x768xf32, #tpu.memory_space<vmem>>, vector<1x1x16xf32>,
        %get3A_710 = arith.constant 1 : i32
        %get3A_711 = arith.index_cast %get3A_710 : i32 to index
        %get3A_712 = arith.index_cast %scan3A_210 : i32 to index
        %get3A_713 = arith.constant 400 : index
        %get3A_714 = tpu.vector_load %arg9[%get3A_711, %get3A_712, %get3A_713] {strides = array<i32>} : memref<2x16x768xf32, #tpu.memory_space<vmem>>, vector<1x1x16xf32>,
        %get3A_715 = vector.shape_cast %get3A_714 : vector<1x1x16xf32> to vector<16xf32>
        %get3A_716 = arith.constant 1 : i32
        %get3A_717 = arith.index_cast %get3A_716 : i32 to index
        %get3A_718 = arith.index_cast %scan3A_210 : i32 to index
        %get3A_719 = arith.constant 400 : index
        %get3A_720 = tpu.vector_load %arg10[%get3A_717, %get3A_718, %get3A_719] {strides = array<i32>} : memref<2x16x768xf32, #tpu.memory_space<vmem>>, vector<1x1x16xf32>,
        %get3A_721 = vector.shape_cast %get3A_720 : vector<1x1x16xf32> to vector<16xf32>
        %add3A_722 = arith.addf %get3A_715, %get3A_721 : vector<16xf32>
        %swap3A_723 = arith.constant 1 : i32
        %swap3A_724 = arith.index_cast %swap3A_723 : i32 to index
        %swap3A_725 = arith.index_cast %scan3A_210 : i32 to index
        %swap3A_726 = arith.constant 400 : index
        %swap3A_727 = tpu.vector_load %arg11[%swap3A_724, %swap3A_725, %swap3A_726] {strides = array<i32>} : memref<2x16x768xf32, #tpu.memory_space<vmem>>, vector<1x1x16xf32>,
        %swap3A_728 = vector.shape_cast %swap3A_727 : vector<1x1x16xf32> to vector<16xf32>
        %swap3A_729 = vector.shape_cast %add3A_722 : vector<16xf32> to vector<1x1x16xf32>
        tpu.vector_store %arg11[%swap3A_724, %swap3A_725, %swap3A_726], %swap3A_729 {strides = array<i32>} : memref<2x16x768xf32, #tpu.memory_space<vmem>>, vector<1x1x16xf32>,
        %get3A_730 = arith.constant 1 : i32
        %get3A_731 = arith.index_cast %get3A_730 : i32 to index
        %get3A_732 = arith.index_cast %scan3A_210 : i32 to index
        %get3A_733 = arith.constant 416 : index
        %get3A_734 = tpu.vector_load %arg9[%get3A_731, %get3A_732, %get3A_733] {strides = array<i32>} : memref<2x16x768xf32, #tpu.memory_space<vmem>>, vector<1x1x16xf32>,
        %get3A_735 = vector.shape_cast %get3A_734 : vector<1x1x16xf32> to vector<16xf32>
        %get3A_736 = arith.constant 1 : i32
        %get3A_737 = arith.index_cast %get3A_736 : i32 to index
        %get3A_738 = arith.index_cast %scan3A_210 : i32 to index
        %get3A_739 = arith.constant 416 : index
        %get3A_740 = tpu.vector_load %arg10[%get3A_737, %get3A_738, %get3A_739] {strides = array<i32>} : memref<2x16x768xf32, #tpu.memory_space<vmem>>, vector<1x1x16xf32>,
        %get3A_741 = vector.shape_cast %get3A_740 : vector<1x1x16xf32> to vector<16xf32>
        %add3A_742 = arith.addf %get3A_735, %get3A_741 : vector<16xf32>
        %swap3A_743 = arith.constant 1 : i32
        %swap3A_744 = arith.index_cast %swap3A_743 : i32 to index
        %swap3A_745 = arith.index_cast %scan3A_210 : i32 to index
        %swap3A_746 = arith.constant 416 : index
        %swap3A_747 = tpu.vector_load %arg11[%swap3A_744, %swap3A_745, %swap3A_746] {strides = array<i32>} : memref<2x16x768xf32, #tpu.memory_space<vmem>>, vector<1x1x16xf32>,
        %swap3A_748 = vector.shape_cast %swap3A_747 : vector<1x1x16xf32> to vector<16xf32>
        %swap3A_749 = vector.shape_cast %add3A_742 : vector<16xf32> to vector<1x1x16xf32>
        tpu.vector_store %arg11[%swap3A_744, %swap3A_745, %swap3A_746], %swap3A_749 {strides = array<i32>} : memref<2x16x768xf32, #tpu.memory_space<vmem>>, vector<1x1x16xf32>,
        %get3A_750 = arith.constant 1 : i32
        %get3A_751 = arith.index_cast %get3A_750 : i32 to index
        %get3A_752 = arith.index_cast %scan3A_210 : i32 to index
        %get3A_753 = arith.constant 432 : index
        %get3A_754 = tpu.vector_load %arg9[%get3A_751, %get3A_752, %get3A_753] {strides = array<i32>} : memref<2x16x768xf32, #tpu.memory_space<vmem>>, vector<1x1x16xf32>,
        %get3A_755 = vector.shape_cast %get3A_754 : vector<1x1x16xf32> to vector<16xf32>
        %get3A_756 = arith.constant 1 : i32
        %get3A_757 = arith.index_cast %get3A_756 : i32 to index
        %get3A_758 = arith.index_cast %scan3A_210 : i32 to index
        %get3A_759 = arith.constant 432 : index
        %get3A_760 = tpu.vector_load %arg10[%get3A_757, %get3A_758, %get3A_759] {strides = array<i32>} : memref<2x16x768xf32, #tpu.memory_space<vmem>>, vector<1x1x16xf32>,
        %get3A_761 = vector.shape_cast %get3A_760 : vector<1x1x16xf32> to vector<16xf32>
        %add3A_762 = arith.addf %get3A_755, %get3A_761 : vector<16xf32>
        %swap3A_763 = arith.constant 1 : i32
        %swap3A_764 = arith.index_cast %swap3A_763 : i32 to index
        %swap3A_765 = arith.index_cast %scan3A_210 : i32 to index
        %swap3A_766 = arith.constant 432 : index
        %swap3A_767 = tpu.vector_load %arg11[%swap3A_764, %swap3A_765, %swap3A_766] {strides = array<i32>} : memref<2x16x768xf32, #tpu.memory_space<vmem>>, vector<1x1x16xf32>,
        %swap3A_768 = vector.shape_cast %swap3A_767 : vector<1x1x16xf32> to vector<16xf32>
        %swap3A_769 = vector.shape_cast %add3A_762 : vector<16xf32> to vector<1x1x16xf32>
        tpu.vector_store %arg11[%swap3A_764, %swap3A_765, %swap3A_766], %swap3A_769 {strides = array<i32>} : memref<2x16x768xf32, #tpu.memory_space<vmem>>, vector<1x1x16xf32>,
        %get3A_770 = arith.constant 1 : i32
        %get3A_771 = arith.index_cast %get3A_770 : i32 to index
        %get3A_772 = arith.index_cast %scan3A_210 : i32 to index
        %get3A_773 = arith.constant 448 : index
        %get3A_774 = tpu.vector_load %arg9[%get3A_771, %get3A_772, %get3A_773] {strides = array<i32>} : memref<2x16x768xf32, #tpu.memory_space<vmem>>, vector<1x1x16xf32>,
        %get3A_775 = vector.shape_cast %get3A_774 : vector<1x1x16xf32> to vector<16xf32>
        %get3A_776 = arith.constant 1 : i32
        %get3A_777 = arith.index_cast %get3A_776 : i32 to index
        %get3A_778 = arith.index_cast %scan3A_210 : i32 to index
        %get3A_779 = arith.constant 448 : index
        %get3A_780 = tpu.vector_load %arg10[%get3A_777, %get3A_778, %get3A_779] {strides = array<i32>} : memref<2x16x768xf32, #tpu.memory_space<vmem>>, vector<1x1x16xf32>,
        %get3A_781 = vector.shape_cast %get3A_780 : vector<1x1x16xf32> to vector<16xf32>
        %add3A_782 = arith.addf %get3A_775, %get3A_781 : vector<16xf32>
        %swap3A_783 = arith.constant 1 : i32
        %swap3A_784 = arith.index_cast %swap3A_783 : i32 to index
        %swap3A_785 = arith.index_cast %scan3A_210 : i32 to index
        %swap3A_786 = arith.constant 448 : index
        %swap3A_787 = tpu.vector_load %arg11[%swap3A_784, %swap3A_785, %swap3A_786] {strides = array<i32>} : memref<2x16x768xf32, #tpu.memory_space<vmem>>, vector<1x1x16xf32>,
        %swap3A_788 = vector.shape_cast %swap3A_787 : vector<1x1x16xf32> to vector<16xf32>
        %swap3A_789 = vector.shape_cast %add3A_782 : vector<16xf32> to vector<1x1x16xf32>
        tpu.vector_store %arg11[%swap3A_784, %swap3A_785, %swap3A_786], %swap3A_789 {strides = array<i32>} : memref<2x16x768xf32, #tpu.memory_space<vmem>>, vector<1x1x16xf32>,
        %get3A_790 = arith.constant 1 : i32
        %get3A_791 = arith.index_cast %get3A_790 : i32 to index
        %get3A_792 = arith.index_cast %scan3A_210 : i32 to index
        %get3A_793 = arith.constant 464 : index
        %get3A_794 = tpu.vector_load %arg9[%get3A_791, %get3A_792, %get3A_793] {strides = array<i32>} : memref<2x16x768xf32, #tpu.memory_space<vmem>>, vector<1x1x16xf32>,
        %get3A_795 = vector.shape_cast %get3A_794 : vector<1x1x16xf32> to vector<16xf32>
        %get3A_796 = arith.constant 1 : i32
        %get3A_797 = arith.index_cast %get3A_796 : i32 to index
        %get3A_798 = arith.index_cast %scan3A_210 : i32 to index
        %get3A_799 = arith.constant 464 : index
        %get3A_800 = tpu.vector_load %arg10[%get3A_797, %get3A_798, %get3A_799] {strides = array<i32>} : memref<2x16x768xf32, #tpu.memory_space<vmem>>, vector<1x1x16xf32>,
        %get3A_801 = vector.shape_cast %get3A_800 : vector<1x1x16xf32> to vector<16xf32>
        %add3A_802 = arith.addf %get3A_795, %get3A_801 : vector<16xf32>
        %swap3A_803 = arith.constant 1 : i32
        %swap3A_804 = arith.index_cast %swap3A_803 : i32 to index
        %swap3A_805 = arith.index_cast %scan3A_210 : i32 to index
        %swap3A_806 = arith.constant 464 : index
        %swap3A_807 = tpu.vector_load %arg11[%swap3A_804, %swap3A_805, %swap3A_806] {strides = array<i32>} : memref<2x16x768xf32, #tpu.memory_space<vmem>>, vector<1x1x16xf32>,
        %swap3A_808 = vector.shape_cast %swap3A_807 : vector<1x1x16xf32> to vector<16xf32>
        %swap3A_809 = vector.shape_cast %add3A_802 : vector<16xf32> to vector<1x1x16xf32>
        tpu.vector_store %arg11[%swap3A_804, %swap3A_805, %swap3A_806], %swap3A_809 {strides = array<i32>} : memref<2x16x768xf32, #tpu.memory_space<vmem>>, vector<1x1x16xf32>,
        %get3A_810 = arith.constant 1 : i32
        %get3A_811 = arith.index_cast %get3A_810 : i32 to index
        %get3A_812 = arith.index_cast %scan3A_210 : i32 to index
        %get3A_813 = arith.constant 480 : index
        %get3A_814 = tpu.vector_load %arg9[%get3A_811, %get3A_812, %get3A_813] {strides = array<i32>} : memref<2x16x768xf32, #tpu.memory_space<vmem>>, vector<1x1x16xf32>,
        %get3A_815 = vector.shape_cast %get3A_814 : vector<1x1x16xf32> to vector<16xf32>
        %get3A_816 = arith.constant 1 : i32
        %get3A_817 = arith.index_cast %get3A_816 : i32 to index
        %get3A_818 = arith.index_cast %scan3A_210 : i32 to index
        %get3A_819 = arith.constant 480 : index
        %get3A_820 = tpu.vector_load %arg10[%get3A_817, %get3A_818, %get3A_819] {strides = array<i32>} : memref<2x16x768xf32, #tpu.memory_space<vmem>>, vector<1x1x16xf32>,
        %get3A_821 = vector.shape_cast %get3A_820 : vector<1x1x16xf32> to vector<16xf32>
        %add3A_822 = arith.addf %get3A_815, %get3A_821 : vector<16xf32>
        %swap3A_823 = arith.constant 1 : i32
        %swap3A_824 = arith.index_cast %swap3A_823 : i32 to index
        %swap3A_825 = arith.index_cast %scan3A_210 : i32 to index
        %swap3A_826 = arith.constant 480 : index
        %swap3A_827 = tpu.vector_load %arg11[%swap3A_824, %swap3A_825, %swap3A_826] {strides = array<i32>} : memref<2x16x768xf32, #tpu.memory_space<vmem>>, vector<1x1x16xf32>,
        %swap3A_828 = vector.shape_cast %swap3A_827 : vector<1x1x16xf32> to vector<16xf32>
        %swap3A_829 = vector.shape_cast %add3A_822 : vector<16xf32> to vector<1x1x16xf32>
        tpu.vector_store %arg11[%swap3A_824, %swap3A_825, %swap3A_826], %swap3A_829 {strides = array<i32>} : memref<2x16x768xf32, #tpu.memory_space<vmem>>, vector<1x1x16xf32>,
        %get3A_830 = arith.constant 1 : i32
        %get3A_831 = arith.index_cast %get3A_830 : i32 to index
        %get3A_832 = arith.index_cast %scan3A_210 : i32 to index
        %get3A_833 = arith.constant 496 : index
        %get3A_834 = tpu.vector_load %arg9[%get3A_831, %get3A_832, %get3A_833] {strides = array<i32>} : memref<2x16x768xf32, #tpu.memory_space<vmem>>, vector<1x1x16xf32>,
        %get3A_835 = vector.shape_cast %get3A_834 : vector<1x1x16xf32> to vector<16xf32>
        %get3A_836 = arith.constant 1 : i32
        %get3A_837 = arith.index_cast %get3A_836 : i32 to index
        %get3A_838 = arith.index_cast %scan3A_210 : i32 to index
        %get3A_839 = arith.constant 496 : index
        %get3A_840 = tpu.vector_load %arg10[%get3A_837, %get3A_838, %get3A_839] {strides = array<i32>} : memref<2x16x768xf32, #tpu.memory_space<vmem>>, vector<1x1x16xf32>,
        %get3A_841 = vector.shape_cast %get3A_840 : vector<1x1x16xf32> to vector<16xf32>
        %add3A_842 = arith.addf %get3A_835, %get3A_841 : vector<16xf32>
        %swap3A_843 = arith.constant 1 : i32
        %swap3A_844 = arith.index_cast %swap3A_843 : i32 to index
        %swap3A_845 = arith.index_cast %scan3A_210 : i32 to index
        %swap3A_846 = arith.constant 496 : index
        %swap3A_847 = tpu.vector_load %arg11[%swap3A_844, %swap3A_845, %swap3A_846] {strides = array<i32>} : memref<2x16x768xf32, #tpu.memory_space<vmem>>, vector<1x1x16xf32>,
        %swap3A_848 = vector.shape_cast %swap3A_847 : vector<1x1x16xf32> to vector<16xf32>
        %swap3A_849 = vector.shape_cast %add3A_842 : vector<16xf32> to vector<1x1x16xf32>
        tpu.vector_store %arg11[%swap3A_844, %swap3A_845, %swap3A_846], %swap3A_849 {strides = array<i32>} : memref<2x16x768xf32, #tpu.memory_space<vmem>>, vector<1x1x16xf32>,
        %get3A_850 = arith.constant 1 : i32
        %get3A_851 = arith.index_cast %get3A_850 : i32 to index
        %get3A_852 = arith.index_cast %scan3A_210 : i32 to index
        %get3A_853 = arith.constant 512 : index
        %get3A_854 = tpu.vector_load %arg9[%get3A_851, %get3A_852, %get3A_853] {strides = array<i32>} : memref<2x16x768xf32, #tpu.memory_space<vmem>>, vector<1x1x16xf32>,
        %get3A_855 = vector.shape_cast %get3A_854 : vector<1x1x16xf32> to vector<16xf32>
        %get3A_856 = arith.constant 1 : i32
        %get3A_857 = arith.index_cast %get3A_856 : i32 to index
        %get3A_858 = arith.index_cast %scan3A_210 : i32 to index
        %get3A_859 = arith.constant 512 : index
        %get3A_860 = tpu.vector_load %arg10[%get3A_857, %get3A_858, %get3A_859] {strides = array<i32>} : memref<2x16x768xf32, #tpu.memory_space<vmem>>, vector<1x1x16xf32>,
        %get3A_861 = vector.shape_cast %get3A_860 : vector<1x1x16xf32> to vector<16xf32>
        %add3A_862 = arith.addf %get3A_855, %get3A_861 : vector<16xf32>
        %swap3A_863 = arith.constant 1 : i32
        %swap3A_864 = arith.index_cast %swap3A_863 : i32 to index
        %swap3A_865 = arith.index_cast %scan3A_210 : i32 to index
        %swap3A_866 = arith.constant 512 : index
        %swap3A_867 = tpu.vector_load %arg11[%swap3A_864, %swap3A_865, %swap3A_866] {strides = array<i32>} : memref<2x16x768xf32, #tpu.memory_space<vmem>>, vector<1x1x16xf32>,
        %swap3A_868 = vector.shape_cast %swap3A_867 : vector<1x1x16xf32> to vector<16xf32>
        %swap3A_869 = vector.shape_cast %add3A_862 : vector<16xf32> to vector<1x1x16xf32>
        tpu.vector_store %arg11[%swap3A_864, %swap3A_865, %swap3A_866], %swap3A_869 {strides = array<i32>} : memref<2x16x768xf32, #tpu.memory_space<vmem>>, vector<1x1x16xf32>,
        %get3A_870 = arith.constant 1 : i32
        %get3A_871 = arith.index_cast %get3A_870 : i32 to index
        %get3A_872 = arith.index_cast %scan3A_210 : i32 to index
        %get3A_873 = arith.constant 528 : index
        %get3A_874 = tpu.vector_load %arg9[%get3A_871, %get3A_872, %get3A_873] {strides = array<i32>} : memref<2x16x768xf32, #tpu.memory_space<vmem>>, vector<1x1x16xf32>,
        %get3A_875 = vector.shape_cast %get3A_874 : vector<1x1x16xf32> to vector<16xf32>
        %get3A_876 = arith.constant 1 : i32
        %get3A_877 = arith.index_cast %get3A_876 : i32 to index
        %get3A_878 = arith.index_cast %scan3A_210 : i32 to index
        %get3A_879 = arith.constant 528 : index
        %get3A_880 = tpu.vector_load %arg10[%get3A_877, %get3A_878, %get3A_879] {strides = array<i32>} : memref<2x16x768xf32, #tpu.memory_space<vmem>>, vector<1x1x16xf32>,
        %get3A_881 = vector.shape_cast %get3A_880 : vector<1x1x16xf32> to vector<16xf32>
        %add3A_882 = arith.addf %get3A_875, %get3A_881 : vector<16xf32>
        %swap3A_883 = arith.constant 1 : i32
        %swap3A_884 = arith.index_cast %swap3A_883 : i32 to index
        %swap3A_885 = arith.index_cast %scan3A_210 : i32 to index
        %swap3A_886 = arith.constant 528 : index
        %swap3A_887 = tpu.vector_load %arg11[%swap3A_884, %swap3A_885, %swap3A_886] {strides = array<i32>} : memref<2x16x768xf32, #tpu.memory_space<vmem>>, vector<1x1x16xf32>,
        %swap3A_888 = vector.shape_cast %swap3A_887 : vector<1x1x16xf32> to vector<16xf32>
        %swap3A_889 = vector.shape_cast %add3A_882 : vector<16xf32> to vector<1x1x16xf32>
        tpu.vector_store %arg11[%swap3A_884, %swap3A_885, %swap3A_886], %swap3A_889 {strides = array<i32>} : memref<2x16x768xf32, #tpu.memory_space<vmem>>, vector<1x1x16xf32>,
        %get3A_890 = arith.constant 1 : i32
        %get3A_891 = arith.index_cast %get3A_890 : i32 to index
        %get3A_892 = arith.index_cast %scan3A_210 : i32 to index
        %get3A_893 = arith.constant 544 : index
        %get3A_894 = tpu.vector_load %arg9[%get3A_891, %get3A_892, %get3A_893] {strides = array<i32>} : memref<2x16x768xf32, #tpu.memory_space<vmem>>, vector<1x1x16xf32>,
        %get3A_895 = vector.shape_cast %get3A_894 : vector<1x1x16xf32> to vector<16xf32>
        %get3A_896 = arith.constant 1 : i32
        %get3A_897 = arith.index_cast %get3A_896 : i32 to index
        %get3A_898 = arith.index_cast %scan3A_210 : i32 to index
        %get3A_899 = arith.constant 544 : index
        %get3A_900 = tpu.vector_load %arg10[%get3A_897, %get3A_898, %get3A_899] {strides = array<i32>} : memref<2x16x768xf32, #tpu.memory_space<vmem>>, vector<1x1x16xf32>,
        %get3A_901 = vector.shape_cast %get3A_900 : vector<1x1x16xf32> to vector<16xf32>
        %add3A_902 = arith.addf %get3A_895, %get3A_901 : vector<16xf32>
        %swap3A_903 = arith.constant 1 : i32
        %swap3A_904 = arith.index_cast %swap3A_903 : i32 to index
        %swap3A_905 = arith.index_cast %scan3A_210 : i32 to index
        %swap3A_906 = arith.constant 544 : index
        %swap3A_907 = tpu.vector_load %arg11[%swap3A_904, %swap3A_905, %swap3A_906] {strides = array<i32>} : memref<2x16x768xf32, #tpu.memory_space<vmem>>, vector<1x1x16xf32>,
        %swap3A_908 = vector.shape_cast %swap3A_907 : vector<1x1x16xf32> to vector<16xf32>
        %swap3A_909 = vector.shape_cast %add3A_902 : vector<16xf32> to vector<1x1x16xf32>
        tpu.vector_store %arg11[%swap3A_904, %swap3A_905, %swap3A_906], %swap3A_909 {strides = array<i32>} : memref<2x16x768xf32, #tpu.memory_space<vmem>>, vector<1x1x16xf32>,
        %get3A_910 = arith.constant 1 : i32
        %get3A_911 = arith.index_cast %get3A_910 : i32 to index
        %get3A_912 = arith.index_cast %scan3A_210 : i32 to index
        %get3A_913 = arith.constant 560 : index
        %get3A_914 = tpu.vector_load %arg9[%get3A_911, %get3A_912, %get3A_913] {strides = array<i32>} : memref<2x16x768xf32, #tpu.memory_space<vmem>>, vector<1x1x16xf32>,
        %get3A_915 = vector.shape_cast %get3A_914 : vector<1x1x16xf32> to vector<16xf32>
        %get3A_916 = arith.constant 1 : i32
        %get3A_917 = arith.index_cast %get3A_916 : i32 to index
        %get3A_918 = arith.index_cast %scan3A_210 : i32 to index
        %get3A_919 = arith.constant 560 : index
        %get3A_920 = tpu.vector_load %arg10[%get3A_917, %get3A_918, %get3A_919] {strides = array<i32>} : memref<2x16x768xf32, #tpu.memory_space<vmem>>, vector<1x1x16xf32>,
        %get3A_921 = vector.shape_cast %get3A_920 : vector<1x1x16xf32> to vector<16xf32>
        %add3A_922 = arith.addf %get3A_915, %get3A_921 : vector<16xf32>
        %swap3A_923 = arith.constant 1 : i32
        %swap3A_924 = arith.index_cast %swap3A_923 : i32 to index
        %swap3A_925 = arith.index_cast %scan3A_210 : i32 to index
        %swap3A_926 = arith.constant 560 : index
        %swap3A_927 = tpu.vector_load %arg11[%swap3A_924, %swap3A_925, %swap3A_926] {strides = array<i32>} : memref<2x16x768xf32, #tpu.memory_space<vmem>>, vector<1x1x16xf32>,
        %swap3A_928 = vector.shape_cast %swap3A_927 : vector<1x1x16xf32> to vector<16xf32>
        %swap3A_929 = vector.shape_cast %add3A_922 : vector<16xf32> to vector<1x1x16xf32>
        tpu.vector_store %arg11[%swap3A_924, %swap3A_925, %swap3A_926], %swap3A_929 {strides = array<i32>} : memref<2x16x768xf32, #tpu.memory_space<vmem>>, vector<1x1x16xf32>,
        %get3A_930 = arith.constant 1 : i32
        %get3A_931 = arith.index_cast %get3A_930 : i32 to index
        %get3A_932 = arith.index_cast %scan3A_210 : i32 to index
        %get3A_933 = arith.constant 576 : index
        %get3A_934 = tpu.vector_load %arg9[%get3A_931, %get3A_932, %get3A_933] {strides = array<i32>} : memref<2x16x768xf32, #tpu.memory_space<vmem>>, vector<1x1x16xf32>,
        %get3A_935 = vector.shape_cast %get3A_934 : vector<1x1x16xf32> to vector<16xf32>
        %get3A_936 = arith.constant 1 : i32
        %get3A_937 = arith.index_cast %get3A_936 : i32 to index
        %get3A_938 = arith.index_cast %scan3A_210 : i32 to index
        %get3A_939 = arith.constant 576 : index
        %get3A_940 = tpu.vector_load %arg10[%get3A_937, %get3A_938, %get3A_939] {strides = array<i32>} : memref<2x16x768xf32, #tpu.memory_space<vmem>>, vector<1x1x16xf32>,
        %get3A_941 = vector.shape_cast %get3A_940 : vector<1x1x16xf32> to vector<16xf32>
        %add3A_942 = arith.addf %get3A_935, %get3A_941 : vector<16xf32>
        %swap3A_943 = arith.constant 1 : i32
        %swap3A_944 = arith.index_cast %swap3A_943 : i32 to index
        %swap3A_945 = arith.index_cast %scan3A_210 : i32 to index
        %swap3A_946 = arith.constant 576 : index
        %swap3A_947 = tpu.vector_load %arg11[%swap3A_944, %swap3A_945, %swap3A_946] {strides = array<i32>} : memref<2x16x768xf32, #tpu.memory_space<vmem>>, vector<1x1x16xf32>,
        %swap3A_948 = vector.shape_cast %swap3A_947 : vector<1x1x16xf32> to vector<16xf32>
        %swap3A_949 = vector.shape_cast %add3A_942 : vector<16xf32> to vector<1x1x16xf32>
        tpu.vector_store %arg11[%swap3A_944, %swap3A_945, %swap3A_946], %swap3A_949 {strides = array<i32>} : memref<2x16x768xf32, #tpu.memory_space<vmem>>, vector<1x1x16xf32>,
        %get3A_950 = arith.constant 1 : i32
        %get3A_951 = arith.index_cast %get3A_950 : i32 to index
        %get3A_952 = arith.index_cast %scan3A_210 : i32 to index
        %get3A_953 = arith.constant 592 : index
        %get3A_954 = tpu.vector_load %arg9[%get3A_951, %get3A_952, %get3A_953] {strides = array<i32>} : memref<2x16x768xf32, #tpu.memory_space<vmem>>, vector<1x1x16xf32>,
        %get3A_955 = vector.shape_cast %get3A_954 : vector<1x1x16xf32> to vector<16xf32>
        %get3A_956 = arith.constant 1 : i32
        %get3A_957 = arith.index_cast %get3A_956 : i32 to index
        %get3A_958 = arith.index_cast %scan3A_210 : i32 to index
        %get3A_959 = arith.constant 592 : index
        %get3A_960 = tpu.vector_load %arg10[%get3A_957, %get3A_958, %get3A_959] {strides = array<i32>} : memref<2x16x768xf32, #tpu.memory_space<vmem>>, vector<1x1x16xf32>,
        %get3A_961 = vector.shape_cast %get3A_960 : vector<1x1x16xf32> to vector<16xf32>
        %add3A_962 = arith.addf %get3A_955, %get3A_961 : vector<16xf32>
        %swap3A_963 = arith.constant 1 : i32
        %swap3A_964 = arith.index_cast %swap3A_963 : i32 to index
        %swap3A_965 = arith.index_cast %scan3A_210 : i32 to index
        %swap3A_966 = arith.constant 592 : index
        %swap3A_967 = tpu.vector_load %arg11[%swap3A_964, %swap3A_965, %swap3A_966] {strides = array<i32>} : memref<2x16x768xf32, #tpu.memory_space<vmem>>, vector<1x1x16xf32>,
        %swap3A_968 = vector.shape_cast %swap3A_967 : vector<1x1x16xf32> to vector<16xf32>
        %swap3A_969 = vector.shape_cast %add3A_962 : vector<16xf32> to vector<1x1x16xf32>
        tpu.vector_store %arg11[%swap3A_964, %swap3A_965, %swap3A_966], %swap3A_969 {strides = array<i32>} : memref<2x16x768xf32, #tpu.memory_space<vmem>>, vector<1x1x16xf32>,
        %get3A_970 = arith.constant 1 : i32
        %get3A_971 = arith.index_cast %get3A_970 : i32 to index
        %get3A_972 = arith.index_cast %scan3A_210 : i32 to index
        %get3A_973 = arith.constant 608 : index
        %get3A_974 = tpu.vector_load %arg9[%get3A_971, %get3A_972, %get3A_973] {strides = array<i32>} : memref<2x16x768xf32, #tpu.memory_space<vmem>>, vector<1x1x16xf32>,
        %get3A_975 = vector.shape_cast %get3A_974 : vector<1x1x16xf32> to vector<16xf32>
        %get3A_976 = arith.constant 1 : i32
        %get3A_977 = arith.index_cast %get3A_976 : i32 to index
        %get3A_978 = arith.index_cast %scan3A_210 : i32 to index
        %get3A_979 = arith.constant 608 : index
        %get3A_980 = tpu.vector_load %arg10[%get3A_977, %get3A_978, %get3A_979] {strides = array<i32>} : memref<2x16x768xf32, #tpu.memory_space<vmem>>, vector<1x1x16xf32>,
        %get3A_981 = vector.shape_cast %get3A_980 : vector<1x1x16xf32> to vector<16xf32>
        %add3A_982 = arith.addf %get3A_975, %get3A_981 : vector<16xf32>
        %swap3A_983 = arith.constant 1 : i32
        %swap3A_984 = arith.index_cast %swap3A_983 : i32 to index
        %swap3A_985 = arith.index_cast %scan3A_210 : i32 to index
        %swap3A_986 = arith.constant 608 : index
        %swap3A_987 = tpu.vector_load %arg11[%swap3A_984, %swap3A_985, %swap3A_986] {strides = array<i32>} : memref<2x16x768xf32, #tpu.memory_space<vmem>>, vector<1x1x16xf32>,
        %swap3A_988 = vector.shape_cast %swap3A_987 : vector<1x1x16xf32> to vector<16xf32>
        %swap3A_989 = vector.shape_cast %add3A_982 : vector<16xf32> to vector<1x1x16xf32>
        tpu.vector_store %arg11[%swap3A_984, %swap3A_985, %swap3A_986], %swap3A_989 {strides = array<i32>} : memref<2x16x768xf32, #tpu.memory_space<vmem>>, vector<1x1x16xf32>,
        %get3A_990 = arith.constant 1 : i32
        %get3A_991 = arith.index_cast %get3A_990 : i32 to index
        %get3A_992 = arith.index_cast %scan3A_210 : i32 to index
        %get3A_993 = arith.constant 624 : index
        %get3A_994 = tpu.vector_load %arg9[%get3A_991, %get3A_992, %get3A_993] {strides = array<i32>} : memref<2x16x768xf32, #tpu.memory_space<vmem>>, vector<1x1x16xf32>,
        %get3A_995 = vector.shape_cast %get3A_994 : vector<1x1x16xf32> to vector<16xf32>
        %get3A_996 = arith.constant 1 : i32
        %get3A_997 = arith.index_cast %get3A_996 : i32 to index
        %get3A_998 = arith.index_cast %scan3A_210 : i32 to index
        %get3A_999 = arith.constant 624 : index
        %get3A_1000 = tpu.vector_load %arg10[%get3A_997, %get3A_998, %get3A_999] {strides = array<i32>} : memref<2x16x768xf32, #tpu.memory_space<vmem>>, vector<1x1x16xf32>,
        %get3A_1001 = vector.shape_cast %get3A_1000 : vector<1x1x16xf32> to vector<16xf32>
        %add3A_1002 = arith.addf %get3A_995, %get3A_1001 : vector<16xf32>
        %swap3A_1003 = arith.constant 1 : i32
        %swap3A_1004 = arith.index_cast %swap3A_1003 : i32 to index
        %swap3A_1005 = arith.index_cast %scan3A_210 : i32 to index
        %swap3A_1006 = arith.constant 624 : index
        %swap3A_1007 = tpu.vector_load %arg11[%swap3A_1004, %swap3A_1005, %swap3A_1006] {strides = array<i32>} : memref<2x16x768xf32, #tpu.memory_space<vmem>>, vector<1x1x16xf32>,
        %swap3A_1008 = vector.shape_cast %swap3A_1007 : vector<1x1x16xf32> to vector<16xf32>
        %swap3A_1009 = vector.shape_cast %add3A_1002 : vector<16xf32> to vector<1x1x16xf32>
        tpu.vector_store %arg11[%swap3A_1004, %swap3A_1005, %swap3A_1006], %swap3A_1009 {strides = array<i32>} : memref<2x16x768xf32, #tpu.memory_space<vmem>>, vector<1x1x16xf32>,
        %get3A_1010 = arith.constant 1 : i32
        %get3A_1011 = arith.index_cast %get3A_1010 : i32 to index
        %get3A_1012 = arith.index_cast %scan3A_210 : i32 to index
        %get3A_1013 = arith.constant 640 : index
        %get3A_1014 = tpu.vector_load %arg9[%get3A_1011, %get3A_1012, %get3A_1013] {strides = array<i32>} : memref<2x16x768xf32, #tpu.memory_space<vmem>>, vector<1x1x16xf32>,
        %get3A_1015 = vector.shape_cast %get3A_1014 : vector<1x1x16xf32> to vector<16xf32>
        %get3A_1016 = arith.constant 1 : i32
        %get3A_1017 = arith.index_cast %get3A_1016 : i32 to index
        %get3A_1018 = arith.index_cast %scan3A_210 : i32 to index
        %get3A_1019 = arith.constant 640 : index
        %get3A_1020 = tpu.vector_load %arg10[%get3A_1017, %get3A_1018, %get3A_1019] {strides = array<i32>} : memref<2x16x768xf32, #tpu.memory_space<vmem>>, vector<1x1x16xf32>,
        %get3A_1021 = vector.shape_cast %get3A_1020 : vector<1x1x16xf32> to vector<16xf32>
        %add3A_1022 = arith.addf %get3A_1015, %get3A_1021 : vector<16xf32>
        %swap3A_1023 = arith.constant 1 : i32
        %swap3A_1024 = arith.index_cast %swap3A_1023 : i32 to index
        %swap3A_1025 = arith.index_cast %scan3A_210 : i32 to index
        %swap3A_1026 = arith.constant 640 : index
        %swap3A_1027 = tpu.vector_load %arg11[%swap3A_1024, %swap3A_1025, %swap3A_1026] {strides = array<i32>} : memref<2x16x768xf32, #tpu.memory_space<vmem>>, vector<1x1x16xf32>,
        %swap3A_1028 = vector.shape_cast %swap3A_1027 : vector<1x1x16xf32> to vector<16xf32>
        %swap3A_1029 = vector.shape_cast %add3A_1022 : vector<16xf32> to vector<1x1x16xf32>
        tpu.vector_store %arg11[%swap3A_1024, %swap3A_1025, %swap3A_1026], %swap3A_1029 {strides = array<i32>} : memref<2x16x768xf32, #tpu.memory_space<vmem>>, vector<1x1x16xf32>,
        %get3A_1030 = arith.constant 1 : i32
        %get3A_1031 = arith.index_cast %get3A_1030 : i32 to index
        %get3A_1032 = arith.index_cast %scan3A_210 : i32 to index
        %get3A_1033 = arith.constant 656 : index
        %get3A_1034 = tpu.vector_load %arg9[%get3A_1031, %get3A_1032, %get3A_1033] {strides = array<i32>} : memref<2x16x768xf32, #tpu.memory_space<vmem>>, vector<1x1x16xf32>,
        %get3A_1035 = vector.shape_cast %get3A_1034 : vector<1x1x16xf32> to vector<16xf32>
        %get3A_1036 = arith.constant 1 : i32
        %get3A_1037 = arith.index_cast %get3A_1036 : i32 to index
        %get3A_1038 = arith.index_cast %scan3A_210 : i32 to index
        %get3A_1039 = arith.constant 656 : index
        %get3A_1040 = tpu.vector_load %arg10[%get3A_1037, %get3A_1038, %get3A_1039] {strides = array<i32>} : memref<2x16x768xf32, #tpu.memory_space<vmem>>, vector<1x1x16xf32>,
        %get3A_1041 = vector.shape_cast %get3A_1040 : vector<1x1x16xf32> to vector<16xf32>
        %add3A_1042 = arith.addf %get3A_1035, %get3A_1041 : vector<16xf32>
        %swap3A_1043 = arith.constant 1 : i32
        %swap3A_1044 = arith.index_cast %swap3A_1043 : i32 to index
        %swap3A_1045 = arith.index_cast %scan3A_210 : i32 to index
        %swap3A_1046 = arith.constant 656 : index
        %swap3A_1047 = tpu.vector_load %arg11[%swap3A_1044, %swap3A_1045, %swap3A_1046] {strides = array<i32>} : memref<2x16x768xf32, #tpu.memory_space<vmem>>, vector<1x1x16xf32>,
        %swap3A_1048 = vector.shape_cast %swap3A_1047 : vector<1x1x16xf32> to vector<16xf32>
        %swap3A_1049 = vector.shape_cast %add3A_1042 : vector<16xf32> to vector<1x1x16xf32>
        tpu.vector_store %arg11[%swap3A_1044, %swap3A_1045, %swap3A_1046], %swap3A_1049 {strides = array<i32>} : memref<2x16x768xf32, #tpu.memory_space<vmem>>, vector<1x1x16xf32>,
        %get3A_1050 = arith.constant 1 : i32
        %get3A_1051 = arith.index_cast %get3A_1050 : i32 to index
        %get3A_1052 = arith.index_cast %scan3A_210 : i32 to index
        %get3A_1053 = arith.constant 672 : index
        %get3A_1054 = tpu.vector_load %arg9[%get3A_1051, %get3A_1052, %get3A_1053] {strides = array<i32>} : memref<2x16x768xf32, #tpu.memory_space<vmem>>, vector<1x1x16xf32>,
        %get3A_1055 = vector.shape_cast %get3A_1054 : vector<1x1x16xf32> to vector<16xf32>
        %get3A_1056 = arith.constant 1 : i32
        %get3A_1057 = arith.index_cast %get3A_1056 : i32 to index
        %get3A_1058 = arith.index_cast %scan3A_210 : i32 to index
        %get3A_1059 = arith.constant 672 : index
        %get3A_1060 = tpu.vector_load %arg10[%get3A_1057, %get3A_1058, %get3A_1059] {strides = array<i32>} : memref<2x16x768xf32, #tpu.memory_space<vmem>>, vector<1x1x16xf32>,
        %get3A_1061 = vector.shape_cast %get3A_1060 : vector<1x1x16xf32> to vector<16xf32>
        %add3A_1062 = arith.addf %get3A_1055, %get3A_1061 : vector<16xf32>
        %swap3A_1063 = arith.constant 1 : i32
        %swap3A_1064 = arith.index_cast %swap3A_1063 : i32 to index
        %swap3A_1065 = arith.index_cast %scan3A_210 : i32 to index
        %swap3A_1066 = arith.constant 672 : index
        %swap3A_1067 = tpu.vector_load %arg11[%swap3A_1064, %swap3A_1065, %swap3A_1066] {strides = array<i32>} : memref<2x16x768xf32, #tpu.memory_space<vmem>>, vector<1x1x16xf32>,
        %swap3A_1068 = vector.shape_cast %swap3A_1067 : vector<1x1x16xf32> to vector<16xf32>
        %swap3A_1069 = vector.shape_cast %add3A_1062 : vector<16xf32> to vector<1x1x16xf32>
        tpu.vector_store %arg11[%swap3A_1064, %swap3A_1065, %swap3A_1066], %swap3A_1069 {strides = array<i32>} : memref<2x16x768xf32, #tpu.memory_space<vmem>>, vector<1x1x16xf32>,
        %get3A_1070 = arith.constant 1 : i32
        %get3A_1071 = arith.index_cast %get3A_1070 : i32 to index
        %get3A_1072 = arith.index_cast %scan3A_210 : i32 to index
        %get3A_1073 = arith.constant 688 : index
        %get3A_1074 = tpu.vector_load %arg9[%get3A_1071, %get3A_1072, %get3A_1073] {strides = array<i32>} : memref<2x16x768xf32, #tpu.memory_space<vmem>>, vector<1x1x16xf32>,
        %get3A_1075 = vector.shape_cast %get3A_1074 : vector<1x1x16xf32> to vector<16xf32>
        %get3A_1076 = arith.constant 1 : i32
        %get3A_1077 = arith.index_cast %get3A_1076 : i32 to index
        %get3A_1078 = arith.index_cast %scan3A_210 : i32 to index
        %get3A_1079 = arith.constant 688 : index
        %get3A_1080 = tpu.vector_load %arg10[%get3A_1077, %get3A_1078, %get3A_1079] {strides = array<i32>} : memref<2x16x768xf32, #tpu.memory_space<vmem>>, vector<1x1x16xf32>,
        %get3A_1081 = vector.shape_cast %get3A_1080 : vector<1x1x16xf32> to vector<16xf32>
        %add3A_1082 = arith.addf %get3A_1075, %get3A_1081 : vector<16xf32>
        %swap3A_1083 = arith.constant 1 : i32
        %swap3A_1084 = arith.index_cast %swap3A_1083 : i32 to index
        %swap3A_1085 = arith.index_cast %scan3A_210 : i32 to index
        %swap3A_1086 = arith.constant 688 : index
        %swap3A_1087 = tpu.vector_load %arg11[%swap3A_1084, %swap3A_1085, %swap3A_1086] {strides = array<i32>} : memref<2x16x768xf32, #tpu.memory_space<vmem>>, vector<1x1x16xf32>,
        %swap3A_1088 = vector.shape_cast %swap3A_1087 : vector<1x1x16xf32> to vector<16xf32>
        %swap3A_1089 = vector.shape_cast %add3A_1082 : vector<16xf32> to vector<1x1x16xf32>
        tpu.vector_store %arg11[%swap3A_1084, %swap3A_1085, %swap3A_1086], %swap3A_1089 {strides = array<i32>} : memref<2x16x768xf32, #tpu.memory_space<vmem>>, vector<1x1x16xf32>,
        %get3A_1090 = arith.constant 1 : i32
        %get3A_1091 = arith.index_cast %get3A_1090 : i32 to index
        %get3A_1092 = arith.index_cast %scan3A_210 : i32 to index
        %get3A_1093 = arith.constant 704 : index
        %get3A_1094 = tpu.vector_load %arg9[%get3A_1091, %get3A_1092, %get3A_1093] {strides = array<i32>} : memref<2x16x768xf32, #tpu.memory_space<vmem>>, vector<1x1x16xf32>,
        %get3A_1095 = vector.shape_cast %get3A_1094 : vector<1x1x16xf32> to vector<16xf32>
        %get3A_1096 = arith.constant 1 : i32
        %get3A_1097 = arith.index_cast %get3A_1096 : i32 to index
        %get3A_1098 = arith.index_cast %scan3A_210 : i32 to index
        %get3A_1099 = arith.constant 704 : index
        %get3A_1100 = tpu.vector_load %arg10[%get3A_1097, %get3A_1098, %get3A_1099] {strides = array<i32>} : memref<2x16x768xf32, #tpu.memory_space<vmem>>, vector<1x1x16xf32>,
        %get3A_1101 = vector.shape_cast %get3A_1100 : vector<1x1x16xf32> to vector<16xf32>
        %add3A_1102 = arith.addf %get3A_1095, %get3A_1101 : vector<16xf32>
        %swap3A_1103 = arith.constant 1 : i32
        %swap3A_1104 = arith.index_cast %swap3A_1103 : i32 to index
        %swap3A_1105 = arith.index_cast %scan3A_210 : i32 to index
        %swap3A_1106 = arith.constant 704 : index
        %swap3A_1107 = tpu.vector_load %arg11[%swap3A_1104, %swap3A_1105, %swap3A_1106] {strides = array<i32>} : memref<2x16x768xf32, #tpu.memory_space<vmem>>, vector<1x1x16xf32>,
        %swap3A_1108 = vector.shape_cast %swap3A_1107 : vector<1x1x16xf32> to vector<16xf32>
        %swap3A_1109 = vector.shape_cast %add3A_1102 : vector<16xf32> to vector<1x1x16xf32>
        tpu.vector_store %arg11[%swap3A_1104, %swap3A_1105, %swap3A_1106], %swap3A_1109 {strides = array<i32>} : memref<2x16x768xf32, #tpu.memory_space<vmem>>, vector<1x1x16xf32>,
        %get3A_1110 = arith.constant 1 : i32
        %get3A_1111 = arith.index_cast %get3A_1110 : i32 to index
        %get3A_1112 = arith.index_cast %scan3A_210 : i32 to index
        %get3A_1113 = arith.constant 720 : index
        %get3A_1114 = tpu.vector_load %arg9[%get3A_1111, %get3A_1112, %get3A_1113] {strides = array<i32>} : memref<2x16x768xf32, #tpu.memory_space<vmem>>, vector<1x1x16xf32>,
        %get3A_1115 = vector.shape_cast %get3A_1114 : vector<1x1x16xf32> to vector<16xf32>
        %get3A_1116 = arith.constant 1 : i32
        %get3A_1117 = arith.index_cast %get3A_1116 : i32 to index
        %get3A_1118 = arith.index_cast %scan3A_210 : i32 to index
        %get3A_1119 = arith.constant 720 : index
        %get3A_1120 = tpu.vector_load %arg10[%get3A_1117, %get3A_1118, %get3A_1119] {strides = array<i32>} : memref<2x16x768xf32, #tpu.memory_space<vmem>>, vector<1x1x16xf32>,
        %get3A_1121 = vector.shape_cast %get3A_1120 : vector<1x1x16xf32> to vector<16xf32>
        %add3A_1122 = arith.addf %get3A_1115, %get3A_1121 : vector<16xf32>
        %swap3A_1123 = arith.constant 1 : i32
        %swap3A_1124 = arith.index_cast %swap3A_1123 : i32 to index
        %swap3A_1125 = arith.index_cast %scan3A_210 : i32 to index
        %swap3A_1126 = arith.constant 720 : index
        %swap3A_1127 = tpu.vector_load %arg11[%swap3A_1124, %swap3A_1125, %swap3A_1126] {strides = array<i32>} : memref<2x16x768xf32, #tpu.memory_space<vmem>>, vector<1x1x16xf32>,
        %swap3A_1128 = vector.shape_cast %swap3A_1127 : vector<1x1x16xf32> to vector<16xf32>
        %swap3A_1129 = vector.shape_cast %add3A_1122 : vector<16xf32> to vector<1x1x16xf32>
        tpu.vector_store %arg11[%swap3A_1124, %swap3A_1125, %swap3A_1126], %swap3A_1129 {strides = array<i32>} : memref<2x16x768xf32, #tpu.memory_space<vmem>>, vector<1x1x16xf32>,
        %get3A_1130 = arith.constant 1 : i32
        %get3A_1131 = arith.index_cast %get3A_1130 : i32 to index
        %get3A_1132 = arith.index_cast %scan3A_210 : i32 to index
        %get3A_1133 = arith.constant 736 : index
        %get3A_1134 = tpu.vector_load %arg9[%get3A_1131, %get3A_1132, %get3A_1133] {strides = array<i32>} : memref<2x16x768xf32, #tpu.memory_space<vmem>>, vector<1x1x16xf32>,
        %get3A_1135 = vector.shape_cast %get3A_1134 : vector<1x1x16xf32> to vector<16xf32>
        %get3A_1136 = arith.constant 1 : i32
        %get3A_1137 = arith.index_cast %get3A_1136 : i32 to index
        %get3A_1138 = arith.index_cast %scan3A_210 : i32 to index
        %get3A_1139 = arith.constant 736 : index
        %get3A_1140 = tpu.vector_load %arg10[%get3A_1137, %get3A_1138, %get3A_1139] {strides = array<i32>} : memref<2x16x768xf32, #tpu.memory_space<vmem>>, vector<1x1x16xf32>,
        %get3A_1141 = vector.shape_cast %get3A_1140 : vector<1x1x16xf32> to vector<16xf32>
        %add3A_1142 = arith.addf %get3A_1135, %get3A_1141 : vector<16xf32>
        %swap3A_1143 = arith.constant 1 : i32
        %swap3A_1144 = arith.index_cast %swap3A_1143 : i32 to index
        %swap3A_1145 = arith.index_cast %scan3A_210 : i32 to index
        %swap3A_1146 = arith.constant 736 : index
        %swap3A_1147 = tpu.vector_load %arg11[%swap3A_1144, %swap3A_1145, %swap3A_1146] {strides = array<i32>} : memref<2x16x768xf32, #tpu.memory_space<vmem>>, vector<1x1x16xf32>,
        %swap3A_1148 = vector.shape_cast %swap3A_1147 : vector<1x1x16xf32> to vector<16xf32>
        %swap3A_1149 = vector.shape_cast %add3A_1142 : vector<16xf32> to vector<1x1x16xf32>
        tpu.vector_store %arg11[%swap3A_1144, %swap3A_1145, %swap3A_1146], %swap3A_1149 {strides = array<i32>} : memref<2x16x768xf32, #tpu.memory_space<vmem>>, vector<1x1x16xf32>,
        %get3A_1150 = arith.constant 1 : i32
        %get3A_1151 = arith.index_cast %get3A_1150 : i32 to index
        %get3A_1152 = arith.index_cast %scan3A_210 : i32 to index
        %get3A_1153 = arith.constant 752 : index
        %get3A_1154 = tpu.vector_load %arg9[%get3A_1151, %get3A_1152, %get3A_1153] {strides = array<i32>} : memref<2x16x768xf32, #tpu.memory_space<vmem>>, vector<1x1x16xf32>,
        %get3A_1155 = vector.shape_cast %get3A_1154 : vector<1x1x16xf32> to vector<16xf32>
        %get3A_1156 = arith.constant 1 : i32
        %get3A_1157 = arith.index_cast %get3A_1156 : i32 to index
        %get3A_1158 = arith.index_cast %scan3A_210 : i32 to index
        %get3A_1159 = arith.constant 752 : index
        %get3A_1160 = tpu.vector_load %arg10[%get3A_1157, %get3A_1158, %get3A_1159] {strides = array<i32>} : memref<2x16x768xf32, #tpu.memory_space<vmem>>, vector<1x1x16xf32>,
        %get3A_1161 = vector.shape_cast %get3A_1160 : vector<1x1x16xf32> to vector<16xf32>
        %add3A_1162 = arith.addf %get3A_1155, %get3A_1161 : vector<16xf32>
        %swap3A_1163 = arith.constant 1 : i32
        %swap3A_1164 = arith.index_cast %swap3A_1163 : i32 to index
        %swap3A_1165 = arith.index_cast %scan3A_210 : i32 to index
        %swap3A_1166 = arith.constant 752 : index
        %swap3A_1167 = tpu.vector_load %arg11[%swap3A_1164, %swap3A_1165, %swap3A_1166] {strides = array<i32>} : memref<2x16x768xf32, #tpu.memory_space<vmem>>, vector<1x1x16xf32>,
        %swap3A_1168 = vector.shape_cast %swap3A_1167 : vector<1x1x16xf32> to vector<16xf32>
        %swap3A_1169 = vector.shape_cast %add3A_1162 : vector<16xf32> to vector<1x1x16xf32>
        tpu.vector_store %arg11[%swap3A_1164, %swap3A_1165, %swap3A_1166], %swap3A_1169 {strides = array<i32>} : memref<2x16x768xf32, #tpu.memory_space<vmem>>, vector<1x1x16xf32>,
      }
      %scan3A_186 = arith.constant 16 : i32
      %add3A_187 = arith.constant 2 : i32
      %add3A_188 = arith.addi %add3A_145, %add3A_187 : i32
      %lt3A_189 = arith.constant 100 : i32
      %lt3A_190 = arith.cmpi slt, %add3A_188, %lt3A_189 : i32
      %convert_element_type3A_191 = arith.extui %lt3A_190 : i1 to i32
      %cond3A_192 = arith.constant 0 : i32
      %cond3A_193 = arith.cmpi ne, %convert_element_type3A_191, %cond3A_192 : i32
      scf.if %cond3A_193 {
        %add3A_210 = arith.constant 2 : i32
        %add3A_211 = arith.addi %add3A_145, %add3A_210 : i32
        %mul3A_212 = arith.constant 16 : i32
        %mul3A_213 = arith.muli %add3A_211, %mul3A_212 : i32
        %get3A_214 = arith.index_cast %mul3A_213 : i32 to index
        %get3A_215 = tpu.vector_load %arg7[%get3A_214] {strides = array<i32>} : memref<1600xi32, #tpu.memory_space<vmem>>, vector<16xi32>,
        %get3A_216 = vector.shape_cast %get3A_215 : vector<16xi32> to vector<16xi32>
        %mul3A_217 = arith.constant 16 : i32
        %mul3A_218 = arith.muli %add3A_211, %mul3A_217 : i32
        %get3A_219 = arith.index_cast %mul3A_218 : i32 to index
        %get3A_220 = tpu.vector_load %arg8[%get3A_219] {strides = array<i32>} : memref<1600xi32, #tpu.memory_space<vmem>>, vector<16xi32>,
        %get3A_221 = vector.shape_cast %get3A_220 : vector<16xi32> to vector<16xi32>
        %dma_start3A_222 = arith.constant 1 : i32
        %dma_start3A_223 = arith.constant 0 : i32
        %dma_start3A_224 = arith.constant 0 : i32
        %dma_start3A_225 = tpu.memref_slice %arg9[%dma_start3A_222, %dma_start3A_223, %dma_start3A_224] : memref<2x16x768xf32, #tpu.memory_space<vmem>> -> memref<1x16x768xf32, #tpu.memory_space<vmem>>
        %dma_start3A_226 = tpu.memref_squeeze %dma_start3A_225 : memref<1x16x768xf32, #tpu.memory_space<vmem>> -> memref<16x768xf32, #tpu.memory_space<vmem>>
        %dma_start3A_227 = arith.constant 0 : i32
        %dma_start3A_228 = arith.constant 0 : i32
        %dma_start3A_229 = tpu.memref_slice %arg2[%dma_start3A_227, %dma_start3A_228] : memref<100000x768xf32, #tpu.memory_space<hbm>> -> memref<100000x768xf32, #tpu.memory_space<hbm>>
        tpu.enqueue_indirect_dma source(%dma_start3A_229 : memref<100000x768xf32, #tpu.memory_space<hbm>>) target(%dma_start3A_226 : memref<16x768xf32, #tpu.memory_space<vmem>>) offsets(%get3A_216 : vector<16xi32>) semaphore(%arg13 : memref<!tpu.dma_semaphore, #tpu.memory_space<semaphore_mem>>)
        %dma_start3A_230 = arith.constant 1 : i32
        %dma_start3A_231 = arith.constant 0 : i32
        %dma_start3A_232 = arith.constant 0 : i32
        %dma_start3A_233 = tpu.memref_slice %arg10[%dma_start3A_230, %dma_start3A_231, %dma_start3A_232] : memref<2x16x768xf32, #tpu.memory_space<vmem>> -> memref<1x16x768xf32, #tpu.memory_space<vmem>>
        %dma_start3A_234 = tpu.memref_squeeze %dma_start3A_233 : memref<1x16x768xf32, #tpu.memory_space<vmem>> -> memref<16x768xf32, #tpu.memory_space<vmem>>
        %dma_start3A_235 = arith.constant 0 : i32
        %dma_start3A_236 = arith.constant 0 : i32
        %dma_start3A_237 = tpu.memref_slice %arg3[%dma_start3A_235, %dma_start3A_236] : memref<100000x768xf32, #tpu.memory_space<hbm>> -> memref<100000x768xf32, #tpu.memory_space<hbm>>
        tpu.enqueue_indirect_dma source(%dma_start3A_237 : memref<100000x768xf32, #tpu.memory_space<hbm>>) target(%dma_start3A_234 : memref<16x768xf32, #tpu.memory_space<vmem>>) offsets(%get3A_221 : vector<16xi32>) semaphore(%arg15 : memref<!tpu.dma_semaphore, #tpu.memory_space<semaphore_mem>>)
      } else {
      }
      %mul3A_194 = arith.constant 16 : i32
      %mul3A_195 = arith.muli %add3A_145, %mul3A_194 : i32
      %add3A_196 = arith.addi %mul3A_2, %mul3A_195 : i32
      %dma_start3A_197 = arith.constant 1 : i32
      %dma_start3A_198 = arith.constant 0 : i32
      %dma_start3A_199 = arith.constant 0 : i32
      %dma_start3A_200 = tpu.memref_slice %arg11[%dma_start3A_197, %dma_start3A_198, %dma_start3A_199] : memref<2x16x768xf32, #tpu.memory_space<vmem>> -> memref<1x16x768xf32, #tpu.memory_space<vmem>>
      %dma_start3A_201 = tpu.memref_squeeze %dma_start3A_200 : memref<1x16x768xf32, #tpu.memory_space<vmem>> -> memref<16x768xf32, #tpu.memory_space<vmem>>
      %dma_start3A_202 = arith.constant 0 : i32
      %dma_start3A_203 = tpu.memref_slice %arg6[%add3A_196, %dma_start3A_202] : memref<51200x768xf32, #tpu.memory_space<hbm>> -> memref<16x768xf32, #tpu.memory_space<hbm>>
      %dma_start3A_204 = arith.constant 0 : i32
      %dma_start3A_205 = tpu.memref_slice %arg6[%add3A_196, %dma_start3A_204] : memref<51200x768xf32, #tpu.memory_space<hbm>> -> memref<16x768xf32, #tpu.memory_space<hbm>>
      %dma_start3A_206 = arith.constant 0 : i32
      %dma_start3A_207 = arith.constant 0 : i32
      %dma_start3A_208 = tpu.memref_slice %arg11[%dma_start3A_197, %dma_start3A_206, %dma_start3A_207] : memref<2x16x768xf32, #tpu.memory_space<vmem>> -> memref<1x16x768xf32, #tpu.memory_space<vmem>>
      %dma_start3A_209 = tpu.memref_squeeze %dma_start3A_208 : memref<1x16x768xf32, #tpu.memory_space<vmem>> -> memref<16x768xf32, #tpu.memory_space<vmem>>
      tpu.enqueue_dma source(%dma_start3A_209 : memref<16x768xf32, #tpu.memory_space<vmem>>) target(%dma_start3A_205 : memref<16x768xf32, #tpu.memory_space<hbm>>) target_semaphore(%arg17 : memref<!tpu.dma_semaphore, #tpu.memory_space<semaphore_mem>>)
    }
    %scan3A_49 = arith.constant 50 : i32
    %dma_wait3A = arith.constant 0 : i32
    %dma_wait3A_50 = arith.constant 0 : i32
    %dma_wait3A_51 = arith.constant 0 : i32
    %dma_wait3A_52 = tpu.memref_slice %arg11[%dma_wait3A, %dma_wait3A_50, %dma_wait3A_51] : memref<2x16x768xf32, #tpu.memory_space<vmem>> -> memref<1x16x768xf32, #tpu.memory_space<vmem>>
    %dma_wait3A_53 = tpu.memref_squeeze %dma_wait3A_52 : memref<1x16x768xf32, #tpu.memory_space<vmem>> -> memref<16x768xf32, #tpu.memory_space<vmem>>
    %dma_wait3A_54 = arith.constant 0 : i32
    %dma_wait3A_55 = arith.constant 0 : i32
    %dma_wait3A_56 = tpu.memref_slice %arg6[%dma_wait3A_54, %dma_wait3A_55] : memref<51200x768xf32, #tpu.memory_space<hbm>> -> memref<16x768xf32, #tpu.memory_space<hbm>>
    %dma_wait3A_57 = arith.constant 0 : i32
    %dma_wait3A_58 = arith.constant 0 : i32
    %dma_wait3A_59 = tpu.memref_slice %arg6[%dma_wait3A_57, %dma_wait3A_58] : memref<51200x768xf32, #tpu.memory_space<hbm>> -> memref<16x768xf32, #tpu.memory_space<hbm>>
    %dma_wait3A_60 = arith.constant 0 : i32
    %dma_wait3A_61 = arith.constant 0 : i32
    %dma_wait3A_62 = tpu.memref_slice %arg11[%dma_wait3A, %dma_wait3A_60, %dma_wait3A_61] : memref<2x16x768xf32, #tpu.memory_space<vmem>> -> memref<1x16x768xf32, #tpu.memory_space<vmem>>
    %dma_wait3A_63 = tpu.memref_squeeze %dma_wait3A_62 : memref<1x16x768xf32, #tpu.memory_space<vmem>> -> memref<16x768xf32, #tpu.memory_space<vmem>>
    tpu.wait_dma2 semaphore(%arg16 : memref<!tpu.dma_semaphore, #tpu.memory_space<semaphore_mem>>) src(%dma_wait3A_63 : memref<16x768xf32, #tpu.memory_space<vmem>>) dst(%dma_wait3A_59 : memref<16x768xf32, #tpu.memory_space<hbm>>)
    %dma_wait3A_64 = arith.constant 1 : i32
    %dma_wait3A_65 = arith.constant 0 : i32
    %dma_wait3A_66 = arith.constant 0 : i32
    %dma_wait3A_67 = tpu.memref_slice %arg11[%dma_wait3A_64, %dma_wait3A_65, %dma_wait3A_66] : memref<2x16x768xf32, #tpu.memory_space<vmem>> -> memref<1x16x768xf32, #tpu.memory_space<vmem>>
    %dma_wait3A_68 = tpu.memref_squeeze %dma_wait3A_67 : memref<1x16x768xf32, #tpu.memory_space<vmem>> -> memref<16x768xf32, #tpu.memory_space<vmem>>
    %dma_wait3A_69 = arith.constant 0 : i32
    %dma_wait3A_70 = arith.constant 0 : i32
    %dma_wait3A_71 = tpu.memref_slice %arg6[%dma_wait3A_69, %dma_wait3A_70] : memref<51200x768xf32, #tpu.memory_space<hbm>> -> memref<16x768xf32, #tpu.memory_space<hbm>>
    %dma_wait3A_72 = arith.constant 0 : i32
    %dma_wait3A_73 = arith.constant 0 : i32
    %dma_wait3A_74 = tpu.memref_slice %arg6[%dma_wait3A_72, %dma_wait3A_73] : memref<51200x768xf32, #tpu.memory_space<hbm>> -> memref<16x768xf32, #tpu.memory_space<hbm>>
    %dma_wait3A_75 = arith.constant 0 : i32
    %dma_wait3A_76 = arith.constant 0 : i32
    %dma_wait3A_77 = tpu.memref_slice %arg11[%dma_wait3A_64, %dma_wait3A_75, %dma_wait3A_76] : memref<2x16x768xf32, #tpu.memory_space<vmem>> -> memref<1x16x768xf32, #tpu.memory_space<vmem>>
    %dma_wait3A_78 = tpu.memref_squeeze %dma_wait3A_77 : memref<1x16x768xf32, #tpu.memory_space<vmem>> -> memref<16x768xf32, #tpu.memory_space<vmem>>
    tpu.wait_dma2 semaphore(%arg17 : memref<!tpu.dma_semaphore, #tpu.memory_space<semaphore_mem>>) src(%dma_wait3A_78 : memref<16x768xf32, #tpu.memory_space<vmem>>) dst(%dma_wait3A_74 : memref<16x768xf32, #tpu.memory_space<hbm>>)
    return
  }
}

module attributes {stable_mosaic.version = 14 : i64} {
  func.func @body(%arg0: i32, %arg1: memref<512xi32, #tpu.memory_space<vmem>>, %arg2: memref<512xi32, #tpu.memory_space<vmem>>, %arg3: memref<64xf32, #tpu.memory_space<vmem>>, %arg4: memref<8x64xf32, #tpu.memory_space<vmem>>, %arg5: memref<512x64xf32, #tpu.memory_space<vmem>>) attributes {dimension_semantics = [#tpu.dimension_semantics<arbitrary>], iteration_bounds = array<i64: 100>, scalar_prefetch = 0 : i64, scratch_operands = 0 : i64, tpu.core_type = #tpu.core_type<tc>, window_params = [{transform_indices = @transform_0, window_bounds = array<i64: 512>}, {transform_indices = @transform_1, window_bounds = array<i64: 512>}, {pipeline_mode = #tpu.pipeline_mode<synchronous>, transform_indices = @transform_2, window_bounds = array<i64: 64>}, {pipeline_mode = #tpu.pipeline_mode<synchronous>, transform_indices = @transform_3, window_bounds = array<i64: 8, 64>}, {transform_indices = @transform_4, window_bounds = array<i64: 512, 64>}]} {
    %get3A = arith.constant 0 : index
    %get3A_0 = vector.load %arg1[%get3A] : memref<512xi32, #tpu.memory_space<vmem>>, vector<512xi32>
    %convert_element_type3A = arith.sitofp %get3A_0 : vector<512xi32> to vector<512xf32>
    %broadcast_in_dim3A = vector.shape_cast %convert_element_type3A : vector<512xf32> to vector<512x1xf32>
    %get3A_1 = arith.constant 0 : index
    %get3A_2 = vector.load %arg3[%get3A_1] : memref<64xf32, #tpu.memory_space<vmem>>, vector<64xf32>
    %broadcast_in_dim3A_3 = vector.shape_cast %get3A_2 : vector<64xf32> to vector<1x64xf32>
    %div3A = vector.broadcast %broadcast_in_dim3A : vector<512x1xf32> to vector<512x64xf32>
    %div3A_4 = vector.broadcast %broadcast_in_dim3A_3 : vector<1x64xf32> to vector<512x64xf32>
    %div3A_5 = arith.divf %div3A, %div3A_4 : vector<512x64xf32>
    %iota3A = tpu.iota {dimensions = array<i32: 1>} : vector<512x64xi32>
    %lt3A = arith.constant 32 : i32
    %lt3A_6 = vector.broadcast %lt3A : i32 to vector<512x64xi32>
    %lt3A_7 = arith.cmpi slt, %iota3A, %lt3A_6 : vector<512x64xi32>
    %sin3A = math.sin %div3A_5 : vector<512x64xf32>
    %cos3A = math.cos %div3A_5 : vector<512x64xf32>
    %select_n3A = arith.select %lt3A_7, %sin3A, %cos3A : vector<512x64xi1>, vector<512x64xf32>
    %get3A_8 = arith.constant 0 : index
    %get3A_9 = vector.load %arg2[%get3A_8] : memref<512xi32, #tpu.memory_space<vmem>>, vector<512xi32>
    %broadcast_in_dim3A_10 = vector.shape_cast %get3A_9 : vector<512xi32> to vector<512x1xi32>
    %get3A_11 = arith.constant 0 : index
    %get3A_12 = arith.constant 0 : index
    %get3A_13 = vector.load %arg4[%get3A_11, %get3A_12] : memref<8x64xf32, #tpu.memory_space<vmem>>, vector<1x64xf32>
    %get3A_14 = vector.shape_cast %get3A_13 : vector<1x64xf32> to vector<64xf32>
    %broadcast_in_dim3A_15 = vector.shape_cast %get3A_14 : vector<64xf32> to vector<1x64xf32>
    %eq3A = arith.constant 0 : i32
    %eq3A_16 = vector.broadcast %eq3A : i32 to vector<512x1xi32>
    %eq3A_17 = arith.cmpi eq, %broadcast_in_dim3A_10, %eq3A_16 : vector<512x1xi32>
    %jit3A = arith.constant 0.000000e+00 : f32
    %broadcast_in_dim3A_18 = vector.shape_cast %eq3A_17 : vector<512x1xi1> to vector<512x1xi1>
    %broadcast_in_dim3A_19 = vector.broadcast %broadcast_in_dim3A_18 : vector<512x1xi1> to vector<512x64xi1>
    %broadcast_in_dim3A_20 = vector.shape_cast %broadcast_in_dim3A_15 : vector<1x64xf32> to vector<1x64xf32>
    %broadcast_in_dim3A_21 = vector.broadcast %broadcast_in_dim3A_20 : vector<1x64xf32> to vector<512x64xf32>
    %broadcast_in_dim3A_22 = vector.broadcast %jit3A : f32 to vector<512x64xf32>
    %select_n3A_23 = arith.select %broadcast_in_dim3A_19, %broadcast_in_dim3A_21, %broadcast_in_dim3A_22 : vector<512x64xi1>, vector<512x64xf32>
    %add3A = arith.addf %select_n3A, %select_n3A_23 : vector<512x64xf32>
    %get3A_24 = arith.constant 1 : index
    %get3A_25 = arith.constant 0 : index
    %get3A_26 = vector.load %arg4[%get3A_24, %get3A_25] : memref<8x64xf32, #tpu.memory_space<vmem>>, vector<1x64xf32>
    %get3A_27 = vector.shape_cast %get3A_26 : vector<1x64xf32> to vector<64xf32>
    %broadcast_in_dim3A_28 = vector.shape_cast %get3A_27 : vector<64xf32> to vector<1x64xf32>
    %eq3A_29 = arith.constant 1 : i32
    %eq3A_30 = vector.broadcast %eq3A_29 : i32 to vector<512x1xi32>
    %eq3A_31 = arith.cmpi eq, %broadcast_in_dim3A_10, %eq3A_30 : vector<512x1xi32>
    %jit3A_32 = arith.constant 0.000000e+00 : f32
    %broadcast_in_dim3A_33 = vector.shape_cast %eq3A_31 : vector<512x1xi1> to vector<512x1xi1>
    %broadcast_in_dim3A_34 = vector.broadcast %broadcast_in_dim3A_33 : vector<512x1xi1> to vector<512x64xi1>
    %broadcast_in_dim3A_35 = vector.shape_cast %broadcast_in_dim3A_28 : vector<1x64xf32> to vector<1x64xf32>
    %broadcast_in_dim3A_36 = vector.broadcast %broadcast_in_dim3A_35 : vector<1x64xf32> to vector<512x64xf32>
    %broadcast_in_dim3A_37 = vector.broadcast %jit3A_32 : f32 to vector<512x64xf32>
    %select_n3A_38 = arith.select %broadcast_in_dim3A_34, %broadcast_in_dim3A_36, %broadcast_in_dim3A_37 : vector<512x64xi1>, vector<512x64xf32>
    %add3A_39 = arith.addf %add3A, %select_n3A_38 : vector<512x64xf32>
    %get3A_40 = arith.constant 2 : index
    %get3A_41 = arith.constant 0 : index
    %get3A_42 = vector.load %arg4[%get3A_40, %get3A_41] : memref<8x64xf32, #tpu.memory_space<vmem>>, vector<1x64xf32>
    %get3A_43 = vector.shape_cast %get3A_42 : vector<1x64xf32> to vector<64xf32>
    %broadcast_in_dim3A_44 = vector.shape_cast %get3A_43 : vector<64xf32> to vector<1x64xf32>
    %eq3A_45 = arith.constant 2 : i32
    %eq3A_46 = vector.broadcast %eq3A_45 : i32 to vector<512x1xi32>
    %eq3A_47 = arith.cmpi eq, %broadcast_in_dim3A_10, %eq3A_46 : vector<512x1xi32>
    %jit3A_48 = arith.constant 0.000000e+00 : f32
    %broadcast_in_dim3A_49 = vector.shape_cast %eq3A_47 : vector<512x1xi1> to vector<512x1xi1>
    %broadcast_in_dim3A_50 = vector.broadcast %broadcast_in_dim3A_49 : vector<512x1xi1> to vector<512x64xi1>
    %broadcast_in_dim3A_51 = vector.shape_cast %broadcast_in_dim3A_44 : vector<1x64xf32> to vector<1x64xf32>
    %broadcast_in_dim3A_52 = vector.broadcast %broadcast_in_dim3A_51 : vector<1x64xf32> to vector<512x64xf32>
    %broadcast_in_dim3A_53 = vector.broadcast %jit3A_48 : f32 to vector<512x64xf32>
    %select_n3A_54 = arith.select %broadcast_in_dim3A_50, %broadcast_in_dim3A_52, %broadcast_in_dim3A_53 : vector<512x64xi1>, vector<512x64xf32>
    %add3A_55 = arith.addf %add3A_39, %select_n3A_54 : vector<512x64xf32>
    %get3A_56 = arith.constant 3 : index
    %get3A_57 = arith.constant 0 : index
    %get3A_58 = vector.load %arg4[%get3A_56, %get3A_57] : memref<8x64xf32, #tpu.memory_space<vmem>>, vector<1x64xf32>
    %get3A_59 = vector.shape_cast %get3A_58 : vector<1x64xf32> to vector<64xf32>
    %broadcast_in_dim3A_60 = vector.shape_cast %get3A_59 : vector<64xf32> to vector<1x64xf32>
    %eq3A_61 = arith.constant 3 : i32
    %eq3A_62 = vector.broadcast %eq3A_61 : i32 to vector<512x1xi32>
    %eq3A_63 = arith.cmpi eq, %broadcast_in_dim3A_10, %eq3A_62 : vector<512x1xi32>
    %jit3A_64 = arith.constant 0.000000e+00 : f32
    %broadcast_in_dim3A_65 = vector.shape_cast %eq3A_63 : vector<512x1xi1> to vector<512x1xi1>
    %broadcast_in_dim3A_66 = vector.broadcast %broadcast_in_dim3A_65 : vector<512x1xi1> to vector<512x64xi1>
    %broadcast_in_dim3A_67 = vector.shape_cast %broadcast_in_dim3A_60 : vector<1x64xf32> to vector<1x64xf32>
    %broadcast_in_dim3A_68 = vector.broadcast %broadcast_in_dim3A_67 : vector<1x64xf32> to vector<512x64xf32>
    %broadcast_in_dim3A_69 = vector.broadcast %jit3A_64 : f32 to vector<512x64xf32>
    %select_n3A_70 = arith.select %broadcast_in_dim3A_66, %broadcast_in_dim3A_68, %broadcast_in_dim3A_69 : vector<512x64xi1>, vector<512x64xf32>
    %add3A_71 = arith.addf %add3A_55, %select_n3A_70 : vector<512x64xf32>
    %get3A_72 = arith.constant 4 : index
    %get3A_73 = arith.constant 0 : index
    %get3A_74 = vector.load %arg4[%get3A_72, %get3A_73] : memref<8x64xf32, #tpu.memory_space<vmem>>, vector<1x64xf32>
    %get3A_75 = vector.shape_cast %get3A_74 : vector<1x64xf32> to vector<64xf32>
    %broadcast_in_dim3A_76 = vector.shape_cast %get3A_75 : vector<64xf32> to vector<1x64xf32>
    %eq3A_77 = arith.constant 4 : i32
    %eq3A_78 = vector.broadcast %eq3A_77 : i32 to vector<512x1xi32>
    %eq3A_79 = arith.cmpi eq, %broadcast_in_dim3A_10, %eq3A_78 : vector<512x1xi32>
    %jit3A_80 = arith.constant 0.000000e+00 : f32
    %broadcast_in_dim3A_81 = vector.shape_cast %eq3A_79 : vector<512x1xi1> to vector<512x1xi1>
    %broadcast_in_dim3A_82 = vector.broadcast %broadcast_in_dim3A_81 : vector<512x1xi1> to vector<512x64xi1>
    %broadcast_in_dim3A_83 = vector.shape_cast %broadcast_in_dim3A_76 : vector<1x64xf32> to vector<1x64xf32>
    %broadcast_in_dim3A_84 = vector.broadcast %broadcast_in_dim3A_83 : vector<1x64xf32> to vector<512x64xf32>
    %broadcast_in_dim3A_85 = vector.broadcast %jit3A_80 : f32 to vector<512x64xf32>
    %select_n3A_86 = arith.select %broadcast_in_dim3A_82, %broadcast_in_dim3A_84, %broadcast_in_dim3A_85 : vector<512x64xi1>, vector<512x64xf32>
    %add3A_87 = arith.addf %add3A_71, %select_n3A_86 : vector<512x64xf32>
    %get3A_88 = arith.constant 5 : index
    %get3A_89 = arith.constant 0 : index
    %get3A_90 = vector.load %arg4[%get3A_88, %get3A_89] : memref<8x64xf32, #tpu.memory_space<vmem>>, vector<1x64xf32>
    %get3A_91 = vector.shape_cast %get3A_90 : vector<1x64xf32> to vector<64xf32>
    %broadcast_in_dim3A_92 = vector.shape_cast %get3A_91 : vector<64xf32> to vector<1x64xf32>
    %eq3A_93 = arith.constant 5 : i32
    %eq3A_94 = vector.broadcast %eq3A_93 : i32 to vector<512x1xi32>
    %eq3A_95 = arith.cmpi eq, %broadcast_in_dim3A_10, %eq3A_94 : vector<512x1xi32>
    %jit3A_96 = arith.constant 0.000000e+00 : f32
    %broadcast_in_dim3A_97 = vector.shape_cast %eq3A_95 : vector<512x1xi1> to vector<512x1xi1>
    %broadcast_in_dim3A_98 = vector.broadcast %broadcast_in_dim3A_97 : vector<512x1xi1> to vector<512x64xi1>
    %broadcast_in_dim3A_99 = vector.shape_cast %broadcast_in_dim3A_92 : vector<1x64xf32> to vector<1x64xf32>
    %broadcast_in_dim3A_100 = vector.broadcast %broadcast_in_dim3A_99 : vector<1x64xf32> to vector<512x64xf32>
    %broadcast_in_dim3A_101 = vector.broadcast %jit3A_96 : f32 to vector<512x64xf32>
    %select_n3A_102 = arith.select %broadcast_in_dim3A_98, %broadcast_in_dim3A_100, %broadcast_in_dim3A_101 : vector<512x64xi1>, vector<512x64xf32>
    %add3A_103 = arith.addf %add3A_87, %select_n3A_102 : vector<512x64xf32>
    %get3A_104 = arith.constant 6 : index
    %get3A_105 = arith.constant 0 : index
    %get3A_106 = vector.load %arg4[%get3A_104, %get3A_105] : memref<8x64xf32, #tpu.memory_space<vmem>>, vector<1x64xf32>
    %get3A_107 = vector.shape_cast %get3A_106 : vector<1x64xf32> to vector<64xf32>
    %broadcast_in_dim3A_108 = vector.shape_cast %get3A_107 : vector<64xf32> to vector<1x64xf32>
    %eq3A_109 = arith.constant 6 : i32
    %eq3A_110 = vector.broadcast %eq3A_109 : i32 to vector<512x1xi32>
    %eq3A_111 = arith.cmpi eq, %broadcast_in_dim3A_10, %eq3A_110 : vector<512x1xi32>
    %jit3A_112 = arith.constant 0.000000e+00 : f32
    %broadcast_in_dim3A_113 = vector.shape_cast %eq3A_111 : vector<512x1xi1> to vector<512x1xi1>
    %broadcast_in_dim3A_114 = vector.broadcast %broadcast_in_dim3A_113 : vector<512x1xi1> to vector<512x64xi1>
    %broadcast_in_dim3A_115 = vector.shape_cast %broadcast_in_dim3A_108 : vector<1x64xf32> to vector<1x64xf32>
    %broadcast_in_dim3A_116 = vector.broadcast %broadcast_in_dim3A_115 : vector<1x64xf32> to vector<512x64xf32>
    %broadcast_in_dim3A_117 = vector.broadcast %jit3A_112 : f32 to vector<512x64xf32>
    %select_n3A_118 = arith.select %broadcast_in_dim3A_114, %broadcast_in_dim3A_116, %broadcast_in_dim3A_117 : vector<512x64xi1>, vector<512x64xf32>
    %add3A_119 = arith.addf %add3A_103, %select_n3A_118 : vector<512x64xf32>
    %get3A_120 = arith.constant 7 : index
    %get3A_121 = arith.constant 0 : index
    %get3A_122 = vector.load %arg4[%get3A_120, %get3A_121] : memref<8x64xf32, #tpu.memory_space<vmem>>, vector<1x64xf32>
    %get3A_123 = vector.shape_cast %get3A_122 : vector<1x64xf32> to vector<64xf32>
    %broadcast_in_dim3A_124 = vector.shape_cast %get3A_123 : vector<64xf32> to vector<1x64xf32>
    %eq3A_125 = arith.constant 7 : i32
    %eq3A_126 = vector.broadcast %eq3A_125 : i32 to vector<512x1xi32>
    %eq3A_127 = arith.cmpi eq, %broadcast_in_dim3A_10, %eq3A_126 : vector<512x1xi32>
    %jit3A_128 = arith.constant 0.000000e+00 : f32
    %broadcast_in_dim3A_129 = vector.shape_cast %eq3A_127 : vector<512x1xi1> to vector<512x1xi1>
    %broadcast_in_dim3A_130 = vector.broadcast %broadcast_in_dim3A_129 : vector<512x1xi1> to vector<512x64xi1>
    %broadcast_in_dim3A_131 = vector.shape_cast %broadcast_in_dim3A_124 : vector<1x64xf32> to vector<1x64xf32>
    %broadcast_in_dim3A_132 = vector.broadcast %broadcast_in_dim3A_131 : vector<1x64xf32> to vector<512x64xf32>
    %broadcast_in_dim3A_133 = vector.broadcast %jit3A_128 : f32 to vector<512x64xf32>
    %select_n3A_134 = arith.select %broadcast_in_dim3A_130, %broadcast_in_dim3A_132, %broadcast_in_dim3A_133 : vector<512x64xi1>, vector<512x64xf32>
    %add3A_135 = arith.addf %add3A_119, %select_n3A_134 : vector<512x64xf32>
    %swap3A = arith.constant 0 : index
    %swap3A_136 = arith.constant 0 : index
    %swap3A_137 = vector.load %arg5[%swap3A, %swap3A_136] : memref<512x64xf32, #tpu.memory_space<vmem>>, vector<512x64xf32>
    tpu.vector_store %arg5[%swap3A, %swap3A_136], %add3A_135 {strides = array<i32>} : memref<512x64xf32, #tpu.memory_space<vmem>>, vector<512x64xf32>,
    return
  }
  func.func @transform_0(%arg0: i32) -> i32 {
    %c0_i32 = arith.constant 0 : i32
    return %arg0 : i32
  }
  func.func @transform_1(%arg0: i32) -> i32 {
    %c0_i32 = arith.constant 0 : i32
    return %arg0 : i32
  }
  func.func @transform_2(%arg0: i32) -> i32 {
    %c0_i32 = arith.constant 0 : i32
    %c0_i32_0 = arith.constant 0 : i32
    return %c0_i32 : i32
  }
  func.func @transform_3(%arg0: i32) -> (i32, i32) {
    %c0_i32 = arith.constant 0 : i32
    %c0_i32_0 = arith.constant 0 : i32
    %c0_i32_1 = arith.constant 0 : i32
    return %c0_i32, %c0_i32_0 : i32, i32
  }
  func.func @transform_4(%arg0: i32) -> (i32, i32) {
    %c0_i32 = arith.constant 0 : i32
    %c0_i32_0 = arith.constant 0 : i32
    return %arg0, %c0_i32 : i32, i32
  }
}

</mosaic_0001>

<sc_bundles>
// kernel: kernel.4.cloned.1.call-start
scs
__scs_entry_jumppad:
0x0: {  	(pc) =	sbr.rel $0x88, $3  }
0x1: {  	(tag) =	ssettag $0x0;
	lr =	simm.s32 $0x1  }
0x2: {  	[smem:$0x3F99] =	sst lr;
	_ =	strace $0xD0000000  }
0x3: {  	_ = 	snop  }
0x4: {  	_ = 	snop  }
0x5: {  	_ = 	snop  }
0x6: {  	_ = 	snop  }
0x7: {  	_ = 	snop  }
__scs_overlays_trampoline_lowered:
0x8: {  	[smem:$0x3FA8] =	sst s0  }
0x9: {  	[smem:$0x3FA9] =	sst s1  }
0xa: {  	[smem:$0x3FAA] =	sst s2  }
0xb: {  	[smem:$0x3FAB] =	sst s3  }
0xc: {  	[smem:$0x3FAC] =	sst s4  }
0xd: {  	[smem:$0x3FAD] =	sst s5  }
0xe: {  	[smem:$0x3FAE] =	sst s6  }
0xf: {  	[smem:$0x3FAF] =	sst s7  }
0x10: {  	[smem:$0x3FB0] =	sst s8  }
0x11: {  	[smem:$0x3FB1] =	sst s9;
	s0 =	simm.s32 @!p0 $0x0  }
0x12: {  	s1 =	sld [smem:$0x3F97];
	s0 =	simm.s32 @p0 $0x1  }
0x13: {  	[smem:$0x3FB2] =	sst s0;
	s0 =	simm.s32 @!p1 $0x0  }
0x14: {  	s2 =	sld [smem:$0x3F96];
	s0 =	simm.s32 @p1 $0x1  }
0x15: {  	[smem:$0x3FB3] =	sst s0;
	s0 =	simm.s32 @!p2 $0x0  }
0x16: {  	s3 =	sld [smem:$0x3FDB];
	s0 =	simm.s32 @p2 $0x1  }
0x17: {  	s4 =	simm.s32 $0x1BF5;
	[smem:$0x3FB5] =	sst s0  }
0x18: {  	s0 =	sld [smem:$0x3F98];
	_ =	swait.ge [sflag:s4], $0x0  }
0x19: {  	s7 =	sld [smem:$0x3F99]  }
0x1a: {  	s8 =	sadd.s32 $0xFFFFE003, lr  }
0x1b: {  	s9 =	sadd.s32 $0xFFFFFEF7, lr;
	s5 =	simm.s32 $0xFFFFFFFF;
	p2 =	slt.u32 s8, $0xFFFFF086  }
0x1c: {  	p1 =	slt.u32 s9, $0xF7A;
	s5 =	simm.s32 @!p2 $0x0  }
0x1d: {  	s5 =	simm.s32 @p1 $0x1;
	p0 =	seq.s32 s7, s2  }
0x1e: {  	s7 =	smul.u32 @!p0 $0xF7A, s2;
	p2 =	seq.s32 @!p0 s5, $0x0  }
0x1f: {  	s9 =	smul.u32 $0xF7A, s1;
	s8 =	simm.s32 @!p0 $0x1BF5;
	p2 =	por !p2, p0  }
0x20: {  	[sflag:s8] =	ssyncset.s32 @!p0 $0xFFFFF086;
	s6 =	sadd.s32 @!p0 s3, s7;
	s7 =	simm.s32 @!p0 $0x108  }
0x21: {  	s3 =	sadd.s32 s3, s9;
	s6 =	sadd.s32 @!p0 $0x88, s6;
	s7 =	simm.s32 @p2 $0x1082  }
0x22: {  	[simem:s7], [sflag:s8] =	dma.local @!p0 [hbm:s6], $0xF7A  }
0x23: {  	s9 =	sor.u32 $0xD0000000, s2;
	s6 =	simm.s32 $0x108;
	_ =	swait.ge @!p0 [sflag:s8], $0x0  }
0x24: {  	s3 =	sadd.s32 $0x88, s3;
	s6 =	simm.s32 @!p1 $0x1082;
	[sflag:s4] =	ssyncset.s32 $0xFFFFF086  }
0x25: {  	[simem:s6], [sflag:s4] =	dma.local [hbm:s3], $0xF7A  }
0x26: {  	[smem:$0x3F99] =	sst s1;
	(tag) =	ssettag s2;
	_ =	strace s9  }
0x27: {  	s1 =	sld [smem:$0x3FA9]  }
0x28: {  	s2 =	sld [smem:$0x3FAA]  }
0x29: {  	s4 =	sld [smem:$0x3FAC]  }
0x2a: {  	p0 =	seq.s32 s5, $0x0;
	s5 =	sld [smem:$0x3FAD]  }
0x2b: {  	s6 =	sld [smem:$0x3FAE]  }
0x2c: {  	s7 =	sld [smem:$0x3FAF]  }
0x2d: {  	s3 =	simm.s32 $0x108;
	s8 =	sld [smem:$0x3FB0]  }
0x2e: {  	s3 =	simm.s32 @!p0 $0x1082;
	s9 =	sld [smem:$0x3FB1]  }
0x2f: {  	lr =	sadd.s32 s0, s3;
	s0 =	sld [smem:$0x3FA8]  }
0x30: {  	s3 =	sld [smem:$0x3FAB]  }
0x31: {  	[smem:$0x3FB4] =	sst s10  }
0x32: {  	s10 =	sld [smem:$0x3FB2];
	_ =	sdelay $0x3  }
0x33: {  	p0 =	seq.s32 s10, $0x1;
	s10 =	sld [smem:$0x3FB4];
	_ =	sdelay $0x3  }
0x34: {  	[smem:$0x3FB4] =	sst s10  }
0x35: {  	s10 =	sld [smem:$0x3FB3];
	_ =	sdelay $0x3  }
0x36: {  	p1 =	seq.s32 s10, $0x1;
	s10 =	sld [smem:$0x3FB4];
	_ =	sdelay $0x3  }
0x37: {  	[smem:$0x3FB4] =	sst s10  }
0x38: {  	s10 =	sld [smem:$0x3FB5]  }
0x39: {  	_ = 	snop;
	(pc) =	sbr.ind lr, $3  }
0x3a: {  	_ = 	snop  }
0x3b: {  	_ = 	snop  }
0x3c: {  	p2 =	seq.s32 s10, $0x1;
	s10 =	sld [smem:$0x3FB4]  }
0x3d: {  	_ =	shalt  }
0x3e: {  	_ =	shalt  }
0x3f: {  	_ =	shalt  }
0x40: {  	_ =	shalt  }
0x41: {  	_ =	shalt  }
0x42: {  	_ =	shalt  }
0x43: {  	_ =	shalt  }
0x44: {  	_ =	shalt  }
0x45: {  	_ =	shalt  }
0x46: {  	_ =	shalt  }
0x47: {  	_ =	shalt  }
0x48: {  	_ =	shalt  }
0x49: {  	_ =	shalt  }
0x4a: {  	_ =	shalt  }
0x4b: {  	_ =	shalt  }
0x4c: {  	_ =	shalt  }
0x4d: {  	_ =	shalt  }
0x4e: {  	_ =	shalt  }
0x4f: {  	_ =	shalt  }
0x50: {  	_ =	shalt  }
0x51: {  	_ =	shalt  }
0x52: {  	_ =	shalt  }
0x53: {  	_ =	shalt  }
0x54: {  	_ =	shalt  }
0x55: {  	_ =	shalt  }
0x56: {  	_ =	shalt  }
0x57: {  	_ =	shalt  }
0x58: {  	_ =	shalt  }
0x59: {  	_ =	shalt  }
0x5a: {  	_ =	shalt  }
0x5b: {  	_ =	shalt  }
0x5c: {  	_ =	shalt  }
0x5d: {  	_ =	shalt  }
0x5e: {  	_ =	shalt  }
0x5f: {  	_ =	shalt  }
0x60: {  	_ =	shalt  }
0x61: {  	_ =	shalt  }
0x62: {  	_ =	shalt  }
0x63: {  	_ =	shalt  }
0x64: {  	_ =	shalt  }
0x65: {  	_ =	shalt  }
0x66: {  	_ =	shalt  }
0x67: {  	_ =	shalt  }
0x68: {  	_ =	shalt  }
0x69: {  	_ =	shalt  }
0x6a: {  	_ =	shalt  }
0x6b: {  	_ =	shalt  }
0x6c: {  	_ =	shalt  }
0x6d: {  	_ =	shalt  }
0x6e: {  	_ =	shalt  }
0x6f: {  	_ =	shalt  }
0x70: {  	_ =	shalt  }
0x71: {  	_ =	shalt  }
0x72: {  	_ =	shalt  }
0x73: {  	_ =	shalt  }
0x74: {  	_ =	shalt  }
0x75: {  	_ =	shalt  }
0x76: {  	_ =	shalt  }
0x77: {  	_ =	shalt  }
0x78: {  	_ =	shalt  }
0x79: {  	_ =	shalt  }
0x7a: {  	_ =	shalt  }
0x7b: {  	_ =	shalt  }
0x7c: {  	_ =	shalt  }
0x7d: {  	_ =	shalt  }
0x7e: {  	_ =	shalt  }
0x7f: {  	_ =	shalt  }
0x80: {  	_ =	shalt  }
0x81: {  	_ =	shalt  }
0x82: {  	_ =	shalt  }
0x83: {  	_ =	shalt  }
0x84: {  	_ =	shalt  }
0x85: {  	_ =	shalt  }
0x86: {  	_ =	shalt  }
0x87: {  	_ =	shalt  }
.Lfunc_end0:
.L_simem_size_0:
called_computation.1_lowered:
.L_overlay_start_0:
0x88: {  	s2 =	sld [smem:$0x3FD9]  }
0x89: {  	s3 =	sld [smem:$0x3FFE];
	_ =	sdelay $0x1  }
0x8a: {  	s1 =	srdreg.scid  }
0x8b: {  	s0 =	sand.u32 $0x1, s1  }
0x8c: {  	s14 =	sshll.u32 s0, $0xA;
	s2 =	sadd.s32 s3, s2  }
0x8d: {  	s2 =	sadd.s32 s2, s14  }
0x8e: {  	[smem:$0x3FC0] =	sst s2  }
0x8f: {  	_ = 	snop  }
0x90: {  	s2 =	sld [smem:$0x3FD0];
	_ =	sdelay $0x1  }
0x91: {  	s15 =	sld [smem:$0x3FC5]  }
0x92: {  	s5 =	simm.s32 $0xA;
	s6 =	simm.s32 $0x10;
	s4 =	sld [smem:$0x3FC4]  }
0x93: {  	[smem:s6], [sflag:s5] =	dma.local [hbm:s2], $0x1  }
0x94: {  	_ =	swait.eq [sflag:s5], $0x1  }
0x95: {  	[sflag:s5] =	ssyncset.done $0x0  }
0x96: {  	s16 =	sld [smem:$0x10];
	[sflag:s5] =	ssyncadd.s32 $0xFFFFFFFF  }
0x97: {  	s17 =	sld [smem:$0x11];
	(tm) =	ssettm $0x1  }
0x98: {  	s18 =	sld [smem:$0x3FFB];
	_ =	sdelay $0x3  }
0x99: {  	_ =	strace s18  }
0x9a: {  	s6 =	sld [smem:$0x3FFC];
	_ =	sdelay $0x3  }
0x9b: {  	_ =	strace s6  }
0x9c: {  	s6 =	sld [smem:$0x3FFD];
	_ =	sdelay $0x3  }
0x9d: {  	_ =	strace s6  }
0x9e: {  	_ =	strace $0x8FFFFFFF  }
0x9f: {  	s19 =	sld [smem:$0x3FDB];
	_ =	sdelay $0x1  }
0xa0: {  	s7 =	simm.s32 $_scs_section_size  }
0xa1: {  	s8 =	simm.s32 $_size__tile_overlayer_lowered;
	s9 =	simm.s32 $_tile_overlayer_lowered  }
0xa2: {  	s22 =	simm.s32 $0x1BFF;
	s21 =	sshll.u32 s9, $0x1;
	s6 =	sadd.s32 s7, s19  }
0xa3: {  	s10 =	simm.s32 $0x0;
	s20 =	sshll.u32 s8, $0x1;
	s8 =	sadd.s32 s21, s6  }
0xa4: {  	[timem:s10], [sflag:s22] =	dma.local [hbm:s8], s20  }
0xa5: {  	_ =	swait.ge [sflag:s22], s20  }
0xa6: {  	s7 =	ssub.s32 $0x0, s20;
	[sflag:s22] =	ssyncset.done $0x0  }
0xa7: {  	[sflag:s22] =	ssyncadd.s32 s7;
	_ =	sdelay $0x1  }
0xa8: {  	s23 =	simm.s32 $0x1B8B  }
0xa9: {  	_ =	swait.ge [sflag:s23], $0x1  }
0xaa: {  	[sflag:s23] =	ssyncset.done $0x0  }
0xab: {  	s25 =	simm.s32 $0x1B8E;
	s24 =	sld [smem:$0x3FFE];
	[sflag:s23] =	ssyncadd.s32 $0xFFFFFFFF  }
0xac: {  	s26 =	simm.s32 $execute0_lowered;
	[smem:$0x3FD2] =	sst s25  }
0xad: {  	s8 =	sshll.u32 s26, $0x1;
	_ =	strace $0x80000046;
	[dreg:$0x1] =	wrdreg $0xFFFFFFFF  }
0xae: {  	s28 =	simm.s32 $_size_execute0_lowered;
	s6 =	sadd.s32 s6, s8;
	[dreg:$0x0] =	wrdreg $0x0  }
0xaf: {  	s8 =	sshll.u32 s28, $0x1;
	[dreg:$0x2] =	wrdreg s6  }
0xb0: {  	[dreg:$0x3] =	wrdreg s8  }
0xb1: {  	[dreg:$0x4] =	wrdreg $0xC0  }
0xb2: {  	_ =	task [dreg:s10], $0x5FFFF  }
0xb3: {  	[dreg:$0x1] =	wrdreg $0xFFFFFFFF  }
0xb4: {  	[dreg:$0x0] =	wrdreg $0x60  }
0xb5: {  	[dreg:$0x2] =	wrdreg s15  }
0xb6: {  	[dreg:$0x3] =	wrdreg s4  }
0xb7: {  	[dreg:$0x4] =	wrdreg s17  }
0xb8: {  	[dreg:$0x5] =	wrdreg s24  }
0xb9: {  	[dreg:$0x6] =	wrdreg s16  }
0xba: {  	[dreg:$0x7] =	wrdreg $0x9  }
0xbb: {  	_ =	task.clear_ibuf [dreg:s10], $0x8FFFF;
	_ =	strace $0x90000046  }
0xbc: {  	s29 =	simm.s32 $0x9;
	_ =	strace $0x80000048  }
0xbd: {  	_ =	swait.ge [sflag:s29], $0x1  }
0xbe: {  	[sflag:s29] =	ssyncadd.s32 $0xFFFFFFFF  }
0xbf: {  	_ =	strace $0x90000048  }
0xc0: {  	_ =	sfence  }
0xc1: {  	s30 =	sld [smem:$0x0];
	_ =	sdelay $0x2  }
0xc2: {  	s31 =	sshll.u32 s1, $0xD;
	s1 =	sshrl.u32 s1, $0x2  }
0xc3: {  	s3 =	sand.u32 $0x4000, s31;
	s1 =	sadd.s32 s1, s30  }
0xc4: {  	s0 =	sor.u32 s3, s0;
	s1 =	sshll.u32 s1, $0x11  }
0xc5: {  	s0 =	sor.u32 s1, s0  }
0xc6: {  	s0 =	sadd.s32 $0x8F2B, s0  }
0xc7: {  	[sflag:s0] =	ssyncadd.remote.s32 $0x1  }
0xc8: {  	_ =	sfence.sel $0xFFFF  }
0xc9: {  	[dreg:$0x0] =	wrdreg $0xFFFFFFFF;
	(pc) =	sbr.abs _section_cstart, $3  }
0xca: {  	[dreg:$0x1] =	wrdreg $0xFFFFFFFF  }
0xcb: {  	_ =	task.clear_ibuf [dreg:s10], $0x2FFFF;
	_ =	strace $0x9FFFFFFF  }
0xcc: {  	(tm) =	ssettm $0x7FFFFFFF  }
0xcd: {  	_ =	shalt  }
tec
execute0_lowered:
.L_overlay_start_1:
0x0: {  	(tag) =	ssettag $0x1  }
0x1: {  	s1 =	rddreg [dreg:$0x0]  }
0x2: {  	s2 =	rddreg [dreg:$0x1]  }
0x3: {  	s0 =	rddreg [dreg:$0x2]  }
0x4: {  	s3 =	srdreg.scid;
	s4 =	stileid.u32  }
0x5: {  	s7 =	rddreg [dreg:$0x3];
	s15 =	simm.s32 $0x7;
	s24 =	simm.s32 $0x1  }
0x6: {  	s25 =	simm.s32 $0x3;
	s26 =	simm.s32 $0xCD00;
	s28 =	simm.s32 $0x2  }
0x7: {  	s29 =	simm.s32 $0x4;
	s30 =	simm.s32 $0xFD00;
	s31 =	simm.s32 $0x5  }
0x8: {  	s3 =	sand.u32 $0x1, s3;
	s5 =	sshll.u32 s4, $0x1;
	s4 =	rddreg [dreg:$0x4]  }
0x9: {  	s11 =	sadd.s32 $0x100, s2;
	s6 =	sor.u32 s3, s5;
	s5 =	simm.s32 $0x0  }
0xa: {  	s3 =	ssub.s32 $0x2, s3;
	s6 =	smul.u32 $0x640, s6;
	[smem:$0x7FF] =	sst s5  }
0xb: {  	s12 =	sadd.s32 $0x200, s2;
	s9 =	sshrl.u32 s3, $0x1;
	_ =	strace $0x80000047  }
0xc: {  	s3 =	ssub.s32 s3, s9;
	s9 =	sadd.s32 $0x100, s1;
	s8 =	sshrl.u32 s6, $0x3  }
0xd: {  	v2 =	vlaneseq.u32;
	s13 =	sor.u32 $0x10, s6;
	s14 =	smax.u32 s3, $0x1;
	s0 =	sadd.s32 s0, s8  }
0xe: {  	vm0 =	vmmov $0xffff;
	v1 =	vshrl.u32 v2, $0x3;
	s3 =	simm.s32 $0x6;
	s10 =	sadd.s32 s8, s7;
	[dreg:$0x6] =	wrdreg s0  }
0xf: {  	v0 =	vand.u32 $0x7, v2;
	v2 =	vor.u32 $0x8, v2;
	v1 =	vmul.u32 $0x8, v1;
	s8 =	sadd.s32 $0x1000, s10;
	s10 =	sadd.s32 $0x200, s1;
	s0 =	simm.s32 $0x0  }
.LBB2_1:
0x10: {  	s7 =	rddreg [dreg:$0x6]  }
0x11: {  	[tilespmem:s5], [sflag:$0x7] =	stream.linear.gather [hbm4b:s7+s5], $0x640, $0x38;
	[tilespmem:$0x12D00] =	vst v63  }
0x12: {  	_ =	swait.ge [sflag:s15], $0x640  }
0x13: {  	[sflag:s15] =	ssyncset.done $0x0  }
0x14: {  	s23 =	simm.s32 $0x680;
	[sflag:s15] =	ssyncadd.s32 $0xFFFFF9C0  }
0x15: {  	[tilespmem:s23], [sflag:$0x7] =	stream.linear.gather [hbm4b:s8+s5], $0x640, $0x38;
	[tilespmem:$0x12D00] =	vst v63  }
0x16: {  	_ =	swait.ge [sflag:s15], $0x640  }
0x17: {  	[sflag:s15] =	ssyncset.done $0x0  }
0x18: {  	[sflag:s15] =	ssyncadd.s32 $0xFFFFF9C0  }
0x19: {  	v3 =	vld [tilespmem:$0x0];
	_ =	sdelay $0x4  }
0x1a: {  	v4 =	vshrl.u32 v3, $0x3  }
0x1b: {  	v4 =	vmul.u32 $0x30, v4  }
0x1c: {  	v3 =	vand.u32 $0x7, v3  }
0x1d: {  	v3 =	vor.u32 v3, v4  }
0x1e: {  	v4 =	vperm.xlane v3, v0;
	_ =	sdelay $0x1  }
0x1f: {  	v4 =	vadd.s32 v1, v4  }
0x20: {  	v5 =	vld [tilespmem:$0x680];
	_ =	sdelay $0x2  }
0x21: {  	s16 =	simm.s32 $0xD00;
	v3 =	vperm.xlane v3, v2  }
0x22: {  	[tilespmem:s16], [sflag:$0x1] =	stream.indirect_vreg.gather [hbm4b:s1+s5], $0x80, v4, vm0, $0xb8;
	[tilespmem:$0x12D00] =	vst v63  }
0x23: {  	s17 =	simm.s32 $0x1500;
	v6 =	vshrl.u32 v5, $0x3;
	v3 =	vadd.s32 v1, v3  }
0x24: {  	v6 =	vmul.u32 $0x30, v6;
	[tilespmem:s17], [sflag:$0x1] =	stream.indirect_vreg.gather [hbm4b:s9+s5], $0x80, v4, vm0, $0xb8;
	[tilespmem:$0x12D00] =	vst v63  }
0x25: {  	s18 =	simm.s32 $0x1D00;
	v5 =	vand.u32 $0x7, v5  }
0x26: {  	v60 =	vor.u32 v5, v6;
	[tilespmem:s18], [sflag:$0x1] =	stream.indirect_vreg.gather [hbm4b:s10+s5], $0x80, v4, vm0, $0xb8;
	[tilespmem:$0x12D00] =	vst v63  }
0x27: {  	s19 =	simm.s32 $0x2500;
	v5 =	vperm.xlane v60, v0  }
0x28: {  	[tilespmem:s19], [sflag:$0x1] =	stream.indirect_vreg.gather [hbm4b:s1+s5], $0x80, v3, vm0, $0xb8;
	[tilespmem:$0x12D00] =	vst v63  }
0x29: {  	s20 =	simm.s32 $0x2D00;
	v5 =	vadd.s32 v1, v5  }
0x2a: {  	[tilespmem:s20], [sflag:$0x1] =	stream.indirect_vreg.gather [hbm4b:s9+s5], $0x80, v3, vm0, $0xb8;
	[tilespmem:$0x12D00] =	vst v63  }
0x2b: {  	s21 =	simm.s32 $0x3500  }
0x2c: {  	[tilespmem:s21], [sflag:$0x1] =	stream.indirect_vreg.gather [hbm4b:s10+s5], $0x80, v3, vm0, $0xb8;
	[tilespmem:$0x12D00] =	vst v63  }
0x2d: {  	s22 =	simm.s32 $0x6D00;
	v3 =	vperm.xlane v60, v2  }
0x2e: {  	[tilespmem:s22], [sflag:$0x3] =	stream.indirect_vreg.gather [hbm4b:s2+s5], $0x80, v5, vm0, $0xb8;
	[tilespmem:$0x12D00] =	vst v63  }
0x2f: {  	s23 =	simm.s32 $0x7500;
	v3 =	vadd.s32 v1, v3  }
0x30: {  	[tilespmem:s23], [sflag:$0x3] =	stream.indirect_vreg.gather [hbm4b:s11+s5], $0x80, v5, vm0, $0xb8;
	[tilespmem:$0x12D00] =	vst v63  }
0x31: {  	s16 =	simm.s32 $0x7D00  }
0x32: {  	[tilespmem:s16], [sflag:$0x3] =	stream.indirect_vreg.gather [hbm4b:s12+s5], $0x80, v5, vm0, $0xb8;
	[tilespmem:$0x12D00] =	vst v63  }
0x33: {  	s17 =	simm.s32 $0x8500  }
0x34: {  	[tilespmem:s17], [sflag:$0x3] =	stream.indirect_vreg.gather [hbm4b:s2+s5], $0x80, v3, vm0, $0xb8;
	[tilespmem:$0x12D00] =	vst v63  }
0x35: {  	s18 =	simm.s32 $0x8D00  }
0x36: {  	[tilespmem:s18], [sflag:$0x3] =	stream.indirect_vreg.gather [hbm4b:s11+s5], $0x80, v3, vm0, $0xb8;
	[tilespmem:$0x12D00] =	vst v63  }
0x37: {  	s19 =	simm.s32 $0x9500  }
0x38: {  	[tilespmem:s19], [sflag:$0x3] =	stream.indirect_vreg.gather [hbm4b:s12+s5], $0x80, v3, vm0, $0xb8;
	[tilespmem:$0x12D00] =	vst v63  }
0x39: {  	v3 =	vld [tilespmem:$0x10];
	_ =	sdelay $0x4  }
0x3a: {  	v61 =	vshrl.u32 v3, $0x3  }
0x3b: {  	v4 =	vmul.u32 $0x30, v61  }
0x3c: {  	v3 =	vand.u32 $0x7, v3  }
0x3d: {  	v3 =	vor.u32 v3, v4  }
0x3e: {  	v4 =	vperm.xlane v3, v0;
	_ =	sdelay $0x1  }
0x3f: {  	v4 =	vadd.s32 v1, v4  }
0x40: {  	v5 =	vld [tilespmem:$0x690];
	_ =	sdelay $0x2  }
0x41: {  	s20 =	simm.s32 $0x3D00;
	v3 =	vperm.xlane v3, v2  }
0x42: {  	[tilespmem:s20], [sflag:$0x2] =	stream.indirect_vreg.gather [hbm4b:s1+s5], $0x80, v4, vm0, $0xb8;
	[tilespmem:$0x12D00] =	vst v63  }
0x43: {  	s21 =	simm.s32 $0x4500;
	v62 =	vshrl.u32 v5, $0x3;
	v3 =	vadd.s32 v1, v3  }
0x44: {  	v6 =	vmul.u32 $0x30, v62;
	[tilespmem:s21], [sflag:$0x2] =	stream.indirect_vreg.gather [hbm4b:s9+s5], $0x80, v4, vm0, $0xb8;
	[tilespmem:$0x12D00] =	vst v63  }
0x45: {  	s22 =	simm.s32 $0x4D00;
	v5 =	vand.u32 $0x7, v5  }
0x46: {  	v63 =	vor.u32 v5, v6;
	[tilespmem:s22], [sflag:$0x2] =	stream.indirect_vreg.gather [hbm4b:s10+s5], $0x80, v4, vm0, $0xb8;
	[tilespmem:$0x12D00] =	vst v63  }
0x47: {  	s23 =	simm.s32 $0x5500;
	v5 =	vperm.xlane v63, v0  }
0x48: {  	[tilespmem:s23], [sflag:$0x2] =	stream.indirect_vreg.gather [hbm4b:s1+s5], $0x80, v3, vm0, $0xb8;
	[tilespmem:$0x12D00] =	vst v63  }
0x49: {  	s16 =	simm.s32 $0x5D00;
	v5 =	vadd.s32 v1, v5  }
0x4a: {  	[tilespmem:s16], [sflag:$0x2] =	stream.indirect_vreg.gather [hbm4b:s9+s5], $0x80, v3, vm0, $0xb8;
	[tilespmem:$0x12D00] =	vst v63  }
0x4b: {  	s17 =	simm.s32 $0x6500  }
0x4c: {  	[tilespmem:s17], [sflag:$0x2] =	stream.indirect_vreg.gather [hbm4b:s10+s5], $0x80, v3, vm0, $0xb8;
	[tilespmem:$0x12D00] =	vst v63  }
0x4d: {  	s18 =	simm.s32 $0x9D00;
	v3 =	vperm.xlane v63, v2  }
0x4e: {  	[tilespmem:s18], [sflag:$0x4] =	stream.indirect_vreg.gather [hbm4b:s2+s5], $0x80, v5, vm0, $0xb8;
	[tilespmem:$0x12D00] =	vst v63  }
0x4f: {  	s19 =	simm.s32 $0xA500;
	v3 =	vadd.s32 v1, v3  }
0x50: {  	[tilespmem:s19], [sflag:$0x4] =	stream.indirect_vreg.gather [hbm4b:s11+s5], $0x80, v5, vm0, $0xb8;
	[tilespmem:$0x12D00] =	vst v63  }
0x51: {  	s20 =	simm.s32 $0xAD00  }
0x52: {  	[tilespmem:s20], [sflag:$0x4] =	stream.indirect_vreg.gather [hbm4b:s12+s5], $0x80, v5, vm0, $0xb8;
	[tilespmem:$0x12D00] =	vst v63  }
0x53: {  	s21 =	simm.s32 $0xB500  }
0x54: {  	[tilespmem:s21], [sflag:$0x4] =	stream.indirect_vreg.gather [hbm4b:s2+s5], $0x80, v3, vm0, $0xb8;
	[tilespmem:$0x12D00] =	vst v63  }
0x55: {  	s22 =	simm.s32 $0xBD00  }
0x56: {  	[tilespmem:s22], [sflag:$0x4] =	stream.indirect_vreg.gather [hbm4b:s11+s5], $0x80, v3, vm0, $0xb8;
	[tilespmem:$0x12D00] =	vst v63  }
0x57: {  	s23 =	simm.s32 $0xC500;
	s16 =	simm.s32 $0x0  }
0x58: {  	[tilespmem:s23], [sflag:$0x4] =	stream.indirect_vreg.gather [hbm4b:s12+s5], $0x80, v3, vm0, $0xb8;
	[tilespmem:$0x12D00] =	vst v63  }
.LBB2_2:
0x59: {  	_ =	swait.ge [sflag:s24], $0x3000  }
0x5a: {  	[sflag:s24] =	ssyncset.done $0x0  }
0x5b: {  	[sflag:s24] =	ssyncadd.s32 $0xFFFFD000  }
0x5c: {  	_ =	swait.ge [sflag:s25], $0x3000  }
0x5d: {  	p1 =	seq.s32 s16, $0x0;
	[sflag:s25] =	ssyncset.done $0x0  }
0x5e: {  	s18 =	simm.s32 $0x0;
	s17 =	simm.s32 @!p1 $0x5;
	[sflag:s25] =	ssyncadd.s32 $0xFFFFD000  }
0x5f: {  	s19 =	simm.s32 $0x0;
	s18 =	smul.u32 $0x1800, s18;
	_ =	swait.ge @!p1 [sflag:s17], $0x3000  }
0x60: {  	s19 =	sand.u32 $0x380, s19;
	[sflag:s17] =	ssyncset.done @!p1 $0x0  }
0x61: {  	s18 =	sor.u32 s19, s18;
	[sflag:s17] =	ssyncadd.s32 @!p1 $0xFFFFD000  }
0x62: {  	v3 =	vld [tilespmem:s18+$0x2170]  }
0x63: {  	v4 =	vld [tilespmem:s18+$0x8170]  }
0x64: {  	v5 =	vld [tilespmem:s18+$0xD00]  }
0x65: {  	v6 =	vld [tilespmem:s18+$0x6D00]  }
0x66: {  	v7 =	vld [tilespmem:s18+$0xD10]  }
0x67: {  	v8 =	vld [tilespmem:s18+$0x6D10]  }
0x68: {  	v9 =	vld [tilespmem:s18+$0xD20]  }
0x69: {  	v10 =	vld [tilespmem:s18+$0xD30]  }
0x6a: {  	v11 =	vld [tilespmem:s18+$0x8120];
	v3 =	vadd.f32 v4, v3  }
0x6b: {  	v4 =	vld [tilespmem:s18+$0x6D20]  }
0x6c: {  	v5 =	vadd.f32 v6, v5;
	[tilespmem:s18+$0xE170] =	vst v3;
	v3 =	vld [tilespmem:s18+$0x6D30]  }
0x6d: {  	v6 =	vld [tilespmem:s18+$0xD40]  }
0x6e: {  	[tilespmem:s18+$0xCD00] =	vst v5;
	v5 =	vadd.f32 v8, v7;
	v7 =	vld [tilespmem:s18+$0x6D40]  }
0x6f: {  	v8 =	vld [tilespmem:s18+$0x6D50]  }
0x70: {  	[tilespmem:s18+$0xCD10] =	vst v5;
	v5 =	vld [tilespmem:s18+$0xD50];
	v4 =	vadd.f32 v4, v9  }
0x71: {  	v9 =	vld [tilespmem:s18+$0x6D60];
	v3 =	vadd.f32 v3, v10  }
0x72: {  	[tilespmem:s18+$0xCD20] =	vst v4;
	v4 =	vld [tilespmem:s18+$0xD60]  }
0x73: {  	[tilespmem:s18+$0xCD30] =	vst v3;
	v3 =	vadd.f32 v7, v6;
	v6 =	vld [tilespmem:s18+$0xD70]  }
0x74: {  	v7 =	vld [tilespmem:s18+$0x6D70]  }
0x75: {  	[tilespmem:s18+$0xCD40] =	vst v3;
	v3 =	vadd.f32 v8, v5;
	v5 =	vld [tilespmem:s18+$0x1100]  }
0x76: {  	v8 =	vld [tilespmem:s18+$0x7100]  }
0x77: {  	[tilespmem:s18+$0xCD50] =	vst v3;
	v3 =	vadd.f32 v9, v4;
	v4 =	vld [tilespmem:s18+$0x1110]  }
0x78: {  	v9 =	vld [tilespmem:s18+$0x7110]  }
0x79: {  	[tilespmem:s18+$0xCD60] =	vst v3;
	v3 =	vadd.f32 v7, v6;
	v6 =	vld [tilespmem:s18+$0x1120]  }
0x7a: {  	v7 =	vld [tilespmem:s18+$0x7120]  }
0x7b: {  	[tilespmem:s18+$0xCD70] =	vst v3;
	v3 =	vadd.f32 v8, v5;
	v5 =	vld [tilespmem:s18+$0x1130]  }
0x7c: {  	v8 =	vld [tilespmem:s18+$0x7130]  }
0x7d: {  	[tilespmem:s18+$0xD100] =	vst v3;
	v3 =	vadd.f32 v9, v4;
	v4 =	vld [tilespmem:s18+$0x1140]  }
0x7e: {  	v9 =	vld [tilespmem:s18+$0x7140]  }
0x7f: {  	[tilespmem:s18+$0xD110] =	vst v3;
	v3 =	vadd.f32 v7, v6;
	v6 =	vld [tilespmem:s18+$0x1150]  }
0x80: {  	v7 =	vld [tilespmem:s18+$0x7150]  }
0x81: {  	[tilespmem:s18+$0xD120] =	vst v3;
	v3 =	vadd.f32 v8, v5;
	v5 =	vld [tilespmem:s18+$0x1160]  }
0x82: {  	v8 =	vld [tilespmem:s18+$0x7160]  }
0x83: {  	[tilespmem:s18+$0xD130] =	vst v3;
	v3 =	vadd.f32 v9, v4;
	v4 =	vld [tilespmem:s18+$0x1170]  }
0x84: {  	v9 =	vld [tilespmem:s18+$0x7170]  }
0x85: {  	[tilespmem:s18+$0xD140] =	vst v3;
	v3 =	vadd.f32 v7, v6;
	v6 =	vld [tilespmem:s18+$0x1500]  }
0x86: {  	v7 =	vld [tilespmem:s18+$0x7500]  }
0x87: {  	[tilespmem:s18+$0xD150] =	vst v3;
	v3 =	vadd.f32 v8, v5;
	v5 =	vld [tilespmem:s18+$0x1510]  }
0x88: {  	v8 =	vld [tilespmem:s18+$0x7510]  }
0x89: {  	[tilespmem:s18+$0xD160] =	vst v3;
	v3 =	vadd.f32 v9, v4;
	v4 =	vld [tilespmem:s18+$0x1520]  }
0x8a: {  	v9 =	vld [tilespmem:s18+$0x7520]  }
0x8b: {  	[tilespmem:s18+$0xD170] =	vst v3;
	v3 =	vadd.f32 v7, v6;
	v6 =	vld [tilespmem:s18+$0x1530]  }
0x8c: {  	v7 =	vld [tilespmem:s18+$0x7530]  }
0x8d: {  	[tilespmem:s18+$0xD500] =	vst v3;
	v3 =	vadd.f32 v8, v5;
	v5 =	vld [tilespmem:s18+$0x1540]  }
0x8e: {  	v8 =	vld [tilespmem:s18+$0x7540]  }
0x8f: {  	[tilespmem:s18+$0xD510] =	vst v3;
	v3 =	vadd.f32 v9, v4;
	v4 =	vld [tilespmem:s18+$0x1550]  }
0x90: {  	v9 =	vld [tilespmem:s18+$0x7550]  }
0x91: {  	[tilespmem:s18+$0xD520] =	vst v3;
	v3 =	vadd.f32 v7, v6;
	v6 =	vld [tilespmem:s18+$0x1560]  }
0x92: {  	v7 =	vld [tilespmem:s18+$0x7560]  }
0x93: {  	[tilespmem:s18+$0xD530] =	vst v3;
	v3 =	vadd.f32 v8, v5;
	v5 =	vld [tilespmem:s18+$0x1570]  }
0x94: {  	v8 =	vld [tilespmem:s18+$0x7570]  }
0x95: {  	[tilespmem:s18+$0xD540] =	vst v3;
	v3 =	vadd.f32 v9, v4;
	v4 =	vld [tilespmem:s18+$0x1900]  }
0x96: {  	v9 =	vld [tilespmem:s18+$0x7900]  }
0x97: {  	[tilespmem:s18+$0xD550] =	vst v3;
	v3 =	vadd.f32 v7, v6;
	v6 =	vld [tilespmem:s18+$0x1910]  }
0x98: {  	v7 =	vld [tilespmem:s18+$0x7910]  }
0x99: {  	[tilespmem:s18+$0xD560] =	vst v3;
	v3 =	vadd.f32 v8, v5;
	v5 =	vld [tilespmem:s18+$0x1920]  }
0x9a: {  	v8 =	vld [tilespmem:s18+$0x7920]  }
0x9b: {  	[tilespmem:s18+$0xD570] =	vst v3;
	v3 =	vadd.f32 v9, v4;
	v4 =	vld [tilespmem:s18+$0x1930]  }
0x9c: {  	v9 =	vld [tilespmem:s18+$0x7930]  }
0x9d: {  	[tilespmem:s18+$0xD900] =	vst v3;
	v3 =	vadd.f32 v7, v6;
	v6 =	vld [tilespmem:s18+$0x1940]  }
0x9e: {  	v7 =	vld [tilespmem:s18+$0x7940]  }
0x9f: {  	[tilespmem:s18+$0xD910] =	vst v3;
	v3 =	vadd.f32 v8, v5;
	v5 =	vld [tilespmem:s18+$0x1950]  }
0xa0: {  	v8 =	vld [tilespmem:s18+$0x7950]  }
0xa1: {  	[tilespmem:s18+$0xD920] =	vst v3;
	v3 =	vadd.f32 v9, v4;
	v4 =	vld [tilespmem:s18+$0x1960]  }
0xa2: {  	v9 =	vld [tilespmem:s18+$0x7960]  }
0xa3: {  	[tilespmem:s18+$0xD930] =	vst v3;
	v3 =	vadd.f32 v7, v6;
	v6 =	vld [tilespmem:s18+$0x1970]  }
0xa4: {  	v7 =	vld [tilespmem:s18+$0x7970]  }
0xa5: {  	[tilespmem:s18+$0xD940] =	vst v3;
	v3 =	vadd.f32 v8, v5;
	v5 =	vld [tilespmem:s18+$0x1D00]  }
0xa6: {  	v8 =	vld [tilespmem:s18+$0x7D00]  }
0xa7: {  	[tilespmem:s18+$0xD950] =	vst v3;
	v3 =	vadd.f32 v9, v4;
	v4 =	vld [tilespmem:s18+$0x1D10]  }
0xa8: {  	v9 =	vld [tilespmem:s18+$0x7D10]  }
0xa9: {  	[tilespmem:s18+$0xD960] =	vst v3;
	v3 =	vadd.f32 v7, v6;
	v6 =	vld [tilespmem:s18+$0x1D20]  }
0xaa: {  	v7 =	vld [tilespmem:s18+$0x7D20]  }
0xab: {  	[tilespmem:s18+$0xD970] =	vst v3;
	v3 =	vadd.f32 v8, v5;
	v5 =	vld [tilespmem:s18+$0x1D30]  }
0xac: {  	v8 =	vld [tilespmem:s18+$0x7D30]  }
0xad: {  	[tilespmem:s18+$0xDD00] =	vst v3;
	v3 =	vadd.f32 v9, v4;
	v4 =	vld [tilespmem:s18+$0x1D40]  }
0xae: {  	v9 =	vld [tilespmem:s18+$0x7D40]  }
0xaf: {  	[tilespmem:s18+$0xDD10] =	vst v3;
	v3 =	vadd.f32 v7, v6;
	v6 =	vld [tilespmem:s18+$0x1D50]  }
0xb0: {  	v7 =	vld [tilespmem:s18+$0x7D50]  }
0xb1: {  	[tilespmem:s18+$0xDD20] =	vst v3;
	v3 =	vadd.f32 v8, v5;
	v5 =	vld [tilespmem:s18+$0x1D60]  }
0xb2: {  	v8 =	vld [tilespmem:s18+$0x7D60]  }
0xb3: {  	[tilespmem:s18+$0xDD30] =	vst v3;
	v3 =	vadd.f32 v9, v4;
	v4 =	vld [tilespmem:s18+$0x1D70]  }
0xb4: {  	v9 =	vld [tilespmem:s18+$0x7D70]  }
0xb5: {  	[tilespmem:s18+$0xDD40] =	vst v3;
	v3 =	vadd.f32 v7, v6;
	v6 =	vld [tilespmem:s18+$0x2100]  }
0xb6: {  	v7 =	vld [tilespmem:s18+$0x8100]  }
0xb7: {  	v10 =	vld [tilespmem:s18+$0x8110];
	[tilespmem:s18+$0xDD50] =	vst v3;
	v3 =	vadd.f32 v8, v5  }
0xb8: {  	v8 =	vld [tilespmem:s18+$0x2110]  }
0xb9: {  	[tilespmem:s18+$0xDD60] =	vst v3;
	v3 =	vadd.f32 v9, v4;
	v9 =	vld [tilespmem:s18+$0x2120]  }
0xba: {  	v5 =	vld [tilespmem:s18+$0x2130]  }
0xbb: {  	[tilespmem:s18+$0xDD70] =	vst v3;
	v3 =	vadd.f32 v7, v6;
	v7 =	vld [tilespmem:s18+$0x8130]  }
0xbc: {  	v6 =	vld [tilespmem:s18+$0x8140]  }
0xbd: {  	v4 =	vadd.f32 v10, v8;
	[tilespmem:s18+$0xE100] =	vst v3;
	v3 =	vld [tilespmem:s18+$0x2140]  }
0xbe: {  	s23 =	simm.s32 $0x0;
	s20 =	simm.s32 $0x2;
	v8 =	vld [tilespmem:s18+$0x8150];
	v9 =	vadd.f32 v11, v9  }
0xbf: {  	s21 =	smul.u32 $0x1800, s23;
	s19 =	simm.s32 $0x80;
	s17 =	sshll.u32 s16, $0x5;
	[tilespmem:s18+$0xE110] =	vst v4;
	v4 =	vld [tilespmem:s18+$0x2150]  }
.LBB2_3:
0xc0: {  	p0 =	sne.s32 s20, $0xF;
	s22 =	sand.u32 $0x380, s19;
	[tilespmem:s18+$0xE120] =	vst v9;
	v5 =	vadd.f32 v7, v5;
	v7 =	vld [tilespmem:s18+$0x2160]  }
0xc1: {  	s21 =	sor.u32 s22, s21;
	v9 =	vld [tilespmem:s18+$0x8160]  }
0xc2: {  	v10 =	vld [tilespmem:s21+$0x2170];
	[tilespmem:s18+$0xE130] =	vst v5;
	v3 =	vadd.f32 v6, v3  }
0xc3: {  	v5 =	vld [tilespmem:s21+$0x8170]  }
0xc4: {  	v6 =	vld [tilespmem:s21+$0xD00];
	[tilespmem:s18+$0xE140] =	vst v3;
	v3 =	vadd.f32 v8, v4  }
0xc5: {  	v4 =	vld [tilespmem:s21+$0x6D00]  }
0xc6: {  	v8 =	vld [tilespmem:s21+$0xD10];
	[tilespmem:s18+$0xE150] =	vst v3;
	v3 =	vadd.f32 v9, v7  }
0xc7: {  	v7 =	vld [tilespmem:s21+$0x6D10]  }
0xc8: {  	v9 =	vld [tilespmem:s21+$0xD20];
	v5 =	vadd.f32 v5, v10;
	[tilespmem:s18+$0xE160] =	vst v3;
	s18 =	smov.u32 s21  }
0xc9: {  	v3 =	vld [tilespmem:s18+$0x6D20]  }
0xca: {  	v4 =	vadd.f32 v4, v6;
	v6 =	vld [tilespmem:s18+$0xD30];
	[tilespmem:s18+$0xE170] =	vst v5  }
0xcb: {  	v5 =	vld [tilespmem:s18+$0x6D30]  }
0xcc: {  	[tilespmem:s18+$0xCD00] =	vst v4;
	v4 =	vadd.f32 v7, v8;
	v7 =	vld [tilespmem:s18+$0xD40]  }
0xcd: {  	v8 =	vld [tilespmem:s18+$0x6D40]  }
0xce: {  	[tilespmem:s18+$0xCD10] =	vst v4;
	v3 =	vadd.f32 v3, v9;
	v4 =	vld [tilespmem:s18+$0xD50]  }
0xcf: {  	v9 =	vld [tilespmem:s18+$0x6D50]  }
0xd0: {  	[tilespmem:s18+$0xCD20] =	vst v3;
	v3 =	vadd.f32 v5, v6;
	v5 =	vld [tilespmem:s18+$0xD60]  }
0xd1: {  	v6 =	vld [tilespmem:s18+$0x6D60]  }
0xd2: {  	[tilespmem:s18+$0xCD30] =	vst v3;
	v3 =	vadd.f32 v8, v7;
	v7 =	vld [tilespmem:s18+$0xD70]  }
0xd3: {  	v8 =	vld [tilespmem:s18+$0x6D70]  }
0xd4: {  	[tilespmem:s18+$0xCD40] =	vst v3;
	v3 =	vadd.f32 v9, v4;
	v4 =	vld [tilespmem:s18+$0x1100]  }
0xd5: {  	v9 =	vld [tilespmem:s18+$0x7100]  }
0xd6: {  	[tilespmem:s18+$0xCD50] =	vst v3;
	v3 =	vadd.f32 v6, v5;
	v5 =	vld [tilespmem:s18+$0x1110]  }
0xd7: {  	v6 =	vld [tilespmem:s18+$0x7110]  }
0xd8: {  	[tilespmem:s18+$0xCD60] =	vst v3;
	v3 =	vadd.f32 v8, v7;
	v7 =	vld [tilespmem:s18+$0x1120]  }
0xd9: {  	v8 =	vld [tilespmem:s18+$0x7120]  }
0xda: {  	[tilespmem:s18+$0xCD70] =	vst v3;
	v3 =	vadd.f32 v9, v4;
	v4 =	vld [tilespmem:s18+$0x1130]  }
0xdb: {  	v9 =	vld [tilespmem:s18+$0x7130]  }
0xdc: {  	[tilespmem:s18+$0xD100] =	vst v3;
	v3 =	vadd.f32 v6, v5;
	v5 =	vld [tilespmem:s18+$0x1140]  }
0xdd: {  	v6 =	vld [tilespmem:s18+$0x7140]  }
0xde: {  	[tilespmem:s18+$0xD110] =	vst v3;
	v3 =	vadd.f32 v8, v7;
	v7 =	vld [tilespmem:s18+$0x1150]  }
0xdf: {  	v8 =	vld [tilespmem:s18+$0x7150]  }
0xe0: {  	[tilespmem:s18+$0xD120] =	vst v3;
	v3 =	vadd.f32 v9, v4;
	v4 =	vld [tilespmem:s18+$0x1160]  }
0xe1: {  	v9 =	vld [tilespmem:s18+$0x7160]  }
0xe2: {  	[tilespmem:s18+$0xD130] =	vst v3;
	v3 =	vadd.f32 v6, v5;
	v5 =	vld [tilespmem:s18+$0x1170]  }
0xe3: {  	v6 =	vld [tilespmem:s18+$0x7170]  }
0xe4: {  	[tilespmem:s18+$0xD140] =	vst v3;
	v3 =	vadd.f32 v8, v7;
	v7 =	vld [tilespmem:s18+$0x1500]  }
0xe5: {  	v8 =	vld [tilespmem:s18+$0x7500]  }
0xe6: {  	[tilespmem:s18+$0xD150] =	vst v3;
	v3 =	vadd.f32 v9, v4;
	v4 =	vld [tilespmem:s18+$0x1510]  }
0xe7: {  	v9 =	vld [tilespmem:s18+$0x7510]  }
0xe8: {  	[tilespmem:s18+$0xD160] =	vst v3;
	v3 =	vadd.f32 v6, v5;
	v5 =	vld [tilespmem:s18+$0x1520]  }
0xe9: {  	v6 =	vld [tilespmem:s18+$0x7520]  }
0xea: {  	[tilespmem:s18+$0xD170] =	vst v3;
	v3 =	vadd.f32 v8, v7;
	v7 =	vld [tilespmem:s18+$0x1530]  }
0xeb: {  	v8 =	vld [tilespmem:s18+$0x7530]  }
0xec: {  	[tilespmem:s18+$0xD500] =	vst v3;
	v3 =	vadd.f32 v9, v4;
	v4 =	vld [tilespmem:s18+$0x1540]  }
0xed: {  	v9 =	vld [tilespmem:s18+$0x7540]  }
0xee: {  	[tilespmem:s18+$0xD510] =	vst v3;
	v3 =	vadd.f32 v6, v5;
	v5 =	vld [tilespmem:s18+$0x1550]  }
0xef: {  	v6 =	vld [tilespmem:s18+$0x7550]  }
0xf0: {  	[tilespmem:s18+$0xD520] =	vst v3;
	v3 =	vadd.f32 v8, v7;
	v7 =	vld [tilespmem:s18+$0x1560]  }
0xf1: {  	v8 =	vld [tilespmem:s18+$0x7560]  }
0xf2: {  	[tilespmem:s18+$0xD530] =	vst v3;
	v3 =	vadd.f32 v9, v4;
	v4 =	vld [tilespmem:s18+$0x1570]  }
0xf3: {  	v9 =	vld [tilespmem:s18+$0x7570]  }
0xf4: {  	[tilespmem:s18+$0xD540] =	vst v3;
	v3 =	vadd.f32 v6, v5;
	v5 =	vld [tilespmem:s18+$0x1900]  }
0xf5: {  	v6 =	vld [tilespmem:s18+$0x7900]  }
0xf6: {  	[tilespmem:s18+$0xD550] =	vst v3;
	v3 =	vadd.f32 v8, v7;
	v7 =	vld [tilespmem:s18+$0x1910]  }
0xf7: {  	v8 =	vld [tilespmem:s18+$0x7910]  }
0xf8: {  	[tilespmem:s18+$0xD560] =	vst v3;
	v3 =	vadd.f32 v9, v4;
	v4 =	vld [tilespmem:s18+$0x1920]  }
0xf9: {  	v9 =	vld [tilespmem:s18+$0x7920]  }
0xfa: {  	[tilespmem:s18+$0xD570] =	vst v3;
	v3 =	vadd.f32 v6, v5;
	v5 =	vld [tilespmem:s18+$0x1930]  }
0xfb: {  	v6 =	vld [tilespmem:s18+$0x7930]  }
0xfc: {  	[tilespmem:s18+$0xD900] =	vst v3;
	v3 =	vadd.f32 v8, v7;
	v7 =	vld [tilespmem:s18+$0x1940]  }
0xfd: {  	v8 =	vld [tilespmem:s18+$0x7940]  }
0xfe: {  	[tilespmem:s18+$0xD910] =	vst v3;
	v3 =	vadd.f32 v9, v4;
	v4 =	vld [tilespmem:s18+$0x1950]  }
0xff: {  	v9 =	vld [tilespmem:s18+$0x7950]  }
0x100: {  	[tilespmem:s18+$0xD920] =	vst v3;
	v3 =	vadd.f32 v6, v5;
	v5 =	vld [tilespmem:s18+$0x1960]  }
0x101: {  	v6 =	vld [tilespmem:s18+$0x7960]  }
0x102: {  	[tilespmem:s18+$0xD930] =	vst v3;
	v3 =	vadd.f32 v8, v7;
	v7 =	vld [tilespmem:s18+$0x1970]  }
0x103: {  	v8 =	vld [tilespmem:s18+$0x7970]  }
0x104: {  	[tilespmem:s18+$0xD940] =	vst v3;
	v3 =	vadd.f32 v9, v4;
	v4 =	vld [tilespmem:s18+$0x1D00]  }
0x105: {  	v9 =	vld [tilespmem:s18+$0x7D00]  }
0x106: {  	[tilespmem:s18+$0xD950] =	vst v3;
	v3 =	vadd.f32 v6, v5;
	v5 =	vld [tilespmem:s18+$0x1D10]  }
0x107: {  	v6 =	vld [tilespmem:s18+$0x7D10]  }
0x108: {  	[tilespmem:s18+$0xD960] =	vst v3;
	v3 =	vadd.f32 v8, v7;
	v7 =	vld [tilespmem:s18+$0x1D20]  }
0x109: {  	v8 =	vld [tilespmem:s18+$0x7D20]  }
0x10a: {  	[tilespmem:s18+$0xD970] =	vst v3;
	v3 =	vadd.f32 v9, v4;
	v4 =	vld [tilespmem:s18+$0x1D30]  }
0x10b: {  	v9 =	vld [tilespmem:s18+$0x7D30]  }
0x10c: {  	[tilespmem:s18+$0xDD00] =	vst v3;
	v3 =	vadd.f32 v6, v5;
	v5 =	vld [tilespmem:s18+$0x1D40]  }
0x10d: {  	v6 =	vld [tilespmem:s18+$0x7D40]  }
0x10e: {  	[tilespmem:s18+$0xDD10] =	vst v3;
	v3 =	vadd.f32 v8, v7;
	v7 =	vld [tilespmem:s18+$0x1D50]  }
0x10f: {  	v8 =	vld [tilespmem:s18+$0x7D50]  }
0x110: {  	[tilespmem:s18+$0xDD20] =	vst v3;
	v3 =	vadd.f32 v9, v4;
	v4 =	vld [tilespmem:s18+$0x1D60]  }
0x111: {  	v9 =	vld [tilespmem:s18+$0x7D60]  }
0x112: {  	[tilespmem:s18+$0xDD30] =	vst v3;
	v3 =	vadd.f32 v6, v5;
	v5 =	vld [tilespmem:s18+$0x1D70]  }
0x113: {  	v6 =	vld [tilespmem:s18+$0x7D70]  }
0x114: {  	[tilespmem:s18+$0xDD40] =	vst v3;
	v3 =	vadd.f32 v8, v7;
	v7 =	vld [tilespmem:s18+$0x2100]  }
0x115: {  	v8 =	vld [tilespmem:s18+$0x8100]  }
0x116: {  	[tilespmem:s18+$0xDD50] =	vst v3;
	v3 =	vadd.f32 v9, v4;
	v4 =	vld [tilespmem:s18+$0x2110]  }
0x117: {  	v9 =	vld [tilespmem:s18+$0x8110]  }
0x118: {  	[tilespmem:s18+$0xDD60] =	vst v3;
	v3 =	vadd.f32 v6, v5;
	v10 =	vld [tilespmem:s18+$0x2120]  }
0x119: {  	v11 =	vld [tilespmem:s18+$0x8120]  }
0x11a: {  	[tilespmem:s18+$0xDD70] =	vst v3;
	v3 =	vadd.f32 v8, v7;
	v5 =	vld [tilespmem:s18+$0x2130]  }
.Ltmp0:
0x11b: {  	v7 =	vld [tilespmem:s18+$0x8130];
	(pc) =	sbr.rel @p0 .LBB2_3-.Ltmp0, $4  }
0x11c: {  	[tilespmem:s18+$0xE100] =	vst v3;
	v4 =	vadd.f32 v9, v4;
	v3 =	vld [tilespmem:s18+$0x2140]  }
0x11d: {  	v6 =	vld [tilespmem:s18+$0x8140]  }
0x11e: {  	s21 =	sshrl.u32 s20, $0x3;
	[tilespmem:s18+$0xE110] =	vst v4;
	v9 =	vadd.f32 v11, v10;
	v4 =	vld [tilespmem:s18+$0x2150]  }
0x11f: {  	s19 =	sadd.s32 $0x80, s19;
	s20 =	sadd.s32 $0x1, s20;
	s21 =	smul.u32 $0x1800, s21;
	v8 =	vld [tilespmem:s18+$0x8150]  }
0x120: {  	s19 =	sand.u32 $0x380, s19;
	v61 =	vld [tilespmem:s18+$0x2160];
	v5 =	vadd.f32 v7, v5  }
0x121: {  	[tilespmem:s18+$0xE120] =	vst v9;
	v7 =	vld [tilespmem:s18+$0x8160];
	s19 =	sor.u32 s19, s21  }
0x122: {  	v10 =	vld [tilespmem:s19+$0x2170];
	[tilespmem:s18+$0xE130] =	vst v5;
	v3 =	vadd.f32 v6, v3  }
0x123: {  	v5 =	vld [tilespmem:s19+$0x8170]  }
0x124: {  	v6 =	vld [tilespmem:s19+$0xD00];
	[tilespmem:s18+$0xE140] =	vst v3;
	v3 =	vadd.f32 v8, v4  }
0x125: {  	v4 =	vld [tilespmem:s19+$0x6D00]  }
0x126: {  	v62 =	vld [tilespmem:s19+$0xD10];
	[tilespmem:s18+$0xE150] =	vst v3;
	v3 =	vadd.f32 v7, v61  }
0x127: {  	v7 =	vld [tilespmem:s19+$0x6D10]  }
0x128: {  	v63 =	vld [tilespmem:s19+$0xD20];
	[tilespmem:s18+$0xE160] =	vst v3  }
0x129: {  	v3 =	vld [tilespmem:s19+$0x6D20]  }
0x12a: {  	v11 =	vld [tilespmem:s19+$0xD30]  }
0x12b: {  	v12 =	vld [tilespmem:s19+$0x6D30]  }
0x12c: {  	v13 =	vld [tilespmem:s19+$0xD40]  }
0x12d: {  	v14 =	vld [tilespmem:s19+$0x6D40]  }
0x12e: {  	v15 =	vld [tilespmem:s19+$0xD50]  }
0x12f: {  	v16 =	vld [tilespmem:s19+$0x6D50]  }
0x130: {  	v17 =	vld [tilespmem:s19+$0xD60]  }
0x131: {  	v18 =	vld [tilespmem:s19+$0x6D60]  }
0x132: {  	v19 =	vld [tilespmem:s19+$0xD70]  }
0x133: {  	v20 =	vld [tilespmem:s19+$0x6D70]  }
0x134: {  	v21 =	vld [tilespmem:s19+$0x1100]  }
0x135: {  	v22 =	vld [tilespmem:s19+$0x7100]  }
0x136: {  	v23 =	vld [tilespmem:s19+$0x1110]  }
0x137: {  	v24 =	vld [tilespmem:s19+$0x7110]  }
0x138: {  	v25 =	vld [tilespmem:s19+$0x1120]  }
0x139: {  	v26 =	vld [tilespmem:s19+$0x7120]  }
0x13a: {  	v27 =	vld [tilespmem:s19+$0x1130]  }
0x13b: {  	v28 =	vld [tilespmem:s19+$0x7130]  }
0x13c: {  	v29 =	vld [tilespmem:s19+$0x1140]  }
0x13d: {  	v30 =	vld [tilespmem:s19+$0x7140]  }
0x13e: {  	v31 =	vld [tilespmem:s19+$0x1150]  }
0x13f: {  	v32 =	vld [tilespmem:s19+$0x7150]  }
0x140: {  	v33 =	vld [tilespmem:s19+$0x1160]  }
0x141: {  	v34 =	vld [tilespmem:s19+$0x7160]  }
0x142: {  	v35 =	vld [tilespmem:s19+$0x1170]  }
0x143: {  	v36 =	vld [tilespmem:s19+$0x7170]  }
0x144: {  	v37 =	vld [tilespmem:s19+$0x1500]  }
0x145: {  	v38 =	vld [tilespmem:s19+$0x7500]  }
0x146: {  	v39 =	vld [tilespmem:s19+$0x1510]  }
0x147: {  	v40 =	vld [tilespmem:s19+$0x7510]  }
0x148: {  	v41 =	vld [tilespmem:s19+$0x1520]  }
0x149: {  	v42 =	vld [tilespmem:s19+$0x7520]  }
0x14a: {  	v43 =	vld [tilespmem:s19+$0x1530]  }
0x14b: {  	v44 =	vld [tilespmem:s19+$0x7530]  }
0x14c: {  	v45 =	vld [tilespmem:s19+$0x1540]  }
0x14d: {  	v46 =	vld [tilespmem:s19+$0x7540]  }
0x14e: {  	v47 =	vld [tilespmem:s19+$0x1550]  }
0x14f: {  	v48 =	vld [tilespmem:s19+$0x7550]  }
0x150: {  	v49 =	vld [tilespmem:s19+$0x1560]  }
0x151: {  	v50 =	vld [tilespmem:s19+$0x7560]  }
0x152: {  	v51 =	vld [tilespmem:s19+$0x1570]  }
0x153: {  	v52 =	vld [tilespmem:s19+$0x7570]  }
0x154: {  	v53 =	vld [tilespmem:s19+$0x1900]  }
0x155: {  	v54 =	vld [tilespmem:s19+$0x7900]  }
0x156: {  	v55 =	vld [tilespmem:s19+$0x1910]  }
0x157: {  	v5 =	vadd.f32 v5, v10;
	v10 =	vld [tilespmem:s19+$0x7910]  }
0x158: {  	v8 =	vld [tilespmem:s19+$0x7930];
	v4 =	vadd.f32 v4, v6  }
0x159: {  	v9 =	vld [tilespmem:s19+$0x1940];
	[tilespmem:s19+$0xE170] =	vst v5;
	v5 =	vadd.f32 v7, v62  }
0x15a: {  	[tilespmem:s19+$0xCD00] =	vst v4;
	v4 =	vld [tilespmem:s19+$0x1930];
	v3 =	vadd.f32 v3, v63  }
0x15b: {  	v56 =	vld [tilespmem:s19+$0x7D20];
	[tilespmem:s19+$0xCD10] =	vst v5;
	v5 =	vadd.f32 v12, v11  }
0x15c: {  	v57 =	vld [tilespmem:s19+$0x1D30];
	[tilespmem:s19+$0xCD20] =	vst v3;
	v3 =	vadd.f32 v14, v13  }
0x15d: {  	v58 =	vld [tilespmem:s19+$0x7D30];
	[tilespmem:s19+$0xCD30] =	vst v5;
	v5 =	vadd.f32 v16, v15  }
0x15e: {  	v59 =	vld [tilespmem:s19+$0x1D40];
	[tilespmem:s19+$0xCD40] =	vst v3;
	v3 =	vadd.f32 v18, v17  }
0x15f: {  	v12 =	vld [tilespmem:s19+$0x1950];
	v4 =	vadd.f32 v8, v4;
	[tilespmem:s19+$0xCD50] =	vst v5  }
0x160: {  	v13 =	vld [tilespmem:s19+$0x7950];
	[tilespmem:s19+$0xCD60] =	vst v3;
	v3 =	vadd.f32 v22, v21  }
0x161: {  	v60 =	vld [tilespmem:s19+$0x7D40];
	v5 =	vadd.f32 v20, v19;
	[tilespmem:s19+$0xD930] =	vst v4  }
0x162: {  	v61 =	vld [tilespmem:s19+$0x1D50];
	[tilespmem:s19+$0xD100] =	vst v3;
	v3 =	vadd.f32 v26, v25  }
0x163: {  	v16 =	vld [tilespmem:s19+$0x1970];
	[tilespmem:s19+$0xCD70] =	vst v5;
	v5 =	vadd.f32 v24, v23  }
0x164: {  	v17 =	vld [tilespmem:s19+$0x7970];
	[tilespmem:s19+$0xD120] =	vst v3;
	v3 =	vadd.f32 v30, v29  }
0x165: {  	v6 =	vld [tilespmem:s19+$0x1920];
	v4 =	vadd.f32 v13, v12;
	[tilespmem:s19+$0xD110] =	vst v5  }
0x166: {  	v7 =	vld [tilespmem:s19+$0x7920];
	[tilespmem:s19+$0xD140] =	vst v3;
	v3 =	vadd.f32 v34, v33  }
0x167: {  	v62 =	vld [tilespmem:s19+$0x7D50];
	v5 =	vadd.f32 v28, v27;
	[tilespmem:s19+$0xD950] =	vst v4  }
0x168: {  	v11 =	vld [tilespmem:s19+$0x7940];
	[tilespmem:s19+$0xD160] =	vst v3;
	v3 =	vadd.f32 v38, v37  }
0x169: {  	v63 =	vld [tilespmem:s19+$0x1D60];
	v4 =	vadd.f32 v17, v16;
	[tilespmem:s19+$0xD130] =	vst v5  }
0x16a: {  	v14 =	vld [tilespmem:s19+$0x1960];
	[tilespmem:s19+$0xD500] =	vst v3;
	v3 =	vadd.f32 v42, v41  }
0x16b: {  	v15 =	vld [tilespmem:s19+$0x7960];
	v5 =	vadd.f32 v32, v31;
	[tilespmem:s19+$0xD970] =	vst v4  }
0x16c: {  	v18 =	vld [tilespmem:s19+$0x1D00];
	[tilespmem:s19+$0xD520] =	vst v3;
	v3 =	vadd.f32 v46, v45  }
0x16d: {  	v19 =	vld [tilespmem:s19+$0x7D00];
	[tilespmem:s19+$0xD150] =	vst v5;
	v5 =	vadd.f32 v36, v35  }
0x16e: {  	v20 =	vld [tilespmem:s19+$0x1D10];
	[tilespmem:s19+$0xD540] =	vst v3;
	v3 =	vadd.f32 v50, v49  }
0x16f: {  	v21 =	vld [tilespmem:s19+$0x7D10];
	[tilespmem:s19+$0xD170] =	vst v5;
	v5 =	vadd.f32 v40, v39  }
0x170: {  	v22 =	vld [tilespmem:s19+$0x1D20];
	[tilespmem:s19+$0xD560] =	vst v3;
	v3 =	vadd.f32 v54, v53  }
0x171: {  	v33 =	vld [tilespmem:s19+$0x7D60];
	[tilespmem:s19+$0xD510] =	vst v5;
	v5 =	vadd.f32 v44, v43  }
0x172: {  	v34 =	vld [tilespmem:s19+$0x8100];
	[tilespmem:s19+$0xD900] =	vst v3;
	v3 =	vadd.f32 v7, v6  }
0x173: {  	v35 =	vld [tilespmem:s19+$0x2110];
	[tilespmem:s19+$0xD530] =	vst v5;
	v5 =	vadd.f32 v48, v47  }
0x174: {  	v36 =	vld [tilespmem:s19+$0x8110];
	[tilespmem:s19+$0xD920] =	vst v3;
	v3 =	vadd.f32 v11, v9  }
0x175: {  	v37 =	vld [tilespmem:s19+$0x2120];
	[tilespmem:s19+$0xD550] =	vst v5;
	v5 =	vadd.f32 v52, v51  }
0x176: {  	v38 =	vld [tilespmem:s19+$0x8120];
	[tilespmem:s19+$0xD940] =	vst v3;
	v3 =	vadd.f32 v15, v14  }
0x177: {  	v39 =	vld [tilespmem:s19+$0x2130];
	[tilespmem:s19+$0xD570] =	vst v5;
	v5 =	vadd.f32 v10, v55  }
0x178: {  	v40 =	vld [tilespmem:s19+$0x8130];
	[tilespmem:s19+$0xD960] =	vst v3;
	v3 =	vadd.f32 v19, v18  }
0x179: {  	v4 =	vadd.f32 v21, v20;
	v6 =	vld [tilespmem:s19+$0x1D70];
	[tilespmem:s19+$0xD910] =	vst v5  }
0x17a: {  	v5 =	vld [tilespmem:s19+$0x7D70];
	[tilespmem:s19+$0xDD00] =	vst v3;
	v3 =	vadd.f32 v56, v22  }
0x17b: {  	[tilespmem:s19+$0xDD10] =	vst v4;
	v4 =	vadd.f32 v58, v57;
	v7 =	vld [tilespmem:s19+$0x2100]  }
0x17c: {  	v41 =	vld [tilespmem:s19+$0x2140];
	[tilespmem:s19+$0xDD20] =	vst v3;
	v3 =	vadd.f32 v60, v59  }
0x17d: {  	[tilespmem:s19+$0xDD30] =	vst v4;
	v4 =	vadd.f32 v62, v61;
	v42 =	vld [tilespmem:s19+$0x8140]  }
0x17e: {  	v43 =	vld [tilespmem:s19+$0x2150];
	[tilespmem:s19+$0xDD40] =	vst v3;
	v3 =	vadd.f32 v33, v63  }
0x17f: {  	[tilespmem:s19+$0xDD50] =	vst v4;
	v4 =	vadd.f32 v5, v6;
	v5 =	vld [tilespmem:s19+$0x8150]  }
0x180: {  	v6 =	vld [tilespmem:s19+$0x2160];
	[tilespmem:s19+$0xDD60] =	vst v3;
	v3 =	vadd.f32 v34, v7  }
0x181: {  	[tilespmem:s19+$0xDD70] =	vst v4;
	v4 =	vadd.f32 v36, v35;
	v7 =	vld [tilespmem:s19+$0x8160]  }
0x182: {  	[tilespmem:s19+$0xE100] =	vst v3;
	v3 =	vadd.f32 v38, v37  }
0x183: {  	[tilespmem:s19+$0xE110] =	vst v4;
	v4 =	vadd.f32 v40, v39  }
0x184: {  	[tilespmem:s19+$0xE120] =	vst v3;
	v3 =	vadd.f32 v42, v41  }
0x185: {  	[tilespmem:s19+$0xE130] =	vst v4;
	v4 =	vadd.f32 v5, v43  }
0x186: {  	[tilespmem:s19+$0xE140] =	vst v3;
	v3 =	vadd.f32 v7, v6  }
0x187: {  	[tilespmem:s19+$0xE150] =	vst v4  }
0x188: {  	p0 =	seq.s32 s16, $0x31;
	[tilespmem:s19+$0xE160] =	vst v3  }
0x189: {  	v3 =	vld @!p0 [tilespmem:s17+$0x20];
	_ =	sdelay $0x4  }
0x18a: {  	v4 =	vshrl.u32 @!p0 v3, $0x3  }
0x18b: {  	v4 =	vmul.u32 @!p0 $0x30, v4  }
0x18c: {  	v5 =	vlaneseq.u32 @!p0;
	v3 =	vand.u32 @!p0 $0x7, v3  }
0x18d: {  	v6 =	vshrl.u32 @!p0 v5, $0x3;
	v3 =	vor.u32 @!p0 v3, v4;
	v4 =	vand.u32 @!p0 $0x7, v5  }
0x18e: {  	v6 =	vmul.u32 @!p0 $0x8, v6;
	v7 =	vperm.xlane @!p0 v3, v4;
	_ =	sdelay $0x1  }
0x18f: {  	v7 =	vadd.s32 @!p0 v6, v7  }
0x190: {  	v8 =	vld @!p0 [tilespmem:s17+$0x6A0];
	_ =	sdelay $0x1  }
0x191: {  	v5 =	vor.u32 @!p0 $0x8, v5  }
0x192: {  	vm1 =	vmmov @!p0 $0xffff;
	s18 =	simm.s32 @!p0 $0x0;
	s19 =	simm.s32 @!p0 $0xD00;
	v3 =	vperm.xlane @!p0 v3, v5  }
0x193: {  	[tilespmem:s19], [sflag:$0x1] =	stream.indirect_vreg.gather @!p0 [hbm4b:s1+s18], $0x80, v7, vm1, $0xb8;
	[tilespmem:$0x12D00] =	vst v63  }
0x194: {  	v9 =	vshrl.u32 @!p0 v8, $0x3;
	v3 =	vadd.s32 @!p0 v6, v3;
	s19 =	simm.s32 @!p0 $0x1500  }
0x195: {  	v9 =	vmul.u32 @!p0 $0x30, v9;
	[tilespmem:s19], [sflag:$0x1] =	stream.indirect_vreg.gather @!p0 [hbm4b:s9+s18], $0x80, v7, vm1, $0xb8;
	[tilespmem:$0x12D00] =	vst v63  }
0x196: {  	v8 =	vand.u32 @!p0 $0x7, v8;
	s19 =	simm.s32 @!p0 $0x1D00  }
0x197: {  	[tilespmem:s19], [sflag:$0x1] =	stream.indirect_vreg.gather @!p0 [hbm4b:s10+s18], $0x80, v7, vm1, $0xb8;
	v7 =	vor.u32 @!p0 v8, v9;
	[tilespmem:$0x12D00] =	vst v63  }
0x198: {  	s19 =	simm.s32 @!p0 $0x2500;
	v4 =	vperm.xlane @!p0 v7, v4  }
0x199: {  	[tilespmem:s19], [sflag:$0x1] =	stream.indirect_vreg.gather @!p0 [hbm4b:s1+s18], $0x80, v3, vm1, $0xb8;
	[tilespmem:$0x12D00] =	vst v63  }
0x19a: {  	s19 =	simm.s32 @!p0 $0x2D00;
	v4 =	vadd.s32 @!p0 v6, v4  }
0x19b: {  	[tilespmem:s19], [sflag:$0x1] =	stream.indirect_vreg.gather @!p0 [hbm4b:s9+s18], $0x80, v3, vm1, $0xb8;
	[tilespmem:$0x12D00] =	vst v63  }
0x19c: {  	s19 =	simm.s32 @!p0 $0x3500  }
0x19d: {  	[tilespmem:s19], [sflag:$0x1] =	stream.indirect_vreg.gather @!p0 [hbm4b:s10+s18], $0x80, v3, vm1, $0xb8;
	[tilespmem:$0x12D00] =	vst v63  }
0x19e: {  	s19 =	simm.s32 @!p0 $0x6D00;
	v3 =	vperm.xlane @!p0 v7, v5  }
0x19f: {  	[tilespmem:s19], [sflag:$0x3] =	stream.indirect_vreg.gather @!p0 [hbm4b:s2+s18], $0x80, v4, vm1, $0xb8;
	[tilespmem:$0x12D00] =	vst v63  }
0x1a0: {  	s19 =	simm.s32 @!p0 $0x7500;
	v3 =	vadd.s32 @!p0 v6, v3  }
0x1a1: {  	[tilespmem:s19], [sflag:$0x3] =	stream.indirect_vreg.gather @!p0 [hbm4b:s11+s18], $0x80, v4, vm1, $0xb8;
	[tilespmem:$0x12D00] =	vst v63  }
0x1a2: {  	s19 =	simm.s32 @!p0 $0x7D00  }
0x1a3: {  	[tilespmem:s19], [sflag:$0x3] =	stream.indirect_vreg.gather @!p0 [hbm4b:s12+s18], $0x80, v4, vm1, $0xb8;
	[tilespmem:$0x12D00] =	vst v63  }
0x1a4: {  	s19 =	simm.s32 @!p0 $0x8500  }
0x1a5: {  	[tilespmem:s19], [sflag:$0x3] =	stream.indirect_vreg.gather @!p0 [hbm4b:s2+s18], $0x80, v3, vm1, $0xb8;
	[tilespmem:$0x12D00] =	vst v63  }
0x1a6: {  	s21 =	sadd.s32 s6, s17;
	s19 =	simm.s32 @!p0 $0x8D00  }
0x1a7: {  	[tilespmem:s19], [sflag:$0x3] =	stream.indirect_vreg.gather @!p0 [hbm4b:s11+s18], $0x80, v3, vm1, $0xb8;
	[tilespmem:$0x12D00] =	vst v63  }
0x1a8: {  	s19 =	sshrl.u32 s21, $0x3  }
0x1a9: {  	s20 =	simm.s32 @!p0 $0x9500;
	s19 =	smul.u32 $0x300, s19  }
0x1aa: {  	[tilespmem:s20], [sflag:$0x3] =	stream.indirect_vreg.gather @!p0 [hbm4b:s12+s18], $0x80, v3, vm1, $0xb8;
	[tilespmem:$0x12D00] =	vst v63  }
0x1ab: {  	s22 =	sadd.s32 s4, s19  }
0x1ac: {  	[hbm4b:s22+s5] =	stream.linear.scatter [tilespmem:s26], [sflag:$0x5], $0x3000, $0x38;
	[tilespmem:$0x12D00] =	vst v63  }
0x1ad: {  	_ =	swait.ge [sflag:s28], $0x3000  }
0x1ae: {  	[sflag:s28] =	ssyncset.done $0x0  }
0x1af: {  	[sflag:s28] =	ssyncadd.s32 $0xFFFFD000  }
0x1b0: {  	_ =	swait.ge [sflag:s29], $0x3000  }
0x1b1: {  	[sflag:s29] =	ssyncset.done $0x0  }
0x1b2: {  	s23 =	simm.s32 $0x0;
	s19 =	simm.s32 @!p1 $0x6;
	[sflag:s29] =	ssyncadd.s32 $0xFFFFD000  }
0x1b3: {  	s18 =	simm.s32 $0x0;
	s20 =	smul.u32 $0x1800, s23;
	_ =	swait.ge @!p1 [sflag:s19], $0x3000  }
0x1b4: {  	s7 =	sand.u32 $0x380, s18;
	[sflag:s19] =	ssyncset.done @!p1 $0x0  }
0x1b5: {  	[sflag:s19] =	ssyncadd.s32 @!p1 $0xFFFFD000;
	s19 =	sor.u32 s7, s20  }
0x1b6: {  	v3 =	vld [tilespmem:s19+$0x9D50]  }
0x1b7: {  	v4 =	vld [tilespmem:s19+$0x3D10]  }
0x1b8: {  	v5 =	vld [tilespmem:s19+$0x9D70]  }
0x1b9: {  	v6 =	vld [tilespmem:s19+$0x3D70]  }
0x1ba: {  	v7 =	vld [tilespmem:s19+$0x9D00]  }
0x1bb: {  	v46 =	vld [tilespmem:s19+$0x4100]  }
0x1bc: {  	v47 =	vld [tilespmem:s19+$0x9D60]  }
0x1bd: {  	v48 =	vld [tilespmem:s19+$0x3D00]  }
0x1be: {  	v49 =	vld [tilespmem:s19+$0x3D30]  }
0x1bf: {  	v50 =	vld [tilespmem:s19+$0x3D60]  }
0x1c0: {  	v52 =	vld [tilespmem:s19+$0x9D30]  }
0x1c1: {  	v53 =	vld [tilespmem:s19+$0x9D10]  }
0x1c2: {  	v55 =	vld [tilespmem:s19+$0x3D50]  }
0x1c3: {  	v54 =	vld [tilespmem:s19+$0x3D20];
	v5 =	vadd.f32 v5, v6  }
0x1c4: {  	v6 =	vld [tilespmem:s19+$0x9D20];
	v7 =	vadd.f32 v7, v48  }
0x1c5: {  	v51 =	vld [tilespmem:s19+$0xA100];
	v13 =	vadd.f32 v52, v49;
	[tilespmem:s19+$0xFD70] =	vst v5  }
0x1c6: {  	v4 =	vadd.f32 v53, v4;
	[tilespmem:s19+$0xFD00] =	vst v7  }
0x1c7: {  	v3 =	vadd.f32 v3, v55;
	[tilespmem:s19+$0xFD30] =	vst v13  }
0x1c8: {  	v5 =	vadd.f32 v47, v50;
	[tilespmem:s19+$0xFD10] =	vst v4  }
0x1c9: {  	[tilespmem:s19+$0xFD50] =	vst v3;
	v4 =	vadd.f32 v6, v54  }
0x1ca: {  	[tilespmem:s19+$0xFD60] =	vst v5;
	v5 =	vadd.f32 v51, v46  }
0x1cb: {  	v44 =	vld [tilespmem:s19+$0x9D40];
	s21 =	sadd.s32 $0x3400, s19;
	[tilespmem:s19+$0xFD20] =	vst v4  }
0x1cc: {  	v45 =	vld [tilespmem:s19+$0x3D40];
	[tilespmem:s21+$0xCD00] =	vst v5  }
0x1cd: {  	v3 =	vld [tilespmem:s19+$0x4110]  }
0x1ce: {  	v4 =	vld [tilespmem:s19+$0xA110];
	_ =	sdelay $0x3  }
0x1cf: {  	v5 =	vadd.f32 v44, v45  }
0x1d0: {  	v3 =	vadd.f32 v4, v3  }
0x1d1: {  	[tilespmem:s19+$0xFD40] =	vst v5  }
0x1d2: {  	[tilespmem:s21+$0xCD10] =	vst v3  }
0x1d3: {  	v3 =	vld [tilespmem:s19+$0x4120]  }
0x1d4: {  	v4 =	vld [tilespmem:s19+$0xA120];
	_ =	sdelay $0x4  }
0x1d5: {  	v3 =	vadd.f32 v4, v3;
	_ =	sdelay $0x1  }
0x1d6: {  	[tilespmem:s21+$0xCD20] =	vst v3  }
0x1d7: {  	v3 =	vld [tilespmem:s19+$0x4130]  }
0x1d8: {  	v4 =	vld [tilespmem:s19+$0xA130];
	_ =	sdelay $0x4  }
0x1d9: {  	v3 =	vadd.f32 v4, v3;
	_ =	sdelay $0x1  }
0x1da: {  	[tilespmem:s21+$0xCD30] =	vst v3  }
0x1db: {  	v3 =	vld [tilespmem:s19+$0x4140]  }
0x1dc: {  	v4 =	vld [tilespmem:s19+$0xA140];
	_ =	sdelay $0x4  }
0x1dd: {  	v3 =	vadd.f32 v4, v3;
	_ =	sdelay $0x1  }
0x1de: {  	[tilespmem:s21+$0xCD40] =	vst v3  }
0x1df: {  	v3 =	vld [tilespmem:s19+$0x4150]  }
0x1e0: {  	v4 =	vld [tilespmem:s19+$0xA150];
	_ =	sdelay $0x4  }
0x1e1: {  	v3 =	vadd.f32 v4, v3;
	_ =	sdelay $0x1  }
0x1e2: {  	[tilespmem:s21+$0xCD50] =	vst v3  }
0x1e3: {  	v3 =	vld [tilespmem:s19+$0x4160]  }
0x1e4: {  	v4 =	vld [tilespmem:s19+$0xA160];
	_ =	sdelay $0x4  }
0x1e5: {  	v3 =	vadd.f32 v4, v3;
	_ =	sdelay $0x1  }
0x1e6: {  	[tilespmem:s21+$0xCD60] =	vst v3  }
0x1e7: {  	v3 =	vld [tilespmem:s19+$0x4170]  }
0x1e8: {  	v4 =	vld [tilespmem:s19+$0xA170];
	_ =	sdelay $0x4  }
0x1e9: {  	v3 =	vadd.f32 v4, v3;
	_ =	sdelay $0x1  }
0x1ea: {  	[tilespmem:s21+$0xCD70] =	vst v3  }
0x1eb: {  	v3 =	vld [tilespmem:s19+$0x4500]  }
0x1ec: {  	v4 =	vld [tilespmem:s19+$0xA500];
	_ =	sdelay $0x4  }
0x1ed: {  	v3 =	vadd.f32 v4, v3  }
0x1ee: {  	s22 =	sadd.s32 $0x3800, s19  }
0x1ef: {  	[tilespmem:s22+$0xCD00] =	vst v3  }
0x1f0: {  	v3 =	vld [tilespmem:s19+$0x4510]  }
0x1f1: {  	v4 =	vld [tilespmem:s19+$0xA510];
	_ =	sdelay $0x4  }
0x1f2: {  	v3 =	vadd.f32 v4, v3;
	_ =	sdelay $0x1  }
0x1f3: {  	[tilespmem:s22+$0xCD10] =	vst v3  }
0x1f4: {  	v3 =	vld [tilespmem:s19+$0x4520]  }
0x1f5: {  	v4 =	vld [tilespmem:s19+$0xA520];
	_ =	sdelay $0x4  }
0x1f6: {  	v3 =	vadd.f32 v4, v3;
	_ =	sdelay $0x1  }
0x1f7: {  	[tilespmem:s22+$0xCD20] =	vst v3  }
0x1f8: {  	v3 =	vld [tilespmem:s19+$0x4530]  }
0x1f9: {  	v4 =	vld [tilespmem:s19+$0xA530];
	_ =	sdelay $0x4  }
0x1fa: {  	v3 =	vadd.f32 v4, v3;
	_ =	sdelay $0x1  }
0x1fb: {  	[tilespmem:s22+$0xCD30] =	vst v3  }
0x1fc: {  	v3 =	vld [tilespmem:s19+$0x4540]  }
0x1fd: {  	v4 =	vld [tilespmem:s19+$0xA540];
	_ =	sdelay $0x4  }
0x1fe: {  	v3 =	vadd.f32 v4, v3;
	_ =	sdelay $0x1  }
0x1ff: {  	[tilespmem:s22+$0xCD40] =	vst v3  }
0x200: {  	v3 =	vld [tilespmem:s19+$0x4550]  }
0x201: {  	v4 =	vld [tilespmem:s19+$0xA550];
	_ =	sdelay $0x4  }
0x202: {  	v3 =	vadd.f32 v4, v3;
	_ =	sdelay $0x1  }
0x203: {  	[tilespmem:s22+$0xCD50] =	vst v3  }
0x204: {  	v3 =	vld [tilespmem:s19+$0x4560]  }
0x205: {  	v4 =	vld [tilespmem:s19+$0xA560];
	_ =	sdelay $0x4  }
0x206: {  	v3 =	vadd.f32 v4, v3;
	_ =	sdelay $0x1  }
0x207: {  	[tilespmem:s22+$0xCD60] =	vst v3  }
0x208: {  	v3 =	vld [tilespmem:s19+$0x4570]  }
0x209: {  	v4 =	vld [tilespmem:s19+$0xA570];
	_ =	sdelay $0x4  }
0x20a: {  	v3 =	vadd.f32 v4, v3;
	_ =	sdelay $0x1  }
0x20b: {  	[tilespmem:s22+$0xCD70] =	vst v3  }
0x20c: {  	v3 =	vld [tilespmem:s19+$0x4900]  }
0x20d: {  	v4 =	vld [tilespmem:s19+$0xA900];
	_ =	sdelay $0x4  }
0x20e: {  	v3 =	vadd.f32 v4, v3  }
0x20f: {  	s23 =	sadd.s32 $0x3C00, s19  }
0x210: {  	[tilespmem:s23+$0xCD00] =	vst v3  }
0x211: {  	v3 =	vld [tilespmem:s19+$0x4910]  }
0x212: {  	v4 =	vld [tilespmem:s19+$0xA910];
	_ =	sdelay $0x4  }
0x213: {  	v3 =	vadd.f32 v4, v3;
	_ =	sdelay $0x1  }
0x214: {  	[tilespmem:s23+$0xCD10] =	vst v3  }
0x215: {  	v3 =	vld [tilespmem:s19+$0x4920]  }
0x216: {  	v4 =	vld [tilespmem:s19+$0xA920];
	_ =	sdelay $0x4  }
0x217: {  	v3 =	vadd.f32 v4, v3;
	_ =	sdelay $0x1  }
0x218: {  	[tilespmem:s23+$0xCD20] =	vst v3  }
0x219: {  	v3 =	vld [tilespmem:s19+$0x4930]  }
0x21a: {  	v4 =	vld [tilespmem:s19+$0xA930];
	_ =	sdelay $0x4  }
0x21b: {  	v3 =	vadd.f32 v4, v3;
	_ =	sdelay $0x1  }
0x21c: {  	[tilespmem:s23+$0xCD30] =	vst v3  }
0x21d: {  	v3 =	vld [tilespmem:s19+$0x4940]  }
0x21e: {  	v4 =	vld [tilespmem:s19+$0xA940];
	_ =	sdelay $0x4  }
0x21f: {  	v3 =	vadd.f32 v4, v3;
	_ =	sdelay $0x1  }
0x220: {  	[tilespmem:s23+$0xCD40] =	vst v3  }
0x221: {  	v3 =	vld [tilespmem:s19+$0x4950]  }
0x222: {  	v4 =	vld [tilespmem:s19+$0xA950];
	_ =	sdelay $0x4  }
0x223: {  	v3 =	vadd.f32 v4, v3;
	_ =	sdelay $0x1  }
0x224: {  	[tilespmem:s23+$0xCD50] =	vst v3  }
0x225: {  	v3 =	vld [tilespmem:s19+$0x4960]  }
0x226: {  	v4 =	vld [tilespmem:s19+$0xA960];
	_ =	sdelay $0x4  }
0x227: {  	v3 =	vadd.f32 v4, v3;
	_ =	sdelay $0x1  }
0x228: {  	[tilespmem:s23+$0xCD60] =	vst v3  }
0x229: {  	v3 =	vld [tilespmem:s19+$0x4970]  }
0x22a: {  	v4 =	vld [tilespmem:s19+$0xA970];
	_ =	sdelay $0x4  }
0x22b: {  	v3 =	vadd.f32 v4, v3;
	_ =	sdelay $0x1  }
0x22c: {  	[tilespmem:s23+$0xCD70] =	vst v3  }
0x22d: {  	v3 =	vld [tilespmem:s19+$0x4D70]  }
0x22e: {  	v4 =	vld [tilespmem:s19+$0xAD70]  }
0x22f: {  	v5 =	vld [tilespmem:s19+$0xAD40]  }
0x230: {  	v6 =	vld [tilespmem:s19+$0xAD60]  }
0x231: {  	v7 =	vld [tilespmem:s19+$0x4D60]  }
0x232: {  	v56 =	vld [tilespmem:s19+$0x4D40]  }
0x233: {  	v57 =	vld [tilespmem:s19+$0xAD50]  }
0x234: {  	v58 =	vld [tilespmem:s19+$0x4D30]  }
0x235: {  	v59 =	vld [tilespmem:s19+$0xAD20]  }
0x236: {  	v61 =	vld [tilespmem:s19+$0xAD30]  }
0x237: {  	v60 =	vld [tilespmem:s19+$0x4D10]  }
0x238: {  	v63 =	vld [tilespmem:s19+$0xAD00];
	v3 =	vadd.f32 v4, v3  }
0x239: {  	v4 =	vld [tilespmem:s19+$0x4D50]  }
0x23a: {  	[tilespmem:s19+$0x10D70] =	vst v3;
	v3 =	vld [tilespmem:s19+$0x4D00]  }
0x23b: {  	v62 =	vld [tilespmem:s19+$0x4D20];
	v10 =	vadd.f32 v61, v58  }
0x23c: {  	v6 =	vadd.f32 v6, v7;
	v7 =	vld [tilespmem:s19+$0xAD10]  }
0x23d: {  	v5 =	vadd.f32 v5, v56;
	[tilespmem:s19+$0x10D30] =	vst v10  }
0x23e: {  	[tilespmem:s19+$0x10D60] =	vst v6;
	v4 =	vadd.f32 v57, v4  }
0x23f: {  	[tilespmem:s19+$0x10D40] =	vst v5;
	v6 =	vadd.f32 v63, v3  }
0x240: {  	[tilespmem:s19+$0x10D50] =	vst v4  }
0x241: {  	s20 =	sadd.s32 $0x0, s20;
	s21 =	simm.s32 $0x1;
	v3 =	vadd.f32 v59, v62;
	v4 =	vadd.f32 v7, v60;
	[tilespmem:s19+$0x10D00] =	vst v6  }
.LBB2_5:
0x242: {  	p1 =	sne.s32 s21, $0xF  }
0x243: {  	[tilespmem:s19+$0x10D10] =	vst v4;
	s18 =	sadd.s32 $0x80, s18;
	s22 =	smov.u32 s21;
	s21 =	sadd.s32 $0x1, s21  }
0x244: {  	[tilespmem:s19+$0x10D20] =	vst v3;
	s19 =	sor.u32 $0x4400, s20  }
0x245: {  	v3 =	vld [tilespmem:s19+$0xD00]  }
0x246: {  	v4 =	vld [tilespmem:s19+$0x6D00];
	_ =	sdelay $0x4  }
0x247: {  	v3 =	vadd.f32 v4, v3;
	_ =	sdelay $0x1  }
0x248: {  	[tilespmem:s19+$0xCD00] =	vst v3;
	s19 =	sor.u32 $0x4410, s20  }
0x249: {  	v3 =	vld [tilespmem:s19+$0xD00]  }
0x24a: {  	v4 =	vld [tilespmem:s19+$0x6D00];
	_ =	sdelay $0x4  }
0x24b: {  	v3 =	vadd.f32 v4, v3;
	_ =	sdelay $0x1  }
0x24c: {  	[tilespmem:s19+$0xCD00] =	vst v3;
	s19 =	sor.u32 $0x4420, s20  }
0x24d: {  	v3 =	vld [tilespmem:s19+$0xD00]  }
0x24e: {  	v4 =	vld [tilespmem:s19+$0x6D00];
	_ =	sdelay $0x4  }
0x24f: {  	v3 =	vadd.f32 v4, v3;
	_ =	sdelay $0x1  }
0x250: {  	[tilespmem:s19+$0xCD00] =	vst v3;
	s19 =	sor.u32 $0x4430, s20  }
0x251: {  	v3 =	vld [tilespmem:s19+$0xD00]  }
0x252: {  	v4 =	vld [tilespmem:s19+$0x6D00];
	_ =	sdelay $0x4  }
0x253: {  	v3 =	vadd.f32 v4, v3;
	_ =	sdelay $0x1  }
0x254: {  	[tilespmem:s19+$0xCD00] =	vst v3;
	s19 =	sor.u32 $0x4440, s20  }
0x255: {  	v3 =	vld [tilespmem:s19+$0xD00]  }
0x256: {  	v4 =	vld [tilespmem:s19+$0x6D00];
	_ =	sdelay $0x4  }
0x257: {  	v3 =	vadd.f32 v4, v3;
	_ =	sdelay $0x1  }
0x258: {  	[tilespmem:s19+$0xCD00] =	vst v3;
	s19 =	sor.u32 $0x4450, s20  }
0x259: {  	v3 =	vld [tilespmem:s19+$0xD00]  }
0x25a: {  	v4 =	vld [tilespmem:s19+$0x6D00];
	_ =	sdelay $0x4  }
0x25b: {  	v3 =	vadd.f32 v4, v3;
	_ =	sdelay $0x1  }
0x25c: {  	[tilespmem:s19+$0xCD00] =	vst v3;
	s19 =	sor.u32 $0x4460, s20  }
0x25d: {  	v3 =	vld [tilespmem:s19+$0xD00]  }
0x25e: {  	v4 =	vld [tilespmem:s19+$0x6D00];
	_ =	sdelay $0x4  }
0x25f: {  	s22 =	sshrl.u32 s22, $0x3;
	v3 =	vadd.f32 v4, v3  }
0x260: {  	s22 =	smul.u32 $0x1800, s22  }
0x261: {  	s7 =	sor.u32 $0x4470, s20;
	s23 =	sand.u32 $0x380, s18;
	[tilespmem:s19+$0xCD00] =	vst v3  }
0x262: {  	s20 =	sadd.s32 s22, s18;
	s19 =	sor.u32 s23, s22;
	v3 =	vld [tilespmem:s7+$0xD00]  }
0x263: {  	v4 =	vld [tilespmem:s7+$0x6D00];
	_ =	sdelay $0x4  }
0x264: {  	v3 =	vadd.f32 v4, v3;
	_ =	sdelay $0x1  }
0x265: {  	[tilespmem:s7+$0xCD00] =	vst v3  }
0x266: {  	v3 =	vld [tilespmem:s19+$0x9D50]  }
0x267: {  	v4 =	vld [tilespmem:s19+$0x3D10]  }
0x268: {  	v5 =	vld [tilespmem:s19+$0x9D70]  }
0x269: {  	v6 =	vld [tilespmem:s19+$0x3D70]  }
0x26a: {  	v7 =	vld [tilespmem:s19+$0x9D00]  }
0x26b: {  	v8 =	vld [tilespmem:s19+$0x9D40]  }
0x26c: {  	v9 =	vld [tilespmem:s19+$0x3D40]  }
0x26d: {  	s22 =	sadd.s32 $0x3400, s19;
	v10 =	vld [tilespmem:s19+$0x4100]  }
0x26e: {  	v11 =	vld [tilespmem:s19+$0x9D60]  }
0x26f: {  	v12 =	vld [tilespmem:s19+$0x3D00]  }
0x270: {  	v13 =	vld [tilespmem:s19+$0x3D30]  }
0x271: {  	v14 =	vld [tilespmem:s19+$0x3D60]  }
0x272: {  	v15 =	vld [tilespmem:s19+$0xA100]  }
0x273: {  	v16 =	vld [tilespmem:s19+$0x9D30]  }
0x274: {  	v8 =	vadd.f32 v8, v9;
	v17 =	vld [tilespmem:s19+$0x9D10]  }
0x275: {  	v7 =	vadd.f32 v7, v12;
	v9 =	vld [tilespmem:s19+$0x3D20]  }
0x276: {  	v5 =	vadd.f32 v5, v6;
	v12 =	vld [tilespmem:s19+$0x9D20];
	v11 =	vadd.f32 v11, v14  }
0x277: {  	v6 =	vld [tilespmem:s19+$0x3D50];
	v10 =	vadd.f32 v15, v10  }
0x278: {  	v13 =	vadd.f32 v16, v13;
	[tilespmem:s19+$0xFD70] =	vst v5  }
0x279: {  	[tilespmem:s19+$0xFD00] =	vst v7;
	v4 =	vadd.f32 v17, v4  }
0x27a: {  	[tilespmem:s19+$0xFD30] =	vst v13  }
0x27b: {  	[tilespmem:s19+$0xFD10] =	vst v4;
	v4 =	vadd.f32 v12, v9  }
0x27c: {  	v3 =	vadd.f32 v3, v6;
	[tilespmem:s19+$0xFD60] =	vst v11  }
0x27d: {  	[tilespmem:s19+$0xFD20] =	vst v4  }
0x27e: {  	[tilespmem:s19+$0xFD50] =	vst v3  }
0x27f: {  	[tilespmem:s22+$0xCD00] =	vst v10  }
0x280: {  	v3 =	vld [tilespmem:s19+$0x4110]  }
0x281: {  	v4 =	vld [tilespmem:s19+$0xA110];
	_ =	sdelay $0x4  }
0x282: {  	[tilespmem:s19+$0xFD40] =	vst v8;
	v3 =	vadd.f32 v4, v3;
	_ =	sdelay $0x1  }
0x283: {  	[tilespmem:s22+$0xCD10] =	vst v3  }
0x284: {  	v3 =	vld [tilespmem:s19+$0x4120]  }
0x285: {  	v4 =	vld [tilespmem:s19+$0xA120];
	_ =	sdelay $0x4  }
0x286: {  	v3 =	vadd.f32 v4, v3;
	_ =	sdelay $0x1  }
0x287: {  	[tilespmem:s22+$0xCD20] =	vst v3  }
0x288: {  	v3 =	vld [tilespmem:s19+$0x4130]  }
0x289: {  	v4 =	vld [tilespmem:s19+$0xA130];
	_ =	sdelay $0x4  }
0x28a: {  	v3 =	vadd.f32 v4, v3;
	_ =	sdelay $0x1  }
0x28b: {  	[tilespmem:s22+$0xCD30] =	vst v3  }
0x28c: {  	v3 =	vld [tilespmem:s19+$0x4140]  }
0x28d: {  	v4 =	vld [tilespmem:s19+$0xA140];
	_ =	sdelay $0x4  }
0x28e: {  	v3 =	vadd.f32 v4, v3;
	_ =	sdelay $0x1  }
0x28f: {  	[tilespmem:s22+$0xCD40] =	vst v3  }
0x290: {  	v3 =	vld [tilespmem:s19+$0x4150]  }
0x291: {  	v4 =	vld [tilespmem:s19+$0xA150];
	_ =	sdelay $0x4  }
0x292: {  	v3 =	vadd.f32 v4, v3;
	_ =	sdelay $0x1  }
0x293: {  	[tilespmem:s22+$0xCD50] =	vst v3  }
0x294: {  	v3 =	vld [tilespmem:s19+$0x4160]  }
0x295: {  	v4 =	vld [tilespmem:s19+$0xA160];
	_ =	sdelay $0x4  }
0x296: {  	v3 =	vadd.f32 v4, v3;
	_ =	sdelay $0x1  }
0x297: {  	[tilespmem:s22+$0xCD60] =	vst v3  }
0x298: {  	v3 =	vld [tilespmem:s19+$0x4170]  }
0x299: {  	v4 =	vld [tilespmem:s19+$0xA170];
	_ =	sdelay $0x4  }
0x29a: {  	v3 =	vadd.f32 v4, v3;
	_ =	sdelay $0x1  }
0x29b: {  	[tilespmem:s22+$0xCD70] =	vst v3  }
0x29c: {  	v3 =	vld [tilespmem:s19+$0x4500]  }
0x29d: {  	v4 =	vld [tilespmem:s19+$0xA500];
	_ =	sdelay $0x4  }
0x29e: {  	v3 =	vadd.f32 v4, v3  }
0x29f: {  	s22 =	sadd.s32 $0x3800, s19  }
0x2a0: {  	[tilespmem:s22+$0xCD00] =	vst v3  }
0x2a1: {  	v3 =	vld [tilespmem:s19+$0x4510]  }
0x2a2: {  	v4 =	vld [tilespmem:s19+$0xA510];
	_ =	sdelay $0x4  }
0x2a3: {  	v3 =	vadd.f32 v4, v3;
	_ =	sdelay $0x1  }
0x2a4: {  	[tilespmem:s22+$0xCD10] =	vst v3  }
0x2a5: {  	v3 =	vld [tilespmem:s19+$0x4520]  }
0x2a6: {  	v4 =	vld [tilespmem:s19+$0xA520];
	_ =	sdelay $0x4  }
0x2a7: {  	v3 =	vadd.f32 v4, v3;
	_ =	sdelay $0x1  }
0x2a8: {  	[tilespmem:s22+$0xCD20] =	vst v3  }
0x2a9: {  	v3 =	vld [tilespmem:s19+$0x4530]  }
0x2aa: {  	v4 =	vld [tilespmem:s19+$0xA530];
	_ =	sdelay $0x4  }
0x2ab: {  	v3 =	vadd.f32 v4, v3;
	_ =	sdelay $0x1  }
0x2ac: {  	[tilespmem:s22+$0xCD30] =	vst v3  }
0x2ad: {  	v3 =	vld [tilespmem:s19+$0x4540]  }
0x2ae: {  	v4 =	vld [tilespmem:s19+$0xA540];
	_ =	sdelay $0x4  }
0x2af: {  	v3 =	vadd.f32 v4, v3;
	_ =	sdelay $0x1  }
0x2b0: {  	[tilespmem:s22+$0xCD40] =	vst v3  }
0x2b1: {  	v3 =	vld [tilespmem:s19+$0x4550]  }
0x2b2: {  	v4 =	vld [tilespmem:s19+$0xA550];
	_ =	sdelay $0x4  }
0x2b3: {  	v3 =	vadd.f32 v4, v3;
	_ =	sdelay $0x1  }
0x2b4: {  	[tilespmem:s22+$0xCD50] =	vst v3  }
0x2b5: {  	v3 =	vld [tilespmem:s19+$0x4560]  }
0x2b6: {  	v4 =	vld [tilespmem:s19+$0xA560];
	_ =	sdelay $0x4  }
0x2b7: {  	v3 =	vadd.f32 v4, v3;
	_ =	sdelay $0x1  }
0x2b8: {  	[tilespmem:s22+$0xCD60] =	vst v3  }
0x2b9: {  	v3 =	vld [tilespmem:s19+$0x4570]  }
0x2ba: {  	v4 =	vld [tilespmem:s19+$0xA570];
	_ =	sdelay $0x4  }
0x2bb: {  	v3 =	vadd.f32 v4, v3;
	_ =	sdelay $0x1  }
0x2bc: {  	[tilespmem:s22+$0xCD70] =	vst v3  }
0x2bd: {  	v3 =	vld [tilespmem:s19+$0x4900]  }
0x2be: {  	v4 =	vld [tilespmem:s19+$0xA900];
	_ =	sdelay $0x4  }
0x2bf: {  	v3 =	vadd.f32 v4, v3  }
0x2c0: {  	s22 =	sadd.s32 $0x3C00, s19  }
0x2c1: {  	[tilespmem:s22+$0xCD00] =	vst v3  }
0x2c2: {  	v3 =	vld [tilespmem:s19+$0x4910]  }
0x2c3: {  	v4 =	vld [tilespmem:s19+$0xA910];
	_ =	sdelay $0x4  }
0x2c4: {  	v3 =	vadd.f32 v4, v3;
	_ =	sdelay $0x1  }
0x2c5: {  	[tilespmem:s22+$0xCD10] =	vst v3  }
0x2c6: {  	v3 =	vld [tilespmem:s19+$0x4920]  }
0x2c7: {  	v4 =	vld [tilespmem:s19+$0xA920];
	_ =	sdelay $0x4  }
0x2c8: {  	v3 =	vadd.f32 v4, v3;
	_ =	sdelay $0x1  }
0x2c9: {  	[tilespmem:s22+$0xCD20] =	vst v3  }
0x2ca: {  	v3 =	vld [tilespmem:s19+$0x4930]  }
0x2cb: {  	v4 =	vld [tilespmem:s19+$0xA930];
	_ =	sdelay $0x4  }
0x2cc: {  	v3 =	vadd.f32 v4, v3;
	_ =	sdelay $0x1  }
0x2cd: {  	[tilespmem:s22+$0xCD30] =	vst v3  }
0x2ce: {  	v3 =	vld [tilespmem:s19+$0x4940]  }
0x2cf: {  	v4 =	vld [tilespmem:s19+$0xA940];
	_ =	sdelay $0x4  }
0x2d0: {  	v3 =	vadd.f32 v4, v3;
	_ =	sdelay $0x1  }
0x2d1: {  	[tilespmem:s22+$0xCD40] =	vst v3  }
0x2d2: {  	v3 =	vld [tilespmem:s19+$0x4950]  }
0x2d3: {  	v4 =	vld [tilespmem:s19+$0xA950];
	_ =	sdelay $0x4  }
0x2d4: {  	v3 =	vadd.f32 v4, v3;
	_ =	sdelay $0x1  }
0x2d5: {  	[tilespmem:s22+$0xCD50] =	vst v3  }
0x2d6: {  	v3 =	vld [tilespmem:s19+$0x4960]  }
0x2d7: {  	v4 =	vld [tilespmem:s19+$0xA960];
	_ =	sdelay $0x4  }
0x2d8: {  	v3 =	vadd.f32 v4, v3;
	_ =	sdelay $0x1  }
0x2d9: {  	[tilespmem:s22+$0xCD60] =	vst v3  }
0x2da: {  	v3 =	vld [tilespmem:s19+$0x4970]  }
0x2db: {  	v4 =	vld [tilespmem:s19+$0xA970];
	_ =	sdelay $0x4  }
0x2dc: {  	v3 =	vadd.f32 v4, v3;
	_ =	sdelay $0x1  }
0x2dd: {  	[tilespmem:s22+$0xCD70] =	vst v3  }
0x2de: {  	v3 =	vld [tilespmem:s19+$0x4D70]  }
0x2df: {  	v4 =	vld [tilespmem:s19+$0xAD70]  }
0x2e0: {  	v5 =	vld [tilespmem:s19+$0xAD40]  }
0x2e1: {  	v6 =	vld [tilespmem:s19+$0xAD60]  }
0x2e2: {  	v7 =	vld [tilespmem:s19+$0x4D60]  }
0x2e3: {  	v8 =	vld [tilespmem:s19+$0x4D40]  }
0x2e4: {  	v9 =	vld [tilespmem:s19+$0xAD50]  }
0x2e5: {  	v10 =	vld [tilespmem:s19+$0x4D30]  }
0x2e6: {  	v11 =	vld [tilespmem:s19+$0xAD20]  }
0x2e7: {  	v12 =	vld [tilespmem:s19+$0x4D10];
	v6 =	vadd.f32 v6, v7  }
0x2e8: {  	v3 =	vadd.f32 v4, v3;
	v7 =	vld [tilespmem:s19+$0xAD30];
	v5 =	vadd.f32 v5, v8  }
0x2e9: {  	v8 =	vld [tilespmem:s19+$0x4D50]  }
0x2ea: {  	v4 =	vld [tilespmem:s19+$0x4D20];
	[tilespmem:s19+$0x10D70] =	vst v3  }
0x2eb: {  	v13 =	vld [tilespmem:s19+$0xAD10]  }
0x2ec: {  	v14 =	vld [tilespmem:s19+$0x4D00]  }
0x2ed: {  	v15 =	vld [tilespmem:s19+$0xAD00];
	v7 =	vadd.f32 v7, v10;
	_ =	sdelay $0x1  }
0x2ee: {  	v3 =	vadd.f32 v11, v4;
	[tilespmem:s19+$0x10D30] =	vst v7  }
.Ltmp1:
0x2ef: {  	v7 =	vadd.f32 v9, v8;
	v4 =	vadd.f32 v13, v12;
	(pc) =	sbr.rel @p1 .LBB2_5-.Ltmp1, $4  }
0x2f0: {  	[tilespmem:s19+$0x10D60] =	vst v6  }
0x2f1: {  	v6 =	vadd.f32 v15, v14;
	[tilespmem:s19+$0x10D50] =	vst v7  }
0x2f2: {  	[tilespmem:s19+$0x10D40] =	vst v5  }
0x2f3: {  	[tilespmem:s19+$0x10D00] =	vst v6  }
0x2f4: {  	[tilespmem:s19+$0x10D10] =	vst v4  }
0x2f5: {  	[tilespmem:s19+$0x10D20] =	vst v3;
	s7 =	sor.u32 $0x4400, s20  }
0x2f6: {  	v3 =	vld [tilespmem:s7+$0xD00]  }
0x2f7: {  	v4 =	vld [tilespmem:s7+$0x6D00];
	_ =	sdelay $0x4  }
0x2f8: {  	v3 =	vadd.f32 v4, v3;
	_ =	sdelay $0x1  }
0x2f9: {  	s19 =	sor.u32 $0x4410, s20;
	[tilespmem:s7+$0xCD00] =	vst v3  }
0x2fa: {  	v3 =	vld [tilespmem:s19+$0xD00]  }
0x2fb: {  	v57 =	vld [tilespmem:s19+$0x6D00];
	_ =	sdelay $0x4  }
0x2fc: {  	v3 =	vadd.f32 v57, v3;
	_ =	sdelay $0x1  }
0x2fd: {  	s21 =	sor.u32 $0x4420, s20;
	[tilespmem:s19+$0xCD00] =	vst v3  }
0x2fe: {  	v3 =	vld [tilespmem:s21+$0xD00]  }
0x2ff: {  	v58 =	vld [tilespmem:s21+$0x6D00];
	_ =	sdelay $0x4  }
0x300: {  	v3 =	vadd.f32 v58, v3;
	_ =	sdelay $0x1  }
0x301: {  	s22 =	sor.u32 $0x4430, s20;
	[tilespmem:s21+$0xCD00] =	vst v3  }
0x302: {  	v3 =	vld [tilespmem:s22+$0xD00]  }
0x303: {  	v59 =	vld [tilespmem:s22+$0x6D00];
	_ =	sdelay $0x4  }
0x304: {  	v3 =	vadd.f32 v59, v3;
	_ =	sdelay $0x1  }
0x305: {  	s23 =	sor.u32 $0x4440, s20;
	[tilespmem:s22+$0xCD00] =	vst v3  }
0x306: {  	v3 =	vld [tilespmem:s23+$0xD00]  }
0x307: {  	v60 =	vld [tilespmem:s23+$0x6D00];
	_ =	sdelay $0x4  }
0x308: {  	v3 =	vadd.f32 v60, v3;
	_ =	sdelay $0x1  }
0x309: {  	s18 =	sor.u32 $0x4450, s20;
	[tilespmem:s23+$0xCD00] =	vst v3  }
0x30a: {  	v3 =	vld [tilespmem:s18+$0xD00]  }
0x30b: {  	v61 =	vld [tilespmem:s18+$0x6D00];
	_ =	sdelay $0x4  }
0x30c: {  	v3 =	vadd.f32 v61, v3;
	_ =	sdelay $0x1  }
0x30d: {  	s19 =	sor.u32 $0x4460, s20;
	[tilespmem:s18+$0xCD00] =	vst v3  }
0x30e: {  	v3 =	vld [tilespmem:s19+$0xD00]  }
0x30f: {  	v62 =	vld [tilespmem:s19+$0x6D00];
	_ =	sdelay $0x4  }
0x310: {  	v3 =	vadd.f32 v62, v3;
	_ =	sdelay $0x1  }
0x311: {  	s21 =	sor.u32 $0x4470, s20;
	[tilespmem:s19+$0xCD00] =	vst v3  }
0x312: {  	v3 =	vld [tilespmem:s21+$0xD00]  }
0x313: {  	v63 =	vld [tilespmem:s21+$0x6D00];
	_ =	sdelay $0x4  }
0x314: {  	v3 =	vadd.f32 v63, v3;
	_ =	sdelay $0x1  }
0x315: {  	[tilespmem:s21+$0xCD00] =	vst v3  }
0x316: {  	v3 =	vld @!p0 [tilespmem:s17+$0x30];
	_ =	sdelay $0x4  }
0x317: {  	v4 =	vshrl.u32 @!p0 v3, $0x3  }
0x318: {  	v4 =	vmul.u32 @!p0 $0x30, v4  }
0x319: {  	v5 =	vlaneseq.u32 @!p0;
	v3 =	vand.u32 @!p0 $0x7, v3  }
0x31a: {  	v6 =	vshrl.u32 @!p0 v5, $0x3;
	v3 =	vor.u32 @!p0 v3, v4;
	v4 =	vand.u32 @!p0 $0x7, v5  }
0x31b: {  	v6 =	vmul.u32 @!p0 $0x8, v6;
	v7 =	vperm.xlane @!p0 v3, v4;
	_ =	sdelay $0x1  }
0x31c: {  	v7 =	vadd.s32 @!p0 v6, v7  }
0x31d: {  	v8 =	vld @!p0 [tilespmem:s17+$0x6B0];
	_ =	sdelay $0x1  }
0x31e: {  	v5 =	vor.u32 @!p0 $0x8, v5  }
0x31f: {  	s7 =	simm.s32 @!p0 $0x0;
	s18 =	simm.s32 @!p0 $0x3D00;
	v3 =	vperm.xlane @!p0 v3, v5  }
0x320: {  	[tilespmem:s18], [sflag:$0x2] =	stream.indirect_vreg.gather @!p0 [hbm4b:s1+s7], $0x80, v7, vm1, $0xb8;
	[tilespmem:$0x12D00] =	vst v63  }
0x321: {  	v9 =	vshrl.u32 @!p0 v8, $0x3;
	v3 =	vadd.s32 @!p0 v6, v3;
	s18 =	simm.s32 @!p0 $0x4500  }
0x322: {  	v9 =	vmul.u32 @!p0 $0x30, v9;
	[tilespmem:s18], [sflag:$0x2] =	stream.indirect_vreg.gather @!p0 [hbm4b:s9+s7], $0x80, v7, vm1, $0xb8;
	[tilespmem:$0x12D00] =	vst v63  }
0x323: {  	v8 =	vand.u32 @!p0 $0x7, v8;
	s18 =	simm.s32 @!p0 $0x4D00  }
0x324: {  	[tilespmem:s18], [sflag:$0x2] =	stream.indirect_vreg.gather @!p0 [hbm4b:s10+s7], $0x80, v7, vm1, $0xb8;
	v7 =	vor.u32 @!p0 v8, v9;
	[tilespmem:$0x12D00] =	vst v63  }
0x325: {  	s18 =	simm.s32 @!p0 $0x5500;
	v4 =	vperm.xlane @!p0 v7, v4  }
0x326: {  	[tilespmem:s18], [sflag:$0x2] =	stream.indirect_vreg.gather @!p0 [hbm4b:s1+s7], $0x80, v3, vm1, $0xb8;
	[tilespmem:$0x12D00] =	vst v63  }
0x327: {  	s18 =	simm.s32 @!p0 $0x5D00;
	v4 =	vadd.s32 @!p0 v6, v4  }
0x328: {  	[tilespmem:s18], [sflag:$0x2] =	stream.indirect_vreg.gather @!p0 [hbm4b:s9+s7], $0x80, v3, vm1, $0xb8;
	[tilespmem:$0x12D00] =	vst v63  }
0x329: {  	s18 =	simm.s32 @!p0 $0x6500  }
0x32a: {  	[tilespmem:s18], [sflag:$0x2] =	stream.indirect_vreg.gather @!p0 [hbm4b:s10+s7], $0x80, v3, vm1, $0xb8;
	[tilespmem:$0x12D00] =	vst v63  }
0x32b: {  	s18 =	simm.s32 @!p0 $0x9D00;
	v3 =	vperm.xlane @!p0 v7, v5  }
0x32c: {  	[tilespmem:s18], [sflag:$0x4] =	stream.indirect_vreg.gather @!p0 [hbm4b:s2+s7], $0x80, v4, vm1, $0xb8;
	[tilespmem:$0x12D00] =	vst v63  }
0x32d: {  	s18 =	simm.s32 @!p0 $0xA500;
	v3 =	vadd.s32 @!p0 v6, v3  }
0x32e: {  	[tilespmem:s18], [sflag:$0x4] =	stream.indirect_vreg.gather @!p0 [hbm4b:s11+s7], $0x80, v4, vm1, $0xb8;
	[tilespmem:$0x12D00] =	vst v63  }
0x32f: {  	s18 =	simm.s32 @!p0 $0xAD00  }
0x330: {  	[tilespmem:s18], [sflag:$0x4] =	stream.indirect_vreg.gather @!p0 [hbm4b:s12+s7], $0x80, v4, vm1, $0xb8;
	[tilespmem:$0x12D00] =	vst v63  }
0x331: {  	s18 =	simm.s32 @!p0 $0xB500  }
0x332: {  	[tilespmem:s18], [sflag:$0x4] =	stream.indirect_vreg.gather @!p0 [hbm4b:s2+s7], $0x80, v3, vm1, $0xb8;
	[tilespmem:$0x12D00] =	vst v63  }
0x333: {  	s18 =	simm.s32 @!p0 $0xBD00  }
0x334: {  	[tilespmem:s18], [sflag:$0x4] =	stream.indirect_vreg.gather @!p0 [hbm4b:s11+s7], $0x80, v3, vm1, $0xb8;
	[tilespmem:$0x12D00] =	vst v63  }
0x335: {  	s16 =	sadd.s32 $0x1, s16;
	s18 =	simm.s32 @!p0 $0xC500  }
0x336: {  	[tilespmem:s18], [sflag:$0x4] =	stream.indirect_vreg.gather @!p0 [hbm4b:s12+s7], $0x80, v3, vm1, $0xb8;
	[tilespmem:$0x12D00] =	vst v63  }
0x337: {  	s22 =	sadd.s32 s17, s13;
	p0 =	sne.s32 s16, $0x32  }
.Ltmp2:
0x338: {  	s17 =	sshrl.u32 s22, $0x3;
	(pc) =	sbr.rel @p0 .LBB2_2-.Ltmp2, $3  }
0x339: {  	s17 =	smul.u32 $0x300, s17;
	_ =	sdelay $0x1  }
0x33a: {  	s23 =	sadd.s32 s4, s17  }
0x33b: {  	[hbm4b:s23+s5] =	stream.linear.scatter [tilespmem:s30], [sflag:$0x6], $0x3000, $0x38;
	[tilespmem:$0x12D00] =	vst v63  }
0x33c: {  	s0 =	sadd.s32 $0x1, s0  }
0x33d: {  	_ =	swait.ge [sflag:s31], $0x3000;
	p0 =	sne.s32 s0, s14  }
.Ltmp3:
0x33e: {  	[sflag:s31] =	ssyncset.done $0x0;
	(pc) =	sbr.rel @p0 .LBB2_1-.Ltmp3, $4  }
0x33f: {  	[sflag:s31] =	ssyncadd.s32 $0xFFFFD000  }
0x340: {  	_ =	swait.ge [sflag:s3], $0x3000  }
0x341: {  	[sflag:s3] =	ssyncset.done $0x0  }
0x342: {  	[sflag:s3] =	ssyncadd.s32 $0xFFFFD000  }
0x343: {  	_ =	sfence.sel $0x180000  }
0x344: {  	[bflag:$0x0] =	sbarrier.arrive $0xFFFF  }
0x345: {  	_ =	strace $0x90000047  }
0x346: {  	s0 =	stileid.u32;
	[bflag:$0x2] =	sbarrier.arrive $0xFFFF  }
0x347: {  	p0 =	sne.s32 s0, $0x0;
	s0 =	rddreg [dreg:$0x5]  }
0x348: {  	s0 =	sadd.s32 @!p0 $0x100000, s0  }
0x349: {  	[sflag:s0] =	ssyncadd.tile.s32 @!p0 $0x1;
	_ =	shalt  }
.Lfunc_end2:
_tile_overlayer_lowered:
.L_overlay_start_2:
0x34a: {  	(tag) =	ssettag $0x2  }
0x34b: {  	s0 =	rddreg [dreg:$0x0];
	s2 =	stileid.u32  }
0x34c: {  	s1 =	rddreg [dreg:$0x1];
	p0 =	sne.s32 s2, $0x0  }
0x34d: {  	s3 =	rddreg [dreg:$0x2];
	[bflag:$0x3] =	sbarrier.arrive $0xFFFF;
	s2 =	simm.s32 @!p0 $0x1C07  }
0x34e: {  	[timem:s3], [sflag:s2] =	dma.local @!p0 [hbm:s0], s1  }
0x34f: {  	s0 =	simm.s32 @!p0 $0x7  }
0x350: {  	_ =	swait.ge @!p0 [sflag:s0], s1  }
0x351: {  	s1 =	ssub.s32 @!p0 $0x0, s1;
	[sflag:s0] =	ssyncset.done @!p0 $0x0  }
0x352: {  	[sflag:s0] =	ssyncadd.s32 @!p0 s1  }
0x353: {  	[bflag:$0x3] =	sbarrier.arrive $0xFFFF  }
0x354: {  	_ =	shalt  }

// kernel: sparse-core-data-format-call.cloned.1.call-start
scs
called_computation_lowered:
.L_overlay_start_0:
0x0: {  	s2 =	sld [smem:$0x3FD9]  }
0x1: {  	s3 =	sld [smem:$0x3FFE];
	_ =	sdelay $0x1  }
0x2: {  	s1 =	srdreg.scid  }
0x3: {  	s0 =	sand.u32 $0x1, s1  }
0x4: {  	s15 =	sshll.u32 s0, $0xA;
	s2 =	sadd.s32 s3, s2  }
0x5: {  	s2 =	sadd.s32 s2, s15  }
0x6: {  	[smem:$0x3FC0] =	sst s2  }
0x7: {  	_ = 	snop  }
0x8: {  	s2 =	sld [smem:$0x3FD0];
	_ =	sdelay $0x2  }
0x9: {  	s16 =	simm.s32 $0xA;
	s4 =	simm.s32 $0x10  }
0xa: {  	[smem:s4], [sflag:s16] =	dma.local [hbm:s2], $0x1  }
0xb: {  	_ =	swait.eq [sflag:s16], $0x1  }
0xc: {  	[sflag:s16] =	ssyncset.done $0x0  }
0xd: {  	[sflag:s16] =	ssyncadd.s32 $0xFFFFFFFF  }
0xe: {  	s17 =	sld [smem:$0x10];
	(tm) =	ssettm $0x1  }
0xf: {  	s18 =	sld [smem:$0x3FFB];
	_ =	sdelay $0x3  }
0x10: {  	_ =	strace s18  }
0x11: {  	s3 =	sld [smem:$0x3FFC];
	_ =	sdelay $0x3  }
0x12: {  	_ =	strace s3  }
0x13: {  	s3 =	sld [smem:$0x3FFD];
	_ =	sdelay $0x3  }
0x14: {  	_ =	strace s3  }
0x15: {  	_ =	strace $0x8FFFFFFF  }
0x16: {  	s19 =	sld [smem:$0x3FDB];
	_ =	sdelay $0x1  }
0x17: {  	s20 =	simm.s32 $_scs_section_size  }
0x18: {  	s5 =	simm.s32 $_size__tile_overlayer_lowered;
	s6 =	simm.s32 $_tile_overlayer_lowered  }
0x19: {  	s23 =	simm.s32 $0x1BFF;
	s22 =	sshll.u32 s6, $0x1;
	s3 =	sadd.s32 s20, s19  }
0x1a: {  	s7 =	simm.s32 $0x0;
	s21 =	sshll.u32 s5, $0x1;
	s5 =	sadd.s32 s22, s3  }
0x1b: {  	[timem:s7], [sflag:s23] =	dma.local [hbm:s5], s21  }
0x1c: {  	_ =	swait.ge [sflag:s23], s21  }
0x1d: {  	s4 =	ssub.s32 $0x0, s21;
	[sflag:s23] =	ssyncset.done $0x0  }
0x1e: {  	[sflag:s23] =	ssyncadd.s32 s4;
	_ =	sdelay $0x1  }
0x1f: {  	s24 =	simm.s32 $0x1B8B  }
0x20: {  	_ =	swait.ge [sflag:s24], $0x1  }
0x21: {  	[sflag:s24] =	ssyncset.done $0x0  }
0x22: {  	s26 =	simm.s32 $0x1B8E;
	s25 =	sld [smem:$0x3FFE];
	[sflag:s24] =	ssyncadd.s32 $0xFFFFFFFF  }
0x23: {  	s27 =	simm.s32 $execute0_lowered;
	[smem:$0x3FD2] =	sst s26  }
0x24: {  	s5 =	sshll.u32 s27, $0x1;
	_ =	strace $0x80000049;
	[dreg:$0x1] =	wrdreg $0xFFFFFFFF  }
0x25: {  	s28 =	simm.s32 $_size_execute0_lowered;
	s3 =	sadd.s32 s3, s5;
	[dreg:$0x0] =	wrdreg $0x0  }
0x26: {  	s5 =	sshll.u32 s28, $0x1;
	[dreg:$0x2] =	wrdreg s3  }
0x27: {  	[dreg:$0x3] =	wrdreg s5  }
0x28: {  	[dreg:$0x4] =	wrdreg $0xC0  }
0x29: {  	_ =	task [dreg:s7], $0x5FFFF  }
0x2a: {  	[dreg:$0x1] =	wrdreg $0xFFFFFFFF  }
0x2b: {  	[dreg:$0x0] =	wrdreg $0x60  }
0x2c: {  	[dreg:$0x2] =	wrdreg s25  }
0x2d: {  	[dreg:$0x3] =	wrdreg s17  }
0x2e: {  	[dreg:$0x4] =	wrdreg $0x9  }
0x2f: {  	_ =	task.clear_ibuf [dreg:s7], $0x5FFFF;
	_ =	strace $0x90000049  }
0x30: {  	s29 =	simm.s32 $0x9;
	_ =	strace $0x8000004B  }
0x31: {  	_ =	swait.ge [sflag:s29], $0x1  }
0x32: {  	[sflag:s29] =	ssyncadd.s32 $0xFFFFFFFF  }
0x33: {  	_ =	strace $0x9000004B  }
0x34: {  	_ =	sfence  }
0x35: {  	s30 =	sld [smem:$0x0];
	_ =	sdelay $0x2  }
0x36: {  	s31 =	sshll.u32 s1, $0xD;
	s1 =	sshrl.u32 s1, $0x2  }
0x37: {  	s3 =	sand.u32 $0x4000, s31;
	s1 =	sadd.s32 s1, s30  }
0x38: {  	s0 =	sor.u32 s3, s0;
	s1 =	sshll.u32 s1, $0x11  }
0x39: {  	s0 =	sor.u32 s1, s0  }
0x3a: {  	s0 =	sadd.s32 $0x8F2B, s0  }
0x3b: {  	[sflag:s0] =	ssyncadd.remote.s32 $0x1  }
0x3c: {  	_ =	sfence.sel $0xFFFF  }
0x3d: {  	[dreg:$0x0] =	wrdreg $0xFFFFFFFF;
	(pc) =	sbr.abs _section_cstart, $3  }
0x3e: {  	[dreg:$0x1] =	wrdreg $0xFFFFFFFF  }
0x3f: {  	_ =	task.clear_ibuf [dreg:s7], $0x2FFFF;
	_ =	strace $0x9FFFFFFF  }
0x40: {  	(tm) =	ssettm $0x7FFFFFFF  }
0x41: {  	_ =	shalt  }
tec
execute0_lowered:
.L_overlay_start_1:
0x0: {  	(tag) =	ssettag $0x1  }
0x1: {  	s0 =	stileid.u32  }
0x2: {  	s1 =	srdreg.scid;
	s2 =	sshll.u32 s0, $0x7  }
0x3: {  	s7 =	rddreg [dreg:$0x0];
	s3 =	sshll.u32 s1, $0x4;
	s1 =	sand.u32 $0x380, s2  }
0x4: {  	s8 =	simm.s32 $0x2;
	s30 =	sand.u32 $0x10, s3;
	s31 =	ssub.s32 $0x400, s1  }
0x5: {  	s16 =	simm.s32 $0x0;
	s2 =	sor.u32 s0, s30;
	s4 =	sand.u32 $0x380, s31  }
0x6: {  	s2 =	sshrl.u32 s2, $0x3;
	p0 =	sne.s32 s4, $0x0;
	s4 =	simm.s32 $0x1  }
0x7: {  	s3 =	sshrl.u32 s31, $0xA;
	s5 =	ssub.s32 $0x35, s2;
	s4 =	simm.s32 @!p0 $0x0  }
0x8: {  	s9 =	simm.s32 $0x1800;
	s5 =	sshrl.u32 s5, $0x2;
	s3 =	sadd.s32 s4, s3  }
0x9: {  	s10 =	simm.s32 $0x0;
	s15 =	simm.s32 $0x0;
	s6 =	smul.u32 s3, s5  }
.Ltmp0:
0xa: {  	s17 =	simm.s32 $0x0;
	s4 =	rddreg [dreg:$0x1];
	(pc) =	sbr.rel .LBB1_1-.Ltmp0, $4  }
0xb: {  	s11 =	simm.s32 $0x0;
	s14 =	simm.s32 $0x0;
	s3 =	rddreg [dreg:$0x2]  }
0xc: {  	_ =	strace $0x8000004A;
	s5 =	simm.s32 $0x1;
	s6 =	smul.u32 $0x6, s6  }
0xd: {  	s7 =	sadd.s32 $0x1000, s7;
	s13 =	smov.u32 s1;
	[sflag:s5] =	ssyncpa.u1 $0x0  }
0xe: {  	s12 =	smov.u32 s2;
	[sflag:s8] =	ssyncpa.u1 $0x0;
	s8 =	sor.u32 $0x1, s6  }
.LBB1_4:
0xf: {  	_ =	sdelay $0x2  }
0x10: {  	s21 =	sshrl.u32 s17, $0x3  }
0x11: {  	[tilespmem:v0+s20+$0xFFFFFFD0 ss:$0x1] =	vst.idx.msk $0xffff, v7;
	s22 =	sshll.u32 s16, $0x3;
	s21 =	smul.u32 $0x1800, s21  }
0x12: {  	v56 =	vld.idx.msk [tilespmem:v1+s19+$0x0 ss:$0x1], $0xffff;
	[tilespmem:v0+s20+$0xFFFFFFE0 ss:$0x1] =	vst.idx.msk $0xffff, v5;
	s27 =	sshll.u32 s17, $0x7;
	s22 =	sand.u32 $0xFFFFFC00, s22  }
0x13: {  	v57 =	vld.idx.msk [tilespmem:v1+s19+$0xFFFFFF90 ss:$0x1], $0xffff;
	[tilespmem:v0+s20+$0xFFFFFFF0 ss:$0x1] =	vst.idx.msk $0xffff, v4;
	s17 =	sand.u32 $0x380, s27;
	s21 =	sadd.s32 s21, s22  }
0x14: {  	v58 =	vld.idx.msk [tilespmem:v1+s19+$0xFFFFFFA0 ss:$0x1], $0xffff;
	[tilespmem:v0+s20+$0x0 ss:$0x1] =	vst.idx.msk $0xffff, v2;
	s28 =	sand.u32 $0x7F, s16;
	s17 =	sor.u32 s17, s21  }
0x15: {  	v59 =	vld.idx.msk [tilespmem:v1+s19+$0xFFFFFFB0 ss:$0x1], $0xffff;
	[tilespmem:v0+s20+$0x10 ss:$0x1] =	vst.idx.msk $0xffff, v3;
	s16 =	sor.u32 s28, s17  }
0x16: {  	v60 =	vld.idx.msk [tilespmem:v1+s19+$0xFFFFFFC0 ss:$0x1], $0xffff;
	[tilespmem:v0+s20+$0x20 ss:$0x1] =	vst.idx.msk $0xffff, v6;
	s29 =	smulhi.u32 $0xAAAAAAAB, s16  }
0x17: {  	v61 =	vld.idx.msk [tilespmem:v1+s19+$0xFFFFFFD0 ss:$0x1], $0xffff;
	[tilespmem:v0+s19+$0x30 ss:$0x1] =	vst.idx.msk $0xffff, v56;
	s17 =	smulhi.u32 $0xAAAAAAAB, s17  }
0x18: {  	v62 =	vld.idx.msk [tilespmem:v1+s19+$0xFFFFFFE0 ss:$0x1], $0xffff;
	[tilespmem:v0+s19+$0xFFFFFFC0 ss:$0x1] =	vst.idx.msk $0xffff, v57;
	s20 =	sshrl.u32 s29, $0x9  }
0x19: {  	v63 =	vld.idx.msk [tilespmem:v1+s19+$0xFFFFFFF0 ss:$0x1], $0xffff;
	[tilespmem:v0+s19+$0xFFFFFFD0 ss:$0x1] =	vst.idx.msk $0xffff, v58;
	s17 =	sshrl.u32 s17, $0x9;
	s20 =	smul.u32 $0x300, s20  }
0x1a: {  	s15 =	smul.u32 $0x18000, s15;
	[tilespmem:v0+s19+$0xFFFFFFE0 ss:$0x1] =	vst.idx.msk $0xffff, v59;
	s17 =	sand.u32 $0x3FF, s17  }
0x1b: {  	[tilespmem:v0+s19+$0xFFFFFFF0 ss:$0x1] =	vst.idx.msk $0xffff, v60;
	s17 =	smul.u32 $0x60, s17;
	s16 =	ssub.s32 s16, s20  }
0x1c: {  	s15 =	sadd.s32 s4, s15;
	[tilespmem:v0+s19+$0x0 ss:$0x1] =	vst.idx.msk $0xffff, v61;
	s20 =	sand.u32 $0x7, s16  }
0x1d: {  	[tilespmem:v0+s19+$0x10 ss:$0x1] =	vst.idx.msk $0xffff, v62;
	s15 =	sadd.s32 s17, s15;
	s16 =	sshrl.u32 s16, $0x3;
	s30 =	sshll.u32 s20, $0x12  }
0x1e: {  	[tilespmem:v0+s19+$0x20 ss:$0x1] =	vst.idx.msk $0xffff, v63;
	s15 =	sadd.s32 s16, s15;
	s31 =	sor.u32 $0x400, s30  }
0x1f: {  	[hbm4b:s15+s31] =	stream.strided.scatter [tilespmem:s18], [sflag:$0x2], $0x4000, s9, s31, $0x38;
	[tilespmem:$0x10000] =	vst v63  }
.LBB1_5:
0x20: {  	s18 =	sadd.s32 $0x80, s11  }
0x21: {  	s15 =	sadd.s32 $0x4, s12;
	s19 =	smov.u32 s12;
	p1 =	sgt.s32 s18, $0x2FF  }
0x22: {  	s19 =	smov.u32 @p1 s15  }
0x23: {  	s21 =	smov.u32 s13;
	s15 =	sadd.s32 $0x400, s13;
	p2 =	sgt.s32 s19, $0x31  }
0x24: {  	s21 =	smov.u32 @p2 s15  }
0x25: {  	s18 =	simm.s32 @p1 $0x0;
	p1 =	sgt.s32 s21, $0x3FF  }
0x26: {  	p0 =	slt.u32 s14, $0x2;
	s21 =	smov.u32 @p1 s1;
	p1 =	sne.s32 s14, s8  }
.Ltmp1:
0x27: {  	s20 =	simm.s32 @!p0 $0x2;
	(pc) =	sbr.rel @!p1 .LBB1_6-.Ltmp1, $4  }
0x28: {  	s16 =	smov.u32 s11;
	s17 =	smov.u32 s13;
	_ =	swait.ge @!p0 [sflag:s20], $0x4000  }
0x29: {  	s10 =	sadd.s32 $0x4000, s10;
	[sflag:s20] =	ssyncset.done @!p0 $0x0;
	s11 =	smov.u32 s18  }
0x2a: {  	s19 =	smov.u32 @p2 s2;
	s15 =	smov.u32 s12;
	[sflag:s20] =	ssyncadd.s32 @!p0 $0xFFFFC000  }
0x2b: {  	s12 =	smov.u32 s19;
	s14 =	sadd.s32 $0x1, s14;
	s13 =	smov.u32 s21  }
.LBB1_1:
0x2c: {  	p0 =	sge.u32 s14, s6  }
0x2d: {  	s18 =	sshrl.u32 @!p0 s12, $0x3  }
0x2e: {  	s19 =	sshll.u32 @!p0 s11, $0x3;
	s18 =	smul.u32 @!p0 $0x1800, s18  }
0x2f: {  	s20 =	sshll.u32 @!p0 s12, $0x7;
	s19 =	sand.u32 @!p0 $0xFFFFFC00, s19  }
0x30: {  	s18 =	sadd.s32 @!p0 s18, s19;
	s19 =	sand.u32 @!p0 $0x380, s20  }
0x31: {  	s18 =	sor.u32 @!p0 s19, s18  }
0x32: {  	s19 =	sand.u32 @!p0 $0x7F, s11;
	s20 =	smulhi.u32 @!p0 $0xAAAAAAAB, s18  }
0x33: {  	s18 =	sor.u32 @!p0 s19, s18  }
0x34: {  	s19 =	smulhi.u32 @!p0 $0xAAAAAAAB, s18;
	s20 =	sshrl.u32 @!p0 s20, $0x9  }
0x35: {  	s21 =	smulhi.u32 @!p0 $0x4924925, s20;
	_ =	sdelay $0x1  }
0x36: {  	s19 =	sshrl.u32 @!p0 s19, $0x9;
	s21 =	smul.u32 @!p0 $0x38, s21  }
0x37: {  	s31 =	sadd.s32 $0xFFFFFFFF, s14;
	s19 =	smul.u32 @!p0 $0x300, s19  }
0x38: {  	s22 =	sxor.u32 @!p0 $0xFFFFFFFF, s14;
	s20 =	ssub.s32 @!p0 s20, s21;
	s21 =	smul.u32 @!p0 $0x1500, s13  }
0x39: {  	s22 =	sshll.u32 @!p0 s22, $0xE;
	s18 =	ssub.s32 @!p0 s18, s19;
	s19 =	smul.u32 @!p0 $0x60, s20  }
0x3a: {  	s20 =	sand.u32 @!p0 $0x4000, s22;
	s22 =	sand.u32 @!p0 $0x7, s18;
	s21 =	sadd.s32 @!p0 s7, s21  }
0x3b: {  	s18 =	sshrl.u32 @!p0 s18, $0x3;
	s19 =	sadd.s32 @!p0 s19, s21;
	s21 =	sshll.u32 @!p0 s22, $0x12  }
0x3c: {  	s18 =	sadd.s32 @!p0 s18, s19;
	s19 =	sor.u32 @!p0 $0x80, s21;
	s21 =	simm.s32 @!p0 $0xA800  }
0x3d: {  	[tilespmem:s20], [sflag:$0x1] =	stream.strided.gather @!p0 [hbm4b:s18+s19], $0x4000, s21, s19, $0x38;
	[tilespmem:$0x10000] =	vst v63  }
0x3e: {  	p0 =	sge.u32 s31, s6  }
.Ltmp2:
0x3f: {  	_ = 	snop;
	(pc) =	sbr.rel @p0 .LBB1_5-.Ltmp2, $1  }
0x40: {  	_ =	sdelay $0x3  }
0x41: {  	s18 =	sand.u32 $0x4000, s10  }
0x42: {  	s19 =	sor.u32 $0x70, s18  }
0x43: {  	v1 =	vmov s19;
	_ =	sdelay $0x1  }
0x44: {  	_ =	swait.ge [sflag:s5], $0x4000  }
0x45: {  	[sflag:s5] =	ssyncset.done $0x0  }
0x46: {  	s20 =	simm.s32 $0x0;
	[sflag:s5] =	ssyncadd.s32 $0xFFFFC000  }
0x47: {  	s18 =	sor.u32 $0x8040, s18;
	v6 =	vld.idx.msk [tilespmem:v1+s20+$0x0 ss:$0x1], $0xffff  }
0x48: {  	v0 =	vmov s18;
	v8 =	vld.idx.msk [tilespmem:v1+s20+$0xFFFFFF90 ss:$0x1], $0xffff  }
0x49: {  	v7 =	vld.idx.msk [tilespmem:v1+s20+$0xFFFFFFA0 ss:$0x1], $0xffff  }
0x4a: {  	v5 =	vld.idx.msk [tilespmem:v1+s20+$0xFFFFFFB0 ss:$0x1], $0xffff  }
0x4b: {  	v4 =	vld.idx.msk [tilespmem:v1+s20+$0xFFFFFFC0 ss:$0x1], $0xffff  }
0x4c: {  	s31 =	sshll.u32 s14, $0xE;
	v2 =	vld.idx.msk [tilespmem:v1+s20+$0xFFFFFFD0 ss:$0x1], $0xffff  }
0x4d: {  	s18 =	sand.u32 $0x4000, s31;
	v3 =	vld.idx.msk [tilespmem:v1+s20+$0xFFFFFFE0 ss:$0x1], $0xffff;
	[tilespmem:v0+s20+$0x30 ss:$0x1] =	vst.idx.msk $0xffff, v6  }
0x4e: {  	s21 =	simm.s32 $0x400;
	s19 =	simm.s32 $0x80;
	s18 =	sor.u32 $0x8000, s18;
	[tilespmem:v0+s20+$0xFFFFFFC0 ss:$0x1] =	vst.idx.msk $0xffff, v8;
	v6 =	vld.idx.msk [tilespmem:v1+s20+$0xFFFFFFF0 ss:$0x1], $0xffff  }
.LBB1_3:
0x4f: {  	p0 =	sne.s32 s21, $0xFE00;
	v8 =	vld.idx.msk [tilespmem:v1+s19+$0x0 ss:$0x1], $0xffff;
	[tilespmem:v0+s20+$0xFFFFFFD0 ss:$0x1] =	vst.idx.msk $0xffff, v7  }
0x50: {  	v9 =	vld.idx.msk [tilespmem:v1+s19+$0xFFFFFF90 ss:$0x1], $0xffff;
	[tilespmem:v0+s20+$0xFFFFFFE0 ss:$0x1] =	vst.idx.msk $0xffff, v5  }
0x51: {  	v7 =	vld.idx.msk [tilespmem:v1+s19+$0xFFFFFFA0 ss:$0x1], $0xffff;
	[tilespmem:v0+s20+$0xFFFFFFF0 ss:$0x1] =	vst.idx.msk $0xffff, v4  }
.Ltmp3:
0x52: {  	v5 =	vld.idx.msk [tilespmem:v1+s19+$0xFFFFFFB0 ss:$0x1], $0xffff;
	[tilespmem:v0+s20+$0x0 ss:$0x1] =	vst.idx.msk $0xffff, v2;
	(pc) =	sbr.rel @p0 .LBB1_3-.Ltmp3, $4  }
0x53: {  	v4 =	vld.idx.msk [tilespmem:v1+s19+$0xFFFFFFC0 ss:$0x1], $0xffff;
	[tilespmem:v0+s20+$0x10 ss:$0x1] =	vst.idx.msk $0xffff, v3  }
0x54: {  	v2 =	vld.idx.msk [tilespmem:v1+s19+$0xFFFFFFD0 ss:$0x1], $0xffff;
	[tilespmem:v0+s20+$0x20 ss:$0x1] =	vst.idx.msk $0xffff, v6;
	s20 =	smov.u32 s19  }
0x55: {  	v3 =	vld.idx.msk [tilespmem:v1+s20+$0xFFFFFFE0 ss:$0x1], $0xffff;
	[tilespmem:v0+s20+$0x30 ss:$0x1] =	vst.idx.msk $0xffff, v8  }
0x56: {  	s19 =	sshra.s32 s21, $0x2;
	s21 =	sadd.s32 $0x200, s21;
	[tilespmem:v0+s20+$0xFFFFFFC0 ss:$0x1] =	vst.idx.msk $0xffff, v9;
	v6 =	vld.idx.msk [tilespmem:v1+s20+$0xFFFFFFF0 ss:$0x1], $0xffff  }
.Ltmp4:
0x57: {  	_ = 	snop;
	(pc) =	sbr.rel .LBB1_4-.Ltmp4, $1  }
0x58: {  	_ =	sdelay $0x3  }
.LBB1_6:
0x59: {  	_ =	sfence.sel $0x180000  }
0x5a: {  	s1 =	simm.s32 $0x1;
	[bflag:$0x0] =	sbarrier.arrive $0xFFFF  }
0x5b: {  	s31 =	simm.s32 $0x2;
	[sflag:s1] =	ssyncpa.u1 $0x1  }
0x5c: {  	[sflag:s31] =	ssyncpa.u1 $0x1  }
0x5d: {  	p0 =	sne.s32 s0, $0x0;
	_ =	strace $0x9000004A  }
0x5e: {  	s0 =	sadd.s32 @!p0 $0x100000, s3;
	[bflag:$0x2] =	sbarrier.arrive $0xFFFF  }
0x5f: {  	[sflag:s0] =	ssyncadd.tile.s32 @!p0 $0x1;
	_ =	shalt  }
.Lfunc_end1:
_tile_overlayer_lowered:
.L_overlay_start_2:
0x60: {  	(tag) =	ssettag $0x2  }
0x61: {  	s0 =	rddreg [dreg:$0x0];
	s2 =	stileid.u32  }
0x62: {  	s1 =	rddreg [dreg:$0x1];
	p0 =	sne.s32 s2, $0x0  }
0x63: {  	s3 =	rddreg [dreg:$0x2];
	[bflag:$0x3] =	sbarrier.arrive $0xFFFF;
	s2 =	simm.s32 @!p0 $0x1C01  }
0x64: {  	[timem:s3], [sflag:s2] =	dma.local @!p0 [hbm:s0], s1  }
0x65: {  	s0 =	simm.s32 @!p0 $0x1  }
0x66: {  	_ =	swait.ge @!p0 [sflag:s0], s1  }
0x67: {  	s1 =	ssub.s32 @!p0 $0x0, s1;
	[sflag:s0] =	ssyncset.done @!p0 $0x0  }
0x68: {  	[sflag:s0] =	ssyncadd.s32 @!p0 s1  }
0x69: {  	[bflag:$0x3] =	sbarrier.arrive $0xFFFF  }
0x6a: {  	_ =	shalt  }

</sc_bundles>
